<compile_context>
chip_gen: v7x
topology: tpu7x:2x2x1
jax: 0.10.2.dev20260603
libtpu: 0.0.44.dev20260713+nightly
codegen_flags: <defaults>
</compile_context>

<pallas_src>
import jax
import jax.numpy as jnp
from jax import lax
from jax.experimental import pallas as pl
from jax.experimental.pallas import tpu as pltpu
from jax.experimental.pallas import tpu_sc as plsc

_NC = 2
_NS = 16
_LANES = 16
_CH = 80
_NBUF = 3


def _spmm_body(src_hbm, dst_hbm, val_hbm, xr_hbm, zero_hbm, out_hbm,
               src_t, dst_t, val_t, rows, zsh, gsem, ssem):
    nchunk, ch = dst_t.shape
    ept = nchunk * ch
    dh = xr_hbm.shape[1]
    npad = out_hbm.shape[1]
    rpt = npad // _NS

    c = lax.axis_index("c")
    s = lax.axis_index("s")

    pltpu.sync_copy(src_hbm.at[pl.ds(s * ept, ept)],
                    src_t.at[pl.ds(0, ept)])
    pltpu.sync_copy(dst_hbm.at[s], dst_t)
    pltpu.sync_copy(val_hbm.at[pl.ds(s * ept, ept)],
                    val_t.at[pl.ds(0, ept)])
    pltpu.sync_copy(zero_hbm, zsh.at[pl.ds(s * rpt, rpt)])

    cvec = lax.broadcast(c, (_LANES,))

    def xform(m, carry):
        sl = pl.ds(m * _LANES, _LANES)
        v = src_t[sl]
        src_t[sl] = v + v + cvec
        return carry

    lax.fori_loop(0, ept // _LANES, xform, 0, unroll=4)
    plsc.subcore_barrier()

    def issue_gather(i, b):
        pltpu.async_copy(xr_hbm.at[src_t.at[pl.ds(i * ch, ch)]],
                         rows.at[b], gsem.at[b])

    def wait_gather(i, b):
        pltpu.make_async_copy(xr_hbm.at[src_t.at[pl.ds(i * ch, ch)]],
                              rows.at[b], gsem.at[b]).wait()

    def issue_scatter(i, b):
        pltpu.async_copy(rows.at[b], zsh.at[dst_t.at[i]], ssem.at[b],
                         add=True)

    def wait_scatter(i, b):
        pltpu.make_async_copy(rows.at[b], zsh.at[dst_t.at[i]],
                              ssem.at[b]).wait()

    def scale(i, b):
        rb = rows.at[b]

        def edge(e, carry):
            vv = val_t[pl.ds(i * ch + e, _LANES)]
            ve = lax.broadcast(vv[0], (_LANES,))
            for k in range(dh // _LANES):
                sl = pl.ds(k * _LANES, _LANES)
                rb[e, sl] = rb[e, sl] * ve
            return carry

        lax.fori_loop(0, ch, edge, 0, unroll=2)

    issue_gather(0, 0)
    issue_gather(1, 1)

    nmain = ((nchunk - 2) // _NBUF) * _NBUF

    def triple(j, carry):
        for p in range(_NBUF):
            i = j * _NBUF + p
            wait_gather(i, p)
            scale(i, p)
            if p == 0:
                @pl.when(j > 0)
                def _():
                    wait_scatter(i - 1, (p + 2) % _NBUF)
            else:
                wait_scatter(i - 1, (p + 2) % _NBUF)
            issue_gather(i + 2, (p + 2) % _NBUF)
            issue_scatter(i, p)
        return carry

    lax.fori_loop(0, nmain // _NBUF, triple, 0)

    for i in range(nmain, nchunk):
        b = i % _NBUF
        wait_gather(i, b)
        scale(i, b)
        wait_scatter(i - 1, (i + 2) % _NBUF)
        if i + 2 < nchunk:
            issue_gather(i + 2, (i + 2) % _NBUF)
        issue_scatter(i, b)
    wait_scatter(nchunk - 1, (nchunk - 1) % _NBUF)

    plsc.subcore_barrier()
    pltpu.sync_copy(zsh.at[pl.ds(s * rpt, rpt)],
                    out_hbm.at[c, pl.ds(s * rpt, rpt)])


def _spmm(src, dst3, val, xr, npad):
    n2, dh = xr.shape
    e = val.shape[0]
    nchunk = e // (_NS * _CH)
    ept = nchunk * _CH
    zero = jnp.zeros((npad // _NS, dh), jnp.float32)
    grid_kernel = pl.kernel(
        _spmm_body,
        out_type=jax.ShapeDtypeStruct((_NC, npad, dh), jnp.float32),
        mesh=plsc.VectorSubcoreMesh(core_axis_name="c", subcore_axis_name="s"),
        scratch_types=[
            pltpu.VMEM((ept + _LANES,), jnp.int32),
            pltpu.VMEM((nchunk, _CH), jnp.int32),
            pltpu.VMEM((ept + _LANES,), jnp.float32),
            pltpu.VMEM((_NBUF, _CH, dh), jnp.float32),
            pltpu.MemorySpace.VMEM_SHARED((npad, dh), jnp.float32),
            pltpu.SemaphoreType.DMA((_NBUF,)),
            pltpu.SemaphoreType.DMA((_NBUF,)),
        ],
        compiler_params=pltpu.CompilerParams(use_tc_tiling_on_sc=False),
    )
    return grid_kernel(src, dst3, val, xr, zero)


def _matmul_body(z_ref, w_ref, o_ref):
    dh = z_ref.shape[2]
    lo = jnp.dot(z_ref[0], w_ref[:dh, :], preferred_element_type=jnp.float32)
    hi = jnp.dot(z_ref[1], w_ref[dh:, :], preferred_element_type=jnp.float32)
    o_ref[...] = lo + hi


def _halves_matmul(zp, weight, n):
    _, npad, dh = zp.shape
    dout = weight.shape[1]
    bm = 1000
    return pl.pallas_call(
        _matmul_body,
        grid=(n // bm,),
        in_specs=[
            pl.BlockSpec((2, bm, dh), lambda i: (0, i, 0)),
            pl.BlockSpec((2 * dh, dout), lambda i: (0, 0)),
        ],
        out_specs=pl.BlockSpec((bm, dout), lambda i: (i, 0)),
        out_shape=jax.ShapeDtypeStruct((n, dout), jnp.float32),
    )(zp, weight)


def kernel(x, edge_index, edge_values, weight):
    n, d = x.shape
    e = edge_index.shape[1]
    dh = d // 2
    npad = ((n + _NS * 8 - 1) // (_NS * 8)) * (_NS * 8)
    dst = edge_index[0]
    src = edge_index[1]
    nchunk = e // (_NS * _CH)
    dst3 = dst.reshape(_NS, nchunk, _CH)
    xr = x.reshape(n * 2, dh)
    zp = _spmm(src, dst3, edge_values, xr, npad)
    return _halves_matmul(zp, weight, n)

# --- scband reference (transcript-rebuilt; emitter-appended) ---
"""Pipeline reference for scband-gcnconv-47253230190757 (READ-ONLY COPY).

The authoritative reference and input builder live on the scoring server;
editing this copy changes nothing except your own understanding.
"""

import jax, jax.numpy as jnp
import numpy as np

N = 10000
E = 320000
D_IN = 128
D_OUT = 128

def setup_inputs(seed: int = 0) -> dict:
    key = jax.random.key(seed)
    k1, k2, k3, k4 = jax.random.split(key, 4)
    x = jax.random.normal(k1, (N, D_IN), dtype=jnp.float32)
    edge_index = jax.random.randint(k2, (2, E), 0, N, dtype=jnp.int32)
    edge_values = jax.random.uniform(k3, (E,), dtype=jnp.float32)
    # weight initialized as torch.rand(in_feats, out_feats)
    weight = jax.random.uniform(k4, (D_IN, D_OUT), dtype=jnp.float32)
    return {"x": x, "edge_index": edge_index, "edge_values": edge_values, "weight": weight}

def reference(x, edge_index, edge_values, weight):
    # Single-device equivalent of the distributed GCN forward:
    # z = SpMM(A, inputs) @ W, where A is given in COO form
    # (edge_index[0]=dst row, edge_index[1]=src col, edge_values=A values),
    # matching spmm_gpu(indices[0], indices[1], values, ...) accumulation into z_loc.
    dst = edge_index[0]
    src = edge_index[1]
    msgs = jnp.take(x, src, axis=0) * edge_values[:, None]
    z = jax.ops.segment_sum(msgs, dst, num_segments=x.shape[0])
    return z @ weight

if __name__ == "__main__":
    import jax
    _d = setup_inputs()
    print(jax.jit(kernel)(*tuple(_d.values())))

</pallas_src>

<mosaic_0001>
#map = affine_map<(d0, d1) -> (0)>
#map1 = affine_map<(d0, d1) -> (0, 0, 0)>
#map2 = affine_map<(d0, d1) -> (0, 0)>
module attributes {stable_mosaic.version = 14 : i64} {
  func.func @_spmm_body(%arg0: i32, %arg1: i32, %arg2: memref<320000xi32, #tpu.memory_space<hbm>>, %arg3: memref<16x250x80xi32, #tpu.memory_space<hbm>>, %arg4: memref<320000xf32, #tpu.memory_space<hbm>>, %arg5: memref<20000x64xf32, #tpu.memory_space<hbm>>, %arg6: memref<632x64xf32, #tpu.memory_space<hbm>>, %arg7: memref<2x10112x64xf32, #tpu.memory_space<hbm>>, %arg8: memref<20016xi32, #tpu.memory_space<vmem>>, %arg9: memref<250x80xi32, #tpu.memory_space<vmem>>, %arg10: memref<20016xf32, #tpu.memory_space<vmem>>, %arg11: memref<3x80x64xf32, #tpu.memory_space<vmem>>, %arg12: memref<10112x64xf32, #tpu.memory_space<vmem_shared>>, %arg13: memref<3x!tpu.dma_semaphore, #tpu.memory_space<semaphore_mem>>, %arg14: memref<3x!tpu.dma_semaphore, #tpu.memory_space<semaphore_mem>>) attributes {dimension_semantics = [#tpu.dimension_semantics<core_parallel>, #tpu.dimension_semantics<subcore_parallel>], iteration_bounds = array<i64: 2, 16>, scalar_prefetch = 0 : i64, scratch_operands = 7 : i64, tpu.core_type = #tpu.core_type<sc_vector_subcore>, window_params = [{transform_indices = #map}, {transform_indices = #map1}, {transform_indices = #map}, {transform_indices = #map2}, {transform_indices = #map2}, {transform_indices = #map1}]} {
    %mul3A = arith.constant 20000 : i32
    %mul3A_0 = arith.muli %arg1, %mul3A : i32
    "tpu.region"() ({
      %run_scoped3A = tpu.sem_alloc : memref<!tpu.dma_semaphore, #tpu.memory_space<semaphore_mem>>
      %dma_start3A_309 = arith.constant 0 : i32
      %dma_start3A_310 = tpu.memref_slice %arg8[%dma_start3A_309] : memref<20016xi32, #tpu.memory_space<vmem>> -> memref<20000xi32, #tpu.memory_space<vmem>>
      %dma_start3A_311 = tpu.memref_slice %arg2[%mul3A_0] : memref<320000xi32, #tpu.memory_space<hbm>> -> memref<20000xi32, #tpu.memory_space<hbm>>
      %dma_start3A_312 = arith.constant 0 : i32
      %dma_start3A_313 = tpu.memref_slice %arg8[%dma_start3A_312] : memref<20016xi32, #tpu.memory_space<vmem>> -> memref<20000xi32, #tpu.memory_space<vmem>>
      %dma_start3A_314 = tpu.memref_slice %arg2[%mul3A_0] : memref<320000xi32, #tpu.memory_space<hbm>> -> memref<20000xi32, #tpu.memory_space<hbm>>
      tpu.enqueue_dma source(%dma_start3A_314 : memref<20000xi32, #tpu.memory_space<hbm>>) target(%dma_start3A_313 : memref<20000xi32, #tpu.memory_space<vmem>>) target_semaphore(%run_scoped3A : memref<!tpu.dma_semaphore, #tpu.memory_space<semaphore_mem>>)
      %dma_wait3A_315 = arith.constant 0 : i32
      %dma_wait3A_316 = tpu.memref_slice %arg8[%dma_wait3A_315] : memref<20016xi32, #tpu.memory_space<vmem>> -> memref<20000xi32, #tpu.memory_space<vmem>>
      %dma_wait3A_317 = tpu.memref_slice %arg2[%mul3A_0] : memref<320000xi32, #tpu.memory_space<hbm>> -> memref<20000xi32, #tpu.memory_space<hbm>>
      %dma_wait3A_318 = arith.constant 0 : i32
      %dma_wait3A_319 = tpu.memref_slice %arg8[%dma_wait3A_318] : memref<20016xi32, #tpu.memory_space<vmem>> -> memref<20000xi32, #tpu.memory_space<vmem>>
      %dma_wait3A_320 = tpu.memref_slice %arg2[%mul3A_0] : memref<320000xi32, #tpu.memory_space<hbm>> -> memref<20000xi32, #tpu.memory_space<hbm>>
      tpu.wait_dma2 semaphore(%run_scoped3A : memref<!tpu.dma_semaphore, #tpu.memory_space<semaphore_mem>>) src(%dma_wait3A_320 : memref<20000xi32, #tpu.memory_space<hbm>>) dst(%dma_wait3A_319 : memref<20000xi32, #tpu.memory_space<vmem>>)
      tpu.yield
    }) : () -> ()
    "tpu.region"() ({
      %run_scoped3A = tpu.sem_alloc : memref<!tpu.dma_semaphore, #tpu.memory_space<semaphore_mem>>
      %dma_start3A_309 = arith.constant 0 : i32
      %dma_start3A_310 = arith.constant 0 : i32
      %dma_start3A_311 = tpu.memref_slice %arg3[%arg1, %dma_start3A_309, %dma_start3A_310] : memref<16x250x80xi32, #tpu.memory_space<hbm>> -> memref<1x250x80xi32, #tpu.memory_space<hbm>>
      %dma_start3A_312 = tpu.memref_squeeze %dma_start3A_311 : memref<1x250x80xi32, #tpu.memory_space<hbm>> -> memref<250x80xi32, #tpu.memory_space<hbm>>
      %dma_start3A_313 = arith.constant 0 : i32
      %dma_start3A_314 = arith.constant 0 : i32
      %dma_start3A_315 = tpu.memref_slice %arg3[%arg1, %dma_start3A_313, %dma_start3A_314] : memref<16x250x80xi32, #tpu.memory_space<hbm>> -> memref<1x250x80xi32, #tpu.memory_space<hbm>>
      %dma_start3A_316 = tpu.memref_squeeze %dma_start3A_315 : memref<1x250x80xi32, #tpu.memory_space<hbm>> -> memref<250x80xi32, #tpu.memory_space<hbm>>
      tpu.enqueue_dma source(%dma_start3A_316 : memref<250x80xi32, #tpu.memory_space<hbm>>) target(%arg9 : memref<250x80xi32, #tpu.memory_space<vmem>>) target_semaphore(%run_scoped3A : memref<!tpu.dma_semaphore, #tpu.memory_space<semaphore_mem>>)
      %dma_wait3A_317 = arith.constant 0 : i32
      %dma_wait3A_318 = arith.constant 0 : i32
      %dma_wait3A_319 = tpu.memref_slice %arg3[%arg1, %dma_wait3A_317, %dma_wait3A_318] : memref<16x250x80xi32, #tpu.memory_space<hbm>> -> memref<1x250x80xi32, #tpu.memory_space<hbm>>
      %dma_wait3A_320 = tpu.memref_squeeze %dma_wait3A_319 : memref<1x250x80xi32, #tpu.memory_space<hbm>> -> memref<250x80xi32, #tpu.memory_space<hbm>>
      %dma_wait3A_321 = arith.constant 0 : i32
      %dma_wait3A_322 = arith.constant 0 : i32
      %dma_wait3A_323 = tpu.memref_slice %arg3[%arg1, %dma_wait3A_321, %dma_wait3A_322] : memref<16x250x80xi32, #tpu.memory_space<hbm>> -> memref<1x250x80xi32, #tpu.memory_space<hbm>>
      %dma_wait3A_324 = tpu.memref_squeeze %dma_wait3A_323 : memref<1x250x80xi32, #tpu.memory_space<hbm>> -> memref<250x80xi32, #tpu.memory_space<hbm>>
      tpu.wait_dma2 semaphore(%run_scoped3A : memref<!tpu.dma_semaphore, #tpu.memory_space<semaphore_mem>>) src(%dma_wait3A_324 : memref<250x80xi32, #tpu.memory_space<hbm>>) dst(%arg9 : memref<250x80xi32, #tpu.memory_space<vmem>>)
      tpu.yield
    }) : () -> ()
    %mul3A_1 = arith.constant 20000 : i32
    %mul3A_2 = arith.muli %arg1, %mul3A_1 : i32
    "tpu.region"() ({
      %run_scoped3A = tpu.sem_alloc : memref<!tpu.dma_semaphore, #tpu.memory_space<semaphore_mem>>
      %dma_start3A_309 = arith.constant 0 : i32
      %dma_start3A_310 = tpu.memref_slice %arg10[%dma_start3A_309] : memref<20016xf32, #tpu.memory_space<vmem>> -> memref<20000xf32, #tpu.memory_space<vmem>>
      %dma_start3A_311 = tpu.memref_slice %arg4[%mul3A_2] : memref<320000xf32, #tpu.memory_space<hbm>> -> memref<20000xf32, #tpu.memory_space<hbm>>
      %dma_start3A_312 = arith.constant 0 : i32
      %dma_start3A_313 = tpu.memref_slice %arg10[%dma_start3A_312] : memref<20016xf32, #tpu.memory_space<vmem>> -> memref<20000xf32, #tpu.memory_space<vmem>>
      %dma_start3A_314 = tpu.memref_slice %arg4[%mul3A_2] : memref<320000xf32, #tpu.memory_space<hbm>> -> memref<20000xf32, #tpu.memory_space<hbm>>
      tpu.enqueue_dma source(%dma_start3A_314 : memref<20000xf32, #tpu.memory_space<hbm>>) target(%dma_start3A_313 : memref<20000xf32, #tpu.memory_space<vmem>>) target_semaphore(%run_scoped3A : memref<!tpu.dma_semaphore, #tpu.memory_space<semaphore_mem>>)
      %dma_wait3A_315 = arith.constant 0 : i32
      %dma_wait3A_316 = tpu.memref_slice %arg10[%dma_wait3A_315] : memref<20016xf32, #tpu.memory_space<vmem>> -> memref<20000xf32, #tpu.memory_space<vmem>>
      %dma_wait3A_317 = tpu.memref_slice %arg4[%mul3A_2] : memref<320000xf32, #tpu.memory_space<hbm>> -> memref<20000xf32, #tpu.memory_space<hbm>>
      %dma_wait3A_318 = arith.constant 0 : i32
      %dma_wait3A_319 = tpu.memref_slice %arg10[%dma_wait3A_318] : memref<20016xf32, #tpu.memory_space<vmem>> -> memref<20000xf32, #tpu.memory_space<vmem>>
      %dma_wait3A_320 = tpu.memref_slice %arg4[%mul3A_2] : memref<320000xf32, #tpu.memory_space<hbm>> -> memref<20000xf32, #tpu.memory_space<hbm>>
      tpu.wait_dma2 semaphore(%run_scoped3A : memref<!tpu.dma_semaphore, #tpu.memory_space<semaphore_mem>>) src(%dma_wait3A_320 : memref<20000xf32, #tpu.memory_space<hbm>>) dst(%dma_wait3A_319 : memref<20000xf32, #tpu.memory_space<vmem>>)
      tpu.yield
    }) : () -> ()
    %mul3A_3 = arith.constant 632 : i32
    %mul3A_4 = arith.muli %arg1, %mul3A_3 : i32
    "tpu.region"() ({
      %run_scoped3A = tpu.sem_alloc : memref<!tpu.dma_semaphore, #tpu.memory_space<semaphore_mem>>
      %dma_start3A_309 = arith.constant 0 : i32
      %dma_start3A_310 = tpu.memref_slice %arg12[%mul3A_4, %dma_start3A_309] : memref<10112x64xf32, #tpu.memory_space<vmem_shared>> -> memref<632x64xf32, #tpu.memory_space<vmem_shared>>
      tpu.enqueue_dma source(%arg6 : memref<632x64xf32, #tpu.memory_space<hbm>>) target(%dma_start3A_310 : memref<632x64xf32, #tpu.memory_space<vmem_shared>>) target_semaphore(%run_scoped3A : memref<!tpu.dma_semaphore, #tpu.memory_space<semaphore_mem>>)
      %dma_wait3A_311 = arith.constant 0 : i32
      %dma_wait3A_312 = tpu.memref_slice %arg12[%mul3A_4, %dma_wait3A_311] : memref<10112x64xf32, #tpu.memory_space<vmem_shared>> -> memref<632x64xf32, #tpu.memory_space<vmem_shared>>
      tpu.wait_dma2 semaphore(%run_scoped3A : memref<!tpu.dma_semaphore, #tpu.memory_space<semaphore_mem>>) src(%arg6 : memref<632x64xf32, #tpu.memory_space<hbm>>) dst(%dma_wait3A_312 : memref<632x64xf32, #tpu.memory_space<vmem_shared>>)
      tpu.yield
    }) : () -> ()
    %broadcast_in_dim3A = vector.broadcast %arg0 : i32 to vector<16xi32>
    %scan3A = arith.constant 0 : i32
    %scan3A_5 = arith.constant 0 : i32
    %scan3A_6 = arith.constant 1248 : i32
    %scan3A_7 = arith.addi %scan3A_5, %scan3A_6 : i32
    %scan3A_8 = arith.constant 4 : i32
    scf.for %scan3A_309 = %scan3A_5 to %scan3A_7 step %scan3A_8  : i32 {
      %mul3A_310 = arith.constant 16 : i32
      %mul3A_311 = arith.muli %scan3A_309, %mul3A_310 : i32
      %get3A_312 = arith.index_cast %mul3A_311 : i32 to index
      %get3A_313 = tpu.vector_load %arg8[%get3A_312] {strides = array<i32>} : memref<20016xi32, #tpu.memory_space<vmem>>, vector<16xi32>,
      %get3A_314 = vector.shape_cast %get3A_313 : vector<16xi32> to vector<16xi32>
      %add3A_315 = arith.addi %get3A_314, %get3A_314 : vector<16xi32>
      %add3A_316 = arith.addi %add3A_315, %broadcast_in_dim3A : vector<16xi32>
      %swap3A_317 = arith.index_cast %mul3A_311 : i32 to index
      %swap3A_318 = tpu.vector_load %arg8[%swap3A_317] {strides = array<i32>} : memref<20016xi32, #tpu.memory_space<vmem>>, vector<16xi32>,
      %swap3A_319 = vector.shape_cast %swap3A_318 : vector<16xi32> to vector<16xi32>
      %swap3A_320 = vector.shape_cast %add3A_316 : vector<16xi32> to vector<16xi32>
      tpu.vector_store %arg8[%swap3A_317], %swap3A_320 {strides = array<i32>} : memref<20016xi32, #tpu.memory_space<vmem>>, vector<16xi32>,
      %scan3A_321 = arith.constant 1 : i32
      %scan3A_322 = arith.addi %scan3A_309, %scan3A_321 : i32
      %mul3A_323 = arith.constant 16 : i32
      %mul3A_324 = arith.muli %scan3A_322, %mul3A_323 : i32
      %get3A_325 = arith.index_cast %mul3A_324 : i32 to index
      %get3A_326 = tpu.vector_load %arg8[%get3A_325] {strides = array<i32>} : memref<20016xi32, #tpu.memory_space<vmem>>, vector<16xi32>,
      %get3A_327 = vector.shape_cast %get3A_326 : vector<16xi32> to vector<16xi32>
      %add3A_328 = arith.addi %get3A_327, %get3A_327 : vector<16xi32>
      %add3A_329 = arith.addi %add3A_328, %broadcast_in_dim3A : vector<16xi32>
      %swap3A_330 = arith.index_cast %mul3A_324 : i32 to index
      %swap3A_331 = tpu.vector_load %arg8[%swap3A_330] {strides = array<i32>} : memref<20016xi32, #tpu.memory_space<vmem>>, vector<16xi32>,
      %swap3A_332 = vector.shape_cast %swap3A_331 : vector<16xi32> to vector<16xi32>
      %swap3A_333 = vector.shape_cast %add3A_329 : vector<16xi32> to vector<16xi32>
      tpu.vector_store %arg8[%swap3A_330], %swap3A_333 {strides = array<i32>} : memref<20016xi32, #tpu.memory_space<vmem>>, vector<16xi32>,
      %scan3A_334 = arith.constant 2 : i32
      %scan3A_335 = arith.addi %scan3A_309, %scan3A_334 : i32
      %mul3A_336 = arith.constant 16 : i32
      %mul3A_337 = arith.muli %scan3A_335, %mul3A_336 : i32
      %get3A_338 = arith.index_cast %mul3A_337 : i32 to index
      %get3A_339 = tpu.vector_load %arg8[%get3A_338] {strides = array<i32>} : memref<20016xi32, #tpu.memory_space<vmem>>, vector<16xi32>,
      %get3A_340 = vector.shape_cast %get3A_339 : vector<16xi32> to vector<16xi32>
      %add3A_341 = arith.addi %get3A_340, %get3A_340 : vector<16xi32>
      %add3A_342 = arith.addi %add3A_341, %broadcast_in_dim3A : vector<16xi32>
      %swap3A_343 = arith.index_cast %mul3A_337 : i32 to index
      %swap3A_344 = tpu.vector_load %arg8[%swap3A_343] {strides = array<i32>} : memref<20016xi32, #tpu.memory_space<vmem>>, vector<16xi32>,
      %swap3A_345 = vector.shape_cast %swap3A_344 : vector<16xi32> to vector<16xi32>
      %swap3A_346 = vector.shape_cast %add3A_342 : vector<16xi32> to vector<16xi32>
      tpu.vector_store %arg8[%swap3A_343], %swap3A_346 {strides = array<i32>} : memref<20016xi32, #tpu.memory_space<vmem>>, vector<16xi32>,
      %scan3A_347 = arith.constant 3 : i32
      %scan3A_348 = arith.addi %scan3A_309, %scan3A_347 : i32
      %mul3A_349 = arith.constant 16 : i32
      %mul3A_350 = arith.muli %scan3A_348, %mul3A_349 : i32
      %get3A_351 = arith.index_cast %mul3A_350 : i32 to index
      %get3A_352 = tpu.vector_load %arg8[%get3A_351] {strides = array<i32>} : memref<20016xi32, #tpu.memory_space<vmem>>, vector<16xi32>,
      %get3A_353 = vector.shape_cast %get3A_352 : vector<16xi32> to vector<16xi32>
      %add3A_354 = arith.addi %get3A_353, %get3A_353 : vector<16xi32>
      %add3A_355 = arith.addi %add3A_354, %broadcast_in_dim3A : vector<16xi32>
      %swap3A_356 = arith.index_cast %mul3A_350 : i32 to index
      %swap3A_357 = tpu.vector_load %arg8[%swap3A_356] {strides = array<i32>} : memref<20016xi32, #tpu.memory_space<vmem>>, vector<16xi32>,
      %swap3A_358 = vector.shape_cast %swap3A_357 : vector<16xi32> to vector<16xi32>
      %swap3A_359 = vector.shape_cast %add3A_355 : vector<16xi32> to vector<16xi32>
      tpu.vector_store %arg8[%swap3A_356], %swap3A_359 {strides = array<i32>} : memref<20016xi32, #tpu.memory_space<vmem>>, vector<16xi32>,
    }
    %scan3A_9 = arith.constant 1248 : i32
    %scan3A_10 = arith.addi %scan3A_5, %scan3A_9 : i32
    %mul3A_11 = arith.constant 16 : i32
    %mul3A_12 = arith.muli %scan3A_10, %mul3A_11 : i32
    %get3A = arith.index_cast %mul3A_12 : i32 to index
    %get3A_13 = tpu.vector_load %arg8[%get3A] {strides = array<i32>} : memref<20016xi32, #tpu.memory_space<vmem>>, vector<16xi32>,
    %get3A_14 = vector.shape_cast %get3A_13 : vector<16xi32> to vector<16xi32>
    %add3A = arith.addi %get3A_14, %get3A_14 : vector<16xi32>
    %add3A_15 = arith.addi %add3A, %broadcast_in_dim3A : vector<16xi32>
    %swap3A = arith.index_cast %mul3A_12 : i32 to index
    %swap3A_16 = tpu.vector_load %arg8[%swap3A] {strides = array<i32>} : memref<20016xi32, #tpu.memory_space<vmem>>, vector<16xi32>,
    %swap3A_17 = vector.shape_cast %swap3A_16 : vector<16xi32> to vector<16xi32>
    %swap3A_18 = vector.shape_cast %add3A_15 : vector<16xi32> to vector<16xi32>
    tpu.vector_store %arg8[%swap3A], %swap3A_18 {strides = array<i32>} : memref<20016xi32, #tpu.memory_space<vmem>>, vector<16xi32>,
    %scan3A_19 = arith.constant 1249 : i32
    %scan3A_20 = arith.addi %scan3A_5, %scan3A_19 : i32
    %mul3A_21 = arith.constant 16 : i32
    %mul3A_22 = arith.muli %scan3A_20, %mul3A_21 : i32
    %get3A_23 = arith.index_cast %mul3A_22 : i32 to index
    %get3A_24 = tpu.vector_load %arg8[%get3A_23] {strides = array<i32>} : memref<20016xi32, #tpu.memory_space<vmem>>, vector<16xi32>,
    %get3A_25 = vector.shape_cast %get3A_24 : vector<16xi32> to vector<16xi32>
    %add3A_26 = arith.addi %get3A_25, %get3A_25 : vector<16xi32>
    %add3A_27 = arith.addi %add3A_26, %broadcast_in_dim3A : vector<16xi32>
    %swap3A_28 = arith.index_cast %mul3A_22 : i32 to index
    %swap3A_29 = tpu.vector_load %arg8[%swap3A_28] {strides = array<i32>} : memref<20016xi32, #tpu.memory_space<vmem>>, vector<16xi32>,
    %swap3A_30 = vector.shape_cast %swap3A_29 : vector<16xi32> to vector<16xi32>
    %swap3A_31 = vector.shape_cast %add3A_27 : vector<16xi32> to vector<16xi32>
    tpu.vector_store %arg8[%swap3A_28], %swap3A_31 {strides = array<i32>} : memref<20016xi32, #tpu.memory_space<vmem>>, vector<16xi32>,
    %scan3A_32 = arith.constant 1250 : i32
    %barrier3A = arith.constant 0 : index
    tpu.barrier barrier_id(%barrier3A)
    %dma_start3A = arith.constant 0 : i32
    %dma_start3A_33 = arith.constant 0 : i32
    %dma_start3A_34 = arith.constant 0 : i32
    %dma_start3A_35 = arith.constant 0 : i32
    %dma_start3A_36 = tpu.memref_slice %arg11[%dma_start3A, %dma_start3A_34, %dma_start3A_35] : memref<3x80x64xf32, #tpu.memory_space<vmem>> -> memref<1x80x64xf32, #tpu.memory_space<vmem>>
    %dma_start3A_37 = tpu.memref_squeeze %dma_start3A_36 : memref<1x80x64xf32, #tpu.memory_space<vmem>> -> memref<80x64xf32, #tpu.memory_space<vmem>>
    %dma_start3A_38 = arith.constant 0 : i32
    %dma_start3A_39 = tpu.memref_slice %arg8[%dma_start3A_38] : memref<20016xi32, #tpu.memory_space<vmem>> -> memref<80xi32, #tpu.memory_space<vmem>>
    %dma_start3A_40 = arith.constant 0 : i32
    %dma_start3A_41 = arith.constant 0 : i32
    %dma_start3A_42 = tpu.memref_slice %arg5[%dma_start3A_40, %dma_start3A_41] : memref<20000x64xf32, #tpu.memory_space<hbm>> -> memref<20000x64xf32, #tpu.memory_space<hbm>>
    %dma_start3A_43 = tpu.memref_slice %arg13[%dma_start3A_33] : memref<3x!tpu.dma_semaphore, #tpu.memory_space<semaphore_mem>> -> memref<1x!tpu.dma_semaphore, #tpu.memory_space<semaphore_mem>>
    %dma_start3A_44 = tpu.memref_squeeze %dma_start3A_43 : memref<1x!tpu.dma_semaphore, #tpu.memory_space<semaphore_mem>> -> memref<!tpu.dma_semaphore, #tpu.memory_space<semaphore_mem>>
    tpu.enqueue_indirect_dma source(%dma_start3A_42 : memref<20000x64xf32, #tpu.memory_space<hbm>>) target(%dma_start3A_37 : memref<80x64xf32, #tpu.memory_space<vmem>>) offsets(%dma_start3A_39 : memref<80xi32, #tpu.memory_space<vmem>>) semaphore(%dma_start3A_44 : memref<!tpu.dma_semaphore, #tpu.memory_space<semaphore_mem>>)
    %dma_start3A_45 = arith.constant 1 : i32
    %dma_start3A_46 = arith.constant 1 : i32
    %dma_start3A_47 = arith.constant 0 : i32
    %dma_start3A_48 = arith.constant 0 : i32
    %dma_start3A_49 = tpu.memref_slice %arg11[%dma_start3A_45, %dma_start3A_47, %dma_start3A_48] : memref<3x80x64xf32, #tpu.memory_space<vmem>> -> memref<1x80x64xf32, #tpu.memory_space<vmem>>
    %dma_start3A_50 = tpu.memref_squeeze %dma_start3A_49 : memref<1x80x64xf32, #tpu.memory_space<vmem>> -> memref<80x64xf32, #tpu.memory_space<vmem>>
    %dma_start3A_51 = arith.constant 80 : i32
    %dma_start3A_52 = tpu.memref_slice %arg8[%dma_start3A_51] : memref<20016xi32, #tpu.memory_space<vmem>> -> memref<80xi32, #tpu.memory_space<vmem>>
    %dma_start3A_53 = arith.constant 0 : i32
    %dma_start3A_54 = arith.constant 0 : i32
    %dma_start3A_55 = tpu.memref_slice %arg5[%dma_start3A_53, %dma_start3A_54] : memref<20000x64xf32, #tpu.memory_space<hbm>> -> memref<20000x64xf32, #tpu.memory_space<hbm>>
    %dma_start3A_56 = tpu.memref_slice %arg13[%dma_start3A_46] : memref<3x!tpu.dma_semaphore, #tpu.memory_space<semaphore_mem>> -> memref<1x!tpu.dma_semaphore, #tpu.memory_space<semaphore_mem>>
    %dma_start3A_57 = tpu.memref_squeeze %dma_start3A_56 : memref<1x!tpu.dma_semaphore, #tpu.memory_space<semaphore_mem>> -> memref<!tpu.dma_semaphore, #tpu.memory_space<semaphore_mem>>
    tpu.enqueue_indirect_dma source(%dma_start3A_55 : memref<20000x64xf32, #tpu.memory_space<hbm>>) target(%dma_start3A_50 : memref<80x64xf32, #tpu.memory_space<vmem>>) offsets(%dma_start3A_52 : memref<80xi32, #tpu.memory_space<vmem>>) semaphore(%dma_start3A_57 : memref<!tpu.dma_semaphore, #tpu.memory_space<semaphore_mem>>)
    %scan3A_58 = arith.constant 0 : i32
    %scan3A_59 = arith.constant 0 : i32
    %scan3A_60 = arith.constant 82 : i32
    %scan3A_61 = arith.addi %scan3A_59, %scan3A_60 : i32
    %scan3A_62 = arith.constant 1 : i32
    scf.for %scan3A_309 = %scan3A_59 to %scan3A_61 step %scan3A_62  : i32 {
      %mul3A_310 = arith.constant 3 : i32
      %mul3A_311 = arith.muli %scan3A_309, %mul3A_310 : i32
      %add3A_312 = arith.constant 0 : i32
      %add3A_313 = arith.addi %mul3A_311, %add3A_312 : i32
      %mul3A_314 = arith.constant 80 : i32
      %mul3A_315 = arith.muli %add3A_313, %mul3A_314 : i32
      %dma_wait3A_316 = arith.constant 0 : i32
      %dma_wait3A_317 = arith.constant 0 : i32
      %dma_wait3A_318 = arith.constant 0 : i32
      %dma_wait3A_319 = arith.constant 0 : i32
      %dma_wait3A_320 = tpu.memref_slice %arg11[%dma_wait3A_316, %dma_wait3A_318, %dma_wait3A_319] : memref<3x80x64xf32, #tpu.memory_space<vmem>> -> memref<1x80x64xf32, #tpu.memory_space<vmem>>
      %dma_wait3A_321 = tpu.memref_squeeze %dma_wait3A_320 : memref<1x80x64xf32, #tpu.memory_space<vmem>> -> memref<80x64xf32, #tpu.memory_space<vmem>>
      %dma_wait3A_322 = tpu.memref_slice %arg8[%mul3A_315] : memref<20016xi32, #tpu.memory_space<vmem>> -> memref<80xi32, #tpu.memory_space<vmem>>
      %dma_wait3A_323 = arith.constant 0 : i32
      %dma_wait3A_324 = arith.constant 0 : i32
      %dma_wait3A_325 = tpu.memref_slice %arg5[%dma_wait3A_323, %dma_wait3A_324] : memref<20000x64xf32, #tpu.memory_space<hbm>> -> memref<20000x64xf32, #tpu.memory_space<hbm>>
      %dma_wait3A_326 = tpu.memref_slice %arg13[%dma_wait3A_317] : memref<3x!tpu.dma_semaphore, #tpu.memory_space<semaphore_mem>> -> memref<1x!tpu.dma_semaphore, #tpu.memory_space<semaphore_mem>>
      %dma_wait3A_327 = tpu.memref_squeeze %dma_wait3A_326 : memref<1x!tpu.dma_semaphore, #tpu.memory_space<semaphore_mem>> -> memref<!tpu.dma_semaphore, #tpu.memory_space<semaphore_mem>>
      tpu.wait_indirect_dma semaphore(%dma_wait3A_327 : memref<!tpu.dma_semaphore, #tpu.memory_space<semaphore_mem>>) src(%dma_wait3A_325 : memref<20000x64xf32, #tpu.memory_space<hbm>>) dst(%dma_wait3A_321 : memref<80x64xf32, #tpu.memory_space<vmem>>)
      %scan3A_328 = arith.constant 0 : i32
      %scan3A_329 = arith.constant 0 : i32
      %scan3A_330 = arith.constant 0 : i32
      %scan3A_331 = arith.constant 80 : i32
      %scan3A_332 = arith.addi %scan3A_330, %scan3A_331 : i32
      %scan3A_333 = arith.constant 2 : i32
      scf.for %scan3A_508 = %scan3A_330 to %scan3A_332 step %scan3A_333  : i32 {
        %mul3A_509 = arith.constant 80 : i32
        %mul3A_510 = arith.muli %add3A_313, %mul3A_509 : i32
        %add3A_511 = arith.addi %mul3A_510, %scan3A_508 : i32
        %get3A_512 = arith.index_cast %add3A_511 : i32 to index
        %get3A_513 = tpu.vector_load %arg10[%get3A_512] {strides = array<i32>} : memref<20016xf32, #tpu.memory_space<vmem>>, vector<16xf32>,
        %get3A_514 = vector.shape_cast %get3A_513 : vector<16xf32> to vector<16xf32>
        %slice3A = vector.extract_strided_slice %get3A_514 {offsets = [0], sizes = [1], strides = [1]} : vector<16xf32> to vector<1xf32>
        %squeeze3A = vector.extract %slice3A[0] : f32 from vector<1xf32>
        %broadcast_in_dim3A_515 = vector.broadcast %squeeze3A : f32 to vector<16xf32>
        %get3A_516 = arith.constant 0 : i32
        %get3A_517 = arith.constant 0 : i32
        %get3A_518 = tpu.memref_slice %arg11[%scan3A_329, %get3A_516, %get3A_517] : memref<3x80x64xf32, #tpu.memory_space<vmem>> -> memref<1x80x64xf32, #tpu.memory_space<vmem>>
        %get3A_519 = tpu.memref_squeeze %get3A_518 : memref<1x80x64xf32, #tpu.memory_space<vmem>> -> memref<80x64xf32, #tpu.memory_space<vmem>>
        %get3A_520 = arith.index_cast %scan3A_508 : i32 to index
        %get3A_521 = arith.constant 0 : index
        %get3A_522 = tpu.vector_load %get3A_519[%get3A_520, %get3A_521] {strides = array<i32>} : memref<80x64xf32, #tpu.memory_space<vmem>>, vector<1x16xf32>,
        %get3A_523 = vector.shape_cast %get3A_522 : vector<1x16xf32> to vector<16xf32>
        %mul3A_524 = arith.mulf %get3A_523, %broadcast_in_dim3A_515 : vector<16xf32>
        %swap3A_525 = arith.constant 0 : i32
        %swap3A_526 = arith.constant 0 : i32
        %swap3A_527 = tpu.memref_slice %arg11[%scan3A_329, %swap3A_525, %swap3A_526] : memref<3x80x64xf32, #tpu.memory_space<vmem>> -> memref<1x80x64xf32, #tpu.memory_space<vmem>>
        %swap3A_528 = tpu.memref_squeeze %swap3A_527 : memref<1x80x64xf32, #tpu.memory_space<vmem>> -> memref<80x64xf32, #tpu.memory_space<vmem>>
        %swap3A_529 = arith.index_cast %scan3A_508 : i32 to index
        %swap3A_530 = arith.constant 0 : index
        %swap3A_531 = tpu.vector_load %swap3A_528[%swap3A_529, %swap3A_530] {strides = array<i32>} : memref<80x64xf32, #tpu.memory_space<vmem>>, vector<1x16xf32>,
        %swap3A_532 = vector.shape_cast %swap3A_531 : vector<1x16xf32> to vector<16xf32>
        %swap3A_533 = vector.shape_cast %mul3A_524 : vector<16xf32> to vector<1x16xf32>
        tpu.vector_store %swap3A_528[%swap3A_529, %swap3A_530], %swap3A_533 {strides = array<i32>} : memref<80x64xf32, #tpu.memory_space<vmem>>, vector<1x16xf32>,
        %get3A_534 = arith.constant 0 : i32
        %get3A_535 = arith.constant 0 : i32
        %get3A_536 = tpu.memref_slice %arg11[%scan3A_329, %get3A_534, %get3A_535] : memref<3x80x64xf32, #tpu.memory_space<vmem>> -> memref<1x80x64xf32, #tpu.memory_space<vmem>>
        %get3A_537 = tpu.memref_squeeze %get3A_536 : memref<1x80x64xf32, #tpu.memory_space<vmem>> -> memref<80x64xf32, #tpu.memory_space<vmem>>
        %get3A_538 = arith.index_cast %scan3A_508 : i32 to index
        %get3A_539 = arith.constant 16 : index
        %get3A_540 = tpu.vector_load %get3A_537[%get3A_538, %get3A_539] {strides = array<i32>} : memref<80x64xf32, #tpu.memory_space<vmem>>, vector<1x16xf32>,
        %get3A_541 = vector.shape_cast %get3A_540 : vector<1x16xf32> to vector<16xf32>
        %mul3A_542 = arith.mulf %get3A_541, %broadcast_in_dim3A_515 : vector<16xf32>
        %swap3A_543 = arith.constant 0 : i32
        %swap3A_544 = arith.constant 0 : i32
        %swap3A_545 = tpu.memref_slice %arg11[%scan3A_329, %swap3A_543, %swap3A_544] : memref<3x80x64xf32, #tpu.memory_space<vmem>> -> memref<1x80x64xf32, #tpu.memory_space<vmem>>
        %swap3A_546 = tpu.memref_squeeze %swap3A_545 : memref<1x80x64xf32, #tpu.memory_space<vmem>> -> memref<80x64xf32, #tpu.memory_space<vmem>>
        %swap3A_547 = arith.index_cast %scan3A_508 : i32 to index
        %swap3A_548 = arith.constant 16 : index
        %swap3A_549 = tpu.vector_load %swap3A_546[%swap3A_547, %swap3A_548] {strides = array<i32>} : memref<80x64xf32, #tpu.memory_space<vmem>>, vector<1x16xf32>,
        %swap3A_550 = vector.shape_cast %swap3A_549 : vector<1x16xf32> to vector<16xf32>
        %swap3A_551 = vector.shape_cast %mul3A_542 : vector<16xf32> to vector<1x16xf32>
        tpu.vector_store %swap3A_546[%swap3A_547, %swap3A_548], %swap3A_551 {strides = array<i32>} : memref<80x64xf32, #tpu.memory_space<vmem>>, vector<1x16xf32>,
        %get3A_552 = arith.constant 0 : i32
        %get3A_553 = arith.constant 0 : i32
        %get3A_554 = tpu.memref_slice %arg11[%scan3A_329, %get3A_552, %get3A_553] : memref<3x80x64xf32, #tpu.memory_space<vmem>> -> memref<1x80x64xf32, #tpu.memory_space<vmem>>
        %get3A_555 = tpu.memref_squeeze %get3A_554 : memref<1x80x64xf32, #tpu.memory_space<vmem>> -> memref<80x64xf32, #tpu.memory_space<vmem>>
        %get3A_556 = arith.index_cast %scan3A_508 : i32 to index
        %get3A_557 = arith.constant 32 : index
        %get3A_558 = tpu.vector_load %get3A_555[%get3A_556, %get3A_557] {strides = array<i32>} : memref<80x64xf32, #tpu.memory_space<vmem>>, vector<1x16xf32>,
        %get3A_559 = vector.shape_cast %get3A_558 : vector<1x16xf32> to vector<16xf32>
        %mul3A_560 = arith.mulf %get3A_559, %broadcast_in_dim3A_515 : vector<16xf32>
        %swap3A_561 = arith.constant 0 : i32
        %swap3A_562 = arith.constant 0 : i32
        %swap3A_563 = tpu.memref_slice %arg11[%scan3A_329, %swap3A_561, %swap3A_562] : memref<3x80x64xf32, #tpu.memory_space<vmem>> -> memref<1x80x64xf32, #tpu.memory_space<vmem>>
        %swap3A_564 = tpu.memref_squeeze %swap3A_563 : memref<1x80x64xf32, #tpu.memory_space<vmem>> -> memref<80x64xf32, #tpu.memory_space<vmem>>
        %swap3A_565 = arith.index_cast %scan3A_508 : i32 to index
        %swap3A_566 = arith.constant 32 : index
        %swap3A_567 = tpu.vector_load %swap3A_564[%swap3A_565, %swap3A_566] {strides = array<i32>} : memref<80x64xf32, #tpu.memory_space<vmem>>, vector<1x16xf32>,
        %swap3A_568 = vector.shape_cast %swap3A_567 : vector<1x16xf32> to vector<16xf32>
        %swap3A_569 = vector.shape_cast %mul3A_560 : vector<16xf32> to vector<1x16xf32>
        tpu.vector_store %swap3A_564[%swap3A_565, %swap3A_566], %swap3A_569 {strides = array<i32>} : memref<80x64xf32, #tpu.memory_space<vmem>>, vector<1x16xf32>,
        %get3A_570 = arith.constant 0 : i32
        %get3A_571 = arith.constant 0 : i32
        %get3A_572 = tpu.memref_slice %arg11[%scan3A_329, %get3A_570, %get3A_571] : memref<3x80x64xf32, #tpu.memory_space<vmem>> -> memref<1x80x64xf32, #tpu.memory_space<vmem>>
        %get3A_573 = tpu.memref_squeeze %get3A_572 : memref<1x80x64xf32, #tpu.memory_space<vmem>> -> memref<80x64xf32, #tpu.memory_space<vmem>>
        %get3A_574 = arith.index_cast %scan3A_508 : i32 to index
        %get3A_575 = arith.constant 48 : index
        %get3A_576 = tpu.vector_load %get3A_573[%get3A_574, %get3A_575] {strides = array<i32>} : memref<80x64xf32, #tpu.memory_space<vmem>>, vector<1x16xf32>,
        %get3A_577 = vector.shape_cast %get3A_576 : vector<1x16xf32> to vector<16xf32>
        %mul3A_578 = arith.mulf %get3A_577, %broadcast_in_dim3A_515 : vector<16xf32>
        %swap3A_579 = arith.constant 0 : i32
        %swap3A_580 = arith.constant 0 : i32
        %swap3A_581 = tpu.memref_slice %arg11[%scan3A_329, %swap3A_579, %swap3A_580] : memref<3x80x64xf32, #tpu.memory_space<vmem>> -> memref<1x80x64xf32, #tpu.memory_space<vmem>>
        %swap3A_582 = tpu.memref_squeeze %swap3A_581 : memref<1x80x64xf32, #tpu.memory_space<vmem>> -> memref<80x64xf32, #tpu.memory_space<vmem>>
        %swap3A_583 = arith.index_cast %scan3A_508 : i32 to index
        %swap3A_584 = arith.constant 48 : index
        %swap3A_585 = tpu.vector_load %swap3A_582[%swap3A_583, %swap3A_584] {strides = array<i32>} : memref<80x64xf32, #tpu.memory_space<vmem>>, vector<1x16xf32>,
        %swap3A_586 = vector.shape_cast %swap3A_585 : vector<1x16xf32> to vector<16xf32>
        %swap3A_587 = vector.shape_cast %mul3A_578 : vector<16xf32> to vector<1x16xf32>
        tpu.vector_store %swap3A_582[%swap3A_583, %swap3A_584], %swap3A_587 {strides = array<i32>} : memref<80x64xf32, #tpu.memory_space<vmem>>, vector<1x16xf32>,
        %scan3A_588 = arith.constant 1 : i32
        %scan3A_589 = arith.addi %scan3A_508, %scan3A_588 : i32
        %mul3A_590 = arith.constant 80 : i32
        %mul3A_591 = arith.muli %add3A_313, %mul3A_590 : i32
        %add3A_592 = arith.addi %mul3A_591, %scan3A_589 : i32
        %get3A_593 = arith.index_cast %add3A_592 : i32 to index
        %get3A_594 = tpu.vector_load %arg10[%get3A_593] {strides = array<i32>} : memref<20016xf32, #tpu.memory_space<vmem>>, vector<16xf32>,
        %get3A_595 = vector.shape_cast %get3A_594 : vector<16xf32> to vector<16xf32>
        %slice3A_596 = vector.extract_strided_slice %get3A_595 {offsets = [0], sizes = [1], strides = [1]} : vector<16xf32> to vector<1xf32>
        %squeeze3A_597 = vector.extract %slice3A_596[0] : f32 from vector<1xf32>
        %broadcast_in_dim3A_598 = vector.broadcast %squeeze3A_597 : f32 to vector<16xf32>
        %get3A_599 = arith.constant 0 : i32
        %get3A_600 = arith.constant 0 : i32
        %get3A_601 = tpu.memref_slice %arg11[%scan3A_329, %get3A_599, %get3A_600] : memref<3x80x64xf32, #tpu.memory_space<vmem>> -> memref<1x80x64xf32, #tpu.memory_space<vmem>>
        %get3A_602 = tpu.memref_squeeze %get3A_601 : memref<1x80x64xf32, #tpu.memory_space<vmem>> -> memref<80x64xf32, #tpu.memory_space<vmem>>
        %get3A_603 = arith.index_cast %scan3A_589 : i32 to index
        %get3A_604 = arith.constant 0 : index
        %get3A_605 = tpu.vector_load %get3A_602[%get3A_603, %get3A_604] {strides = array<i32>} : memref<80x64xf32, #tpu.memory_space<vmem>>, vector<1x16xf32>,
        %get3A_606 = vector.shape_cast %get3A_605 : vector<1x16xf32> to vector<16xf32>
        %mul3A_607 = arith.mulf %get3A_606, %broadcast_in_dim3A_598 : vector<16xf32>
        %swap3A_608 = arith.constant 0 : i32
        %swap3A_609 = arith.constant 0 : i32
        %swap3A_610 = tpu.memref_slice %arg11[%scan3A_329, %swap3A_608, %swap3A_609] : memref<3x80x64xf32, #tpu.memory_space<vmem>> -> memref<1x80x64xf32, #tpu.memory_space<vmem>>
        %swap3A_611 = tpu.memref_squeeze %swap3A_610 : memref<1x80x64xf32, #tpu.memory_space<vmem>> -> memref<80x64xf32, #tpu.memory_space<vmem>>
        %swap3A_612 = arith.index_cast %scan3A_589 : i32 to index
        %swap3A_613 = arith.constant 0 : index
        %swap3A_614 = tpu.vector_load %swap3A_611[%swap3A_612, %swap3A_613] {strides = array<i32>} : memref<80x64xf32, #tpu.memory_space<vmem>>, vector<1x16xf32>,
        %swap3A_615 = vector.shape_cast %swap3A_614 : vector<1x16xf32> to vector<16xf32>
        %swap3A_616 = vector.shape_cast %mul3A_607 : vector<16xf32> to vector<1x16xf32>
        tpu.vector_store %swap3A_611[%swap3A_612, %swap3A_613], %swap3A_616 {strides = array<i32>} : memref<80x64xf32, #tpu.memory_space<vmem>>, vector<1x16xf32>,
        %get3A_617 = arith.constant 0 : i32
        %get3A_618 = arith.constant 0 : i32
        %get3A_619 = tpu.memref_slice %arg11[%scan3A_329, %get3A_617, %get3A_618] : memref<3x80x64xf32, #tpu.memory_space<vmem>> -> memref<1x80x64xf32, #tpu.memory_space<vmem>>
        %get3A_620 = tpu.memref_squeeze %get3A_619 : memref<1x80x64xf32, #tpu.memory_space<vmem>> -> memref<80x64xf32, #tpu.memory_space<vmem>>
        %get3A_621 = arith.index_cast %scan3A_589 : i32 to index
        %get3A_622 = arith.constant 16 : index
        %get3A_623 = tpu.vector_load %get3A_620[%get3A_621, %get3A_622] {strides = array<i32>} : memref<80x64xf32, #tpu.memory_space<vmem>>, vector<1x16xf32>,
        %get3A_624 = vector.shape_cast %get3A_623 : vector<1x16xf32> to vector<16xf32>
        %mul3A_625 = arith.mulf %get3A_624, %broadcast_in_dim3A_598 : vector<16xf32>
        %swap3A_626 = arith.constant 0 : i32
        %swap3A_627 = arith.constant 0 : i32
        %swap3A_628 = tpu.memref_slice %arg11[%scan3A_329, %swap3A_626, %swap3A_627] : memref<3x80x64xf32, #tpu.memory_space<vmem>> -> memref<1x80x64xf32, #tpu.memory_space<vmem>>
        %swap3A_629 = tpu.memref_squeeze %swap3A_628 : memref<1x80x64xf32, #tpu.memory_space<vmem>> -> memref<80x64xf32, #tpu.memory_space<vmem>>
        %swap3A_630 = arith.index_cast %scan3A_589 : i32 to index
        %swap3A_631 = arith.constant 16 : index
        %swap3A_632 = tpu.vector_load %swap3A_629[%swap3A_630, %swap3A_631] {strides = array<i32>} : memref<80x64xf32, #tpu.memory_space<vmem>>, vector<1x16xf32>,
        %swap3A_633 = vector.shape_cast %swap3A_632 : vector<1x16xf32> to vector<16xf32>
        %swap3A_634 = vector.shape_cast %mul3A_625 : vector<16xf32> to vector<1x16xf32>
        tpu.vector_store %swap3A_629[%swap3A_630, %swap3A_631], %swap3A_634 {strides = array<i32>} : memref<80x64xf32, #tpu.memory_space<vmem>>, vector<1x16xf32>,
        %get3A_635 = arith.constant 0 : i32
        %get3A_636 = arith.constant 0 : i32
        %get3A_637 = tpu.memref_slice %arg11[%scan3A_329, %get3A_635, %get3A_636] : memref<3x80x64xf32, #tpu.memory_space<vmem>> -> memref<1x80x64xf32, #tpu.memory_space<vmem>>
        %get3A_638 = tpu.memref_squeeze %get3A_637 : memref<1x80x64xf32, #tpu.memory_space<vmem>> -> memref<80x64xf32, #tpu.memory_space<vmem>>
        %get3A_639 = arith.index_cast %scan3A_589 : i32 to index
        %get3A_640 = arith.constant 32 : index
        %get3A_641 = tpu.vector_load %get3A_638[%get3A_639, %get3A_640] {strides = array<i32>} : memref<80x64xf32, #tpu.memory_space<vmem>>, vector<1x16xf32>,
        %get3A_642 = vector.shape_cast %get3A_641 : vector<1x16xf32> to vector<16xf32>
        %mul3A_643 = arith.mulf %get3A_642, %broadcast_in_dim3A_598 : vector<16xf32>
        %swap3A_644 = arith.constant 0 : i32
        %swap3A_645 = arith.constant 0 : i32
        %swap3A_646 = tpu.memref_slice %arg11[%scan3A_329, %swap3A_644, %swap3A_645] : memref<3x80x64xf32, #tpu.memory_space<vmem>> -> memref<1x80x64xf32, #tpu.memory_space<vmem>>
        %swap3A_647 = tpu.memref_squeeze %swap3A_646 : memref<1x80x64xf32, #tpu.memory_space<vmem>> -> memref<80x64xf32, #tpu.memory_space<vmem>>
        %swap3A_648 = arith.index_cast %scan3A_589 : i32 to index
        %swap3A_649 = arith.constant 32 : index
        %swap3A_650 = tpu.vector_load %swap3A_647[%swap3A_648, %swap3A_649] {strides = array<i32>} : memref<80x64xf32, #tpu.memory_space<vmem>>, vector<1x16xf32>,
        %swap3A_651 = vector.shape_cast %swap3A_650 : vector<1x16xf32> to vector<16xf32>
        %swap3A_652 = vector.shape_cast %mul3A_643 : vector<16xf32> to vector<1x16xf32>
        tpu.vector_store %swap3A_647[%swap3A_648, %swap3A_649], %swap3A_652 {strides = array<i32>} : memref<80x64xf32, #tpu.memory_space<vmem>>, vector<1x16xf32>,
        %get3A_653 = arith.constant 0 : i32
        %get3A_654 = arith.constant 0 : i32
        %get3A_655 = tpu.memref_slice %arg11[%scan3A_329, %get3A_653, %get3A_654] : memref<3x80x64xf32, #tpu.memory_space<vmem>> -> memref<1x80x64xf32, #tpu.memory_space<vmem>>
        %get3A_656 = tpu.memref_squeeze %get3A_655 : memref<1x80x64xf32, #tpu.memory_space<vmem>> -> memref<80x64xf32, #tpu.memory_space<vmem>>
        %get3A_657 = arith.index_cast %scan3A_589 : i32 to index
        %get3A_658 = arith.constant 48 : index
        %get3A_659 = tpu.vector_load %get3A_656[%get3A_657, %get3A_658] {strides = array<i32>} : memref<80x64xf32, #tpu.memory_space<vmem>>, vector<1x16xf32>,
        %get3A_660 = vector.shape_cast %get3A_659 : vector<1x16xf32> to vector<16xf32>
        %mul3A_661 = arith.mulf %get3A_660, %broadcast_in_dim3A_598 : vector<16xf32>
        %swap3A_662 = arith.constant 0 : i32
        %swap3A_663 = arith.constant 0 : i32
        %swap3A_664 = tpu.memref_slice %arg11[%scan3A_329, %swap3A_662, %swap3A_663] : memref<3x80x64xf32, #tpu.memory_space<vmem>> -> memref<1x80x64xf32, #tpu.memory_space<vmem>>
        %swap3A_665 = tpu.memref_squeeze %swap3A_664 : memref<1x80x64xf32, #tpu.memory_space<vmem>> -> memref<80x64xf32, #tpu.memory_space<vmem>>
        %swap3A_666 = arith.index_cast %scan3A_589 : i32 to index
        %swap3A_667 = arith.constant 48 : index
        %swap3A_668 = tpu.vector_load %swap3A_665[%swap3A_666, %swap3A_667] {strides = array<i32>} : memref<80x64xf32, #tpu.memory_space<vmem>>, vector<1x16xf32>,
        %swap3A_669 = vector.shape_cast %swap3A_668 : vector<1x16xf32> to vector<16xf32>
        %swap3A_670 = vector.shape_cast %mul3A_661 : vector<16xf32> to vector<1x16xf32>
        tpu.vector_store %swap3A_665[%swap3A_666, %swap3A_667], %swap3A_670 {strides = array<i32>} : memref<80x64xf32, #tpu.memory_space<vmem>>, vector<1x16xf32>,
      }
      %scan3A_334 = arith.constant 80 : i32
      %gt3A = arith.constant 0 : i32
      %gt3A_335 = arith.cmpi sgt, %scan3A_309, %gt3A : i32
      %convert_element_type3A = arith.extui %gt3A_335 : i1 to i32
      %cond3A = arith.constant 0 : i32
      %cond3A_336 = arith.cmpi ne, %convert_element_type3A, %cond3A : i32
      scf.if %cond3A_336 {
        %sub3A_508 = arith.constant 1 : i32
        %sub3A_509 = arith.subi %add3A_313, %sub3A_508 : i32
        %dma_wait3A_510 = arith.constant 2 : i32
        %dma_wait3A_511 = arith.constant 2 : i32
        %dma_wait3A_512 = arith.constant 0 : i32
        %dma_wait3A_513 = arith.constant 0 : i32
        %dma_wait3A_514 = tpu.memref_slice %arg11[%dma_wait3A_510, %dma_wait3A_512, %dma_wait3A_513] : memref<3x80x64xf32, #tpu.memory_space<vmem>> -> memref<1x80x64xf32, #tpu.memory_space<vmem>>
        %dma_wait3A_515 = tpu.memref_squeeze %dma_wait3A_514 : memref<1x80x64xf32, #tpu.memory_space<vmem>> -> memref<80x64xf32, #tpu.memory_space<vmem>>
        %dma_wait3A_516 = arith.constant 0 : i32
        %dma_wait3A_517 = tpu.memref_slice %arg9[%sub3A_509, %dma_wait3A_516] : memref<250x80xi32, #tpu.memory_space<vmem>> -> memref<1x80xi32, #tpu.memory_space<vmem>>
        %dma_wait3A_518 = tpu.memref_squeeze %dma_wait3A_517 : memref<1x80xi32, #tpu.memory_space<vmem>> -> memref<80xi32, #tpu.memory_space<vmem>>
        %dma_wait3A_519 = arith.constant 0 : i32
        %dma_wait3A_520 = arith.constant 0 : i32
        %dma_wait3A_521 = tpu.memref_slice %arg12[%dma_wait3A_519, %dma_wait3A_520] : memref<10112x64xf32, #tpu.memory_space<vmem_shared>> -> memref<10112x64xf32, #tpu.memory_space<vmem_shared>>
        %dma_wait3A_522 = tpu.memref_slice %arg14[%dma_wait3A_511] : memref<3x!tpu.dma_semaphore, #tpu.memory_space<semaphore_mem>> -> memref<1x!tpu.dma_semaphore, #tpu.memory_space<semaphore_mem>>
        %dma_wait3A_523 = tpu.memref_squeeze %dma_wait3A_522 : memref<1x!tpu.dma_semaphore, #tpu.memory_space<semaphore_mem>> -> memref<!tpu.dma_semaphore, #tpu.memory_space<semaphore_mem>>
        tpu.wait_indirect_dma semaphore(%dma_wait3A_523 : memref<!tpu.dma_semaphore, #tpu.memory_space<semaphore_mem>>) src(%dma_wait3A_515 : memref<80x64xf32, #tpu.memory_space<vmem>>) dst(%dma_wait3A_521 : memref<10112x64xf32, #tpu.memory_space<vmem_shared>>)
      } else {
      }
      %add3A_337 = arith.constant 2 : i32
      %add3A_338 = arith.addi %add3A_313, %add3A_337 : i32
      %mul3A_339 = arith.constant 80 : i32
      %mul3A_340 = arith.muli %add3A_338, %mul3A_339 : i32
      %dma_start3A_341 = arith.constant 2 : i32
      %dma_start3A_342 = arith.constant 2 : i32
      %dma_start3A_343 = arith.constant 0 : i32
      %dma_start3A_344 = arith.constant 0 : i32
      %dma_start3A_345 = tpu.memref_slice %arg11[%dma_start3A_341, %dma_start3A_343, %dma_start3A_344] : memref<3x80x64xf32, #tpu.memory_space<vmem>> -> memref<1x80x64xf32, #tpu.memory_space<vmem>>
      %dma_start3A_346 = tpu.memref_squeeze %dma_start3A_345 : memref<1x80x64xf32, #tpu.memory_space<vmem>> -> memref<80x64xf32, #tpu.memory_space<vmem>>
      %dma_start3A_347 = tpu.memref_slice %arg8[%mul3A_340] : memref<20016xi32, #tpu.memory_space<vmem>> -> memref<80xi32, #tpu.memory_space<vmem>>
      %dma_start3A_348 = arith.constant 0 : i32
      %dma_start3A_349 = arith.constant 0 : i32
      %dma_start3A_350 = tpu.memref_slice %arg5[%dma_start3A_348, %dma_start3A_349] : memref<20000x64xf32, #tpu.memory_space<hbm>> -> memref<20000x64xf32, #tpu.memory_space<hbm>>
      %dma_start3A_351 = tpu.memref_slice %arg13[%dma_start3A_342] : memref<3x!tpu.dma_semaphore, #tpu.memory_space<semaphore_mem>> -> memref<1x!tpu.dma_semaphore, #tpu.memory_space<semaphore_mem>>
      %dma_start3A_352 = tpu.memref_squeeze %dma_start3A_351 : memref<1x!tpu.dma_semaphore, #tpu.memory_space<semaphore_mem>> -> memref<!tpu.dma_semaphore, #tpu.memory_space<semaphore_mem>>
      tpu.enqueue_indirect_dma source(%dma_start3A_350 : memref<20000x64xf32, #tpu.memory_space<hbm>>) target(%dma_start3A_346 : memref<80x64xf32, #tpu.memory_space<vmem>>) offsets(%dma_start3A_347 : memref<80xi32, #tpu.memory_space<vmem>>) semaphore(%dma_start3A_352 : memref<!tpu.dma_semaphore, #tpu.memory_space<semaphore_mem>>)
      %dma_start3A_353 = arith.constant 0 : i32
      %dma_start3A_354 = arith.constant 0 : i32
      %dma_start3A_355 = arith.constant 0 : i32
      %dma_start3A_356 = arith.constant 0 : i32
      %dma_start3A_357 = tpu.memref_slice %arg11[%dma_start3A_353, %dma_start3A_355, %dma_start3A_356] : memref<3x80x64xf32, #tpu.memory_space<vmem>> -> memref<1x80x64xf32, #tpu.memory_space<vmem>>
      %dma_start3A_358 = tpu.memref_squeeze %dma_start3A_357 : memref<1x80x64xf32, #tpu.memory_space<vmem>> -> memref<80x64xf32, #tpu.memory_space<vmem>>
      %dma_start3A_359 = arith.constant 0 : i32
      %dma_start3A_360 = tpu.memref_slice %arg9[%add3A_313, %dma_start3A_359] : memref<250x80xi32, #tpu.memory_space<vmem>> -> memref<1x80xi32, #tpu.memory_space<vmem>>
      %dma_start3A_361 = tpu.memref_squeeze %dma_start3A_360 : memref<1x80xi32, #tpu.memory_space<vmem>> -> memref<80xi32, #tpu.memory_space<vmem>>
      %dma_start3A_362 = arith.constant 0 : i32
      %dma_start3A_363 = arith.constant 0 : i32
      %dma_start3A_364 = tpu.memref_slice %arg12[%dma_start3A_362, %dma_start3A_363] : memref<10112x64xf32, #tpu.memory_space<vmem_shared>> -> memref<10112x64xf32, #tpu.memory_space<vmem_shared>>
      %dma_start3A_365 = tpu.memref_slice %arg14[%dma_start3A_354] : memref<3x!tpu.dma_semaphore, #tpu.memory_space<semaphore_mem>> -> memref<1x!tpu.dma_semaphore, #tpu.memory_space<semaphore_mem>>
      %dma_start3A_366 = tpu.memref_squeeze %dma_start3A_365 : memref<1x!tpu.dma_semaphore, #tpu.memory_space<semaphore_mem>> -> memref<!tpu.dma_semaphore, #tpu.memory_space<semaphore_mem>>
      tpu.enqueue_indirect_dma source(%dma_start3A_358 : memref<80x64xf32, #tpu.memory_space<vmem>>) target(%dma_start3A_364 : memref<10112x64xf32, #tpu.memory_space<vmem_shared>>) offsets(%dma_start3A_361 : memref<80xi32, #tpu.memory_space<vmem>>) semaphore(%dma_start3A_366 : memref<!tpu.dma_semaphore, #tpu.memory_space<semaphore_mem>>) {add = true}
      %mul3A_367 = arith.constant 3 : i32
      %mul3A_368 = arith.muli %scan3A_309, %mul3A_367 : i32
      %add3A_369 = arith.constant 1 : i32
      %add3A_370 = arith.addi %mul3A_368, %add3A_369 : i32
      %mul3A_371 = arith.constant 80 : i32
      %mul3A_372 = arith.muli %add3A_370, %mul3A_371 : i32
      %dma_wait3A_373 = arith.constant 1 : i32
      %dma_wait3A_374 = arith.constant 1 : i32
      %dma_wait3A_375 = arith.constant 0 : i32
      %dma_wait3A_376 = arith.constant 0 : i32
      %dma_wait3A_377 = tpu.memref_slice %arg11[%dma_wait3A_373, %dma_wait3A_375, %dma_wait3A_376] : memref<3x80x64xf32, #tpu.memory_space<vmem>> -> memref<1x80x64xf32, #tpu.memory_space<vmem>>
      %dma_wait3A_378 = tpu.memref_squeeze %dma_wait3A_377 : memref<1x80x64xf32, #tpu.memory_space<vmem>> -> memref<80x64xf32, #tpu.memory_space<vmem>>
      %dma_wait3A_379 = tpu.memref_slice %arg8[%mul3A_372] : memref<20016xi32, #tpu.memory_space<vmem>> -> memref<80xi32, #tpu.memory_space<vmem>>
      %dma_wait3A_380 = arith.constant 0 : i32
      %dma_wait3A_381 = arith.constant 0 : i32
      %dma_wait3A_382 = tpu.memref_slice %arg5[%dma_wait3A_380, %dma_wait3A_381] : memref<20000x64xf32, #tpu.memory_space<hbm>> -> memref<20000x64xf32, #tpu.memory_space<hbm>>
      %dma_wait3A_383 = tpu.memref_slice %arg13[%dma_wait3A_374] : memref<3x!tpu.dma_semaphore, #tpu.memory_space<semaphore_mem>> -> memref<1x!tpu.dma_semaphore, #tpu.memory_space<semaphore_mem>>
      %dma_wait3A_384 = tpu.memref_squeeze %dma_wait3A_383 : memref<1x!tpu.dma_semaphore, #tpu.memory_space<semaphore_mem>> -> memref<!tpu.dma_semaphore, #tpu.memory_space<semaphore_mem>>
      tpu.wait_indirect_dma semaphore(%dma_wait3A_384 : memref<!tpu.dma_semaphore, #tpu.memory_space<semaphore_mem>>) src(%dma_wait3A_382 : memref<20000x64xf32, #tpu.memory_space<hbm>>) dst(%dma_wait3A_378 : memref<80x64xf32, #tpu.memory_space<vmem>>)
      %scan3A_385 = arith.constant 0 : i32
      %scan3A_386 = arith.constant 1 : i32
      %scan3A_387 = arith.constant 0 : i32
      %scan3A_388 = arith.constant 80 : i32
      %scan3A_389 = arith.addi %scan3A_387, %scan3A_388 : i32
      %scan3A_390 = arith.constant 2 : i32
      scf.for %scan3A_508 = %scan3A_387 to %scan3A_389 step %scan3A_390  : i32 {
        %mul3A_509 = arith.constant 80 : i32
        %mul3A_510 = arith.muli %add3A_370, %mul3A_509 : i32
        %add3A_511 = arith.addi %mul3A_510, %scan3A_508 : i32
        %get3A_512 = arith.index_cast %add3A_511 : i32 to index
        %get3A_513 = tpu.vector_load %arg10[%get3A_512] {strides = array<i32>} : memref<20016xf32, #tpu.memory_space<vmem>>, vector<16xf32>,
        %get3A_514 = vector.shape_cast %get3A_513 : vector<16xf32> to vector<16xf32>
        %slice3A = vector.extract_strided_slice %get3A_514 {offsets = [0], sizes = [1], strides = [1]} : vector<16xf32> to vector<1xf32>
        %squeeze3A = vector.extract %slice3A[0] : f32 from vector<1xf32>
        %broadcast_in_dim3A_515 = vector.broadcast %squeeze3A : f32 to vector<16xf32>
        %get3A_516 = arith.constant 0 : i32
        %get3A_517 = arith.constant 0 : i32
        %get3A_518 = tpu.memref_slice %arg11[%scan3A_386, %get3A_516, %get3A_517] : memref<3x80x64xf32, #tpu.memory_space<vmem>> -> memref<1x80x64xf32, #tpu.memory_space<vmem>>
        %get3A_519 = tpu.memref_squeeze %get3A_518 : memref<1x80x64xf32, #tpu.memory_space<vmem>> -> memref<80x64xf32, #tpu.memory_space<vmem>>
        %get3A_520 = arith.index_cast %scan3A_508 : i32 to index
        %get3A_521 = arith.constant 0 : index
        %get3A_522 = tpu.vector_load %get3A_519[%get3A_520, %get3A_521] {strides = array<i32>} : memref<80x64xf32, #tpu.memory_space<vmem>>, vector<1x16xf32>,
        %get3A_523 = vector.shape_cast %get3A_522 : vector<1x16xf32> to vector<16xf32>
        %mul3A_524 = arith.mulf %get3A_523, %broadcast_in_dim3A_515 : vector<16xf32>
        %swap3A_525 = arith.constant 0 : i32
        %swap3A_526 = arith.constant 0 : i32
        %swap3A_527 = tpu.memref_slice %arg11[%scan3A_386, %swap3A_525, %swap3A_526] : memref<3x80x64xf32, #tpu.memory_space<vmem>> -> memref<1x80x64xf32, #tpu.memory_space<vmem>>
        %swap3A_528 = tpu.memref_squeeze %swap3A_527 : memref<1x80x64xf32, #tpu.memory_space<vmem>> -> memref<80x64xf32, #tpu.memory_space<vmem>>
        %swap3A_529 = arith.index_cast %scan3A_508 : i32 to index
        %swap3A_530 = arith.constant 0 : index
        %swap3A_531 = tpu.vector_load %swap3A_528[%swap3A_529, %swap3A_530] {strides = array<i32>} : memref<80x64xf32, #tpu.memory_space<vmem>>, vector<1x16xf32>,
        %swap3A_532 = vector.shape_cast %swap3A_531 : vector<1x16xf32> to vector<16xf32>
        %swap3A_533 = vector.shape_cast %mul3A_524 : vector<16xf32> to vector<1x16xf32>
        tpu.vector_store %swap3A_528[%swap3A_529, %swap3A_530], %swap3A_533 {strides = array<i32>} : memref<80x64xf32, #tpu.memory_space<vmem>>, vector<1x16xf32>,
        %get3A_534 = arith.constant 0 : i32
        %get3A_535 = arith.constant 0 : i32
        %get3A_536 = tpu.memref_slice %arg11[%scan3A_386, %get3A_534, %get3A_535] : memref<3x80x64xf32, #tpu.memory_space<vmem>> -> memref<1x80x64xf32, #tpu.memory_space<vmem>>
        %get3A_537 = tpu.memref_squeeze %get3A_536 : memref<1x80x64xf32, #tpu.memory_space<vmem>> -> memref<80x64xf32, #tpu.memory_space<vmem>>
        %get3A_538 = arith.index_cast %scan3A_508 : i32 to index
        %get3A_539 = arith.constant 16 : index
        %get3A_540 = tpu.vector_load %get3A_537[%get3A_538, %get3A_539] {strides = array<i32>} : memref<80x64xf32, #tpu.memory_space<vmem>>, vector<1x16xf32>,
        %get3A_541 = vector.shape_cast %get3A_540 : vector<1x16xf32> to vector<16xf32>
        %mul3A_542 = arith.mulf %get3A_541, %broadcast_in_dim3A_515 : vector<16xf32>
        %swap3A_543 = arith.constant 0 : i32
        %swap3A_544 = arith.constant 0 : i32
        %swap3A_545 = tpu.memref_slice %arg11[%scan3A_386, %swap3A_543, %swap3A_544] : memref<3x80x64xf32, #tpu.memory_space<vmem>> -> memref<1x80x64xf32, #tpu.memory_space<vmem>>
        %swap3A_546 = tpu.memref_squeeze %swap3A_545 : memref<1x80x64xf32, #tpu.memory_space<vmem>> -> memref<80x64xf32, #tpu.memory_space<vmem>>
        %swap3A_547 = arith.index_cast %scan3A_508 : i32 to index
        %swap3A_548 = arith.constant 16 : index
        %swap3A_549 = tpu.vector_load %swap3A_546[%swap3A_547, %swap3A_548] {strides = array<i32>} : memref<80x64xf32, #tpu.memory_space<vmem>>, vector<1x16xf32>,
        %swap3A_550 = vector.shape_cast %swap3A_549 : vector<1x16xf32> to vector<16xf32>
        %swap3A_551 = vector.shape_cast %mul3A_542 : vector<16xf32> to vector<1x16xf32>
        tpu.vector_store %swap3A_546[%swap3A_547, %swap3A_548], %swap3A_551 {strides = array<i32>} : memref<80x64xf32, #tpu.memory_space<vmem>>, vector<1x16xf32>,
        %get3A_552 = arith.constant 0 : i32
        %get3A_553 = arith.constant 0 : i32
        %get3A_554 = tpu.memref_slice %arg11[%scan3A_386, %get3A_552, %get3A_553] : memref<3x80x64xf32, #tpu.memory_space<vmem>> -> memref<1x80x64xf32, #tpu.memory_space<vmem>>
        %get3A_555 = tpu.memref_squeeze %get3A_554 : memref<1x80x64xf32, #tpu.memory_space<vmem>> -> memref<80x64xf32, #tpu.memory_space<vmem>>
        %get3A_556 = arith.index_cast %scan3A_508 : i32 to index
        %get3A_557 = arith.constant 32 : index
        %get3A_558 = tpu.vector_load %get3A_555[%get3A_556, %get3A_557] {strides = array<i32>} : memref<80x64xf32, #tpu.memory_space<vmem>>, vector<1x16xf32>,
        %get3A_559 = vector.shape_cast %get3A_558 : vector<1x16xf32> to vector<16xf32>
        %mul3A_560 = arith.mulf %get3A_559, %broadcast_in_dim3A_515 : vector<16xf32>
        %swap3A_561 = arith.constant 0 : i32
        %swap3A_562 = arith.constant 0 : i32
        %swap3A_563 = tpu.memref_slice %arg11[%scan3A_386, %swap3A_561, %swap3A_562] : memref<3x80x64xf32, #tpu.memory_space<vmem>> -> memref<1x80x64xf32, #tpu.memory_space<vmem>>
        %swap3A_564 = tpu.memref_squeeze %swap3A_563 : memref<1x80x64xf32, #tpu.memory_space<vmem>> -> memref<80x64xf32, #tpu.memory_space<vmem>>
        %swap3A_565 = arith.index_cast %scan3A_508 : i32 to index
        %swap3A_566 = arith.constant 32 : index
        %swap3A_567 = tpu.vector_load %swap3A_564[%swap3A_565, %swap3A_566] {strides = array<i32>} : memref<80x64xf32, #tpu.memory_space<vmem>>, vector<1x16xf32>,
        %swap3A_568 = vector.shape_cast %swap3A_567 : vector<1x16xf32> to vector<16xf32>
        %swap3A_569 = vector.shape_cast %mul3A_560 : vector<16xf32> to vector<1x16xf32>
        tpu.vector_store %swap3A_564[%swap3A_565, %swap3A_566], %swap3A_569 {strides = array<i32>} : memref<80x64xf32, #tpu.memory_space<vmem>>, vector<1x16xf32>,
        %get3A_570 = arith.constant 0 : i32
        %get3A_571 = arith.constant 0 : i32
        %get3A_572 = tpu.memref_slice %arg11[%scan3A_386, %get3A_570, %get3A_571] : memref<3x80x64xf32, #tpu.memory_space<vmem>> -> memref<1x80x64xf32, #tpu.memory_space<vmem>>
        %get3A_573 = tpu.memref_squeeze %get3A_572 : memref<1x80x64xf32, #tpu.memory_space<vmem>> -> memref<80x64xf32, #tpu.memory_space<vmem>>
        %get3A_574 = arith.index_cast %scan3A_508 : i32 to index
        %get3A_575 = arith.constant 48 : index
        %get3A_576 = tpu.vector_load %get3A_573[%get3A_574, %get3A_575] {strides = array<i32>} : memref<80x64xf32, #tpu.memory_space<vmem>>, vector<1x16xf32>,
        %get3A_577 = vector.shape_cast %get3A_576 : vector<1x16xf32> to vector<16xf32>
        %mul3A_578 = arith.mulf %get3A_577, %broadcast_in_dim3A_515 : vector<16xf32>
        %swap3A_579 = arith.constant 0 : i32
        %swap3A_580 = arith.constant 0 : i32
        %swap3A_581 = tpu.memref_slice %arg11[%scan3A_386, %swap3A_579, %swap3A_580] : memref<3x80x64xf32, #tpu.memory_space<vmem>> -> memref<1x80x64xf32, #tpu.memory_space<vmem>>
        %swap3A_582 = tpu.memref_squeeze %swap3A_581 : memref<1x80x64xf32, #tpu.memory_space<vmem>> -> memref<80x64xf32, #tpu.memory_space<vmem>>
        %swap3A_583 = arith.index_cast %scan3A_508 : i32 to index
        %swap3A_584 = arith.constant 48 : index
        %swap3A_585 = tpu.vector_load %swap3A_582[%swap3A_583, %swap3A_584] {strides = array<i32>} : memref<80x64xf32, #tpu.memory_space<vmem>>, vector<1x16xf32>,
        %swap3A_586 = vector.shape_cast %swap3A_585 : vector<1x16xf32> to vector<16xf32>
        %swap3A_587 = vector.shape_cast %mul3A_578 : vector<16xf32> to vector<1x16xf32>
        tpu.vector_store %swap3A_582[%swap3A_583, %swap3A_584], %swap3A_587 {strides = array<i32>} : memref<80x64xf32, #tpu.memory_space<vmem>>, vector<1x16xf32>,
        %scan3A_588 = arith.constant 1 : i32
        %scan3A_589 = arith.addi %scan3A_508, %scan3A_588 : i32
        %mul3A_590 = arith.constant 80 : i32
        %mul3A_591 = arith.muli %add3A_370, %mul3A_590 : i32
        %add3A_592 = arith.addi %mul3A_591, %scan3A_589 : i32
        %get3A_593 = arith.index_cast %add3A_592 : i32 to index
        %get3A_594 = tpu.vector_load %arg10[%get3A_593] {strides = array<i32>} : memref<20016xf32, #tpu.memory_space<vmem>>, vector<16xf32>,
        %get3A_595 = vector.shape_cast %get3A_594 : vector<16xf32> to vector<16xf32>
        %slice3A_596 = vector.extract_strided_slice %get3A_595 {offsets = [0], sizes = [1], strides = [1]} : vector<16xf32> to vector<1xf32>
        %squeeze3A_597 = vector.extract %slice3A_596[0] : f32 from vector<1xf32>
        %broadcast_in_dim3A_598 = vector.broadcast %squeeze3A_597 : f32 to vector<16xf32>
        %get3A_599 = arith.constant 0 : i32
        %get3A_600 = arith.constant 0 : i32
        %get3A_601 = tpu.memref_slice %arg11[%scan3A_386, %get3A_599, %get3A_600] : memref<3x80x64xf32, #tpu.memory_space<vmem>> -> memref<1x80x64xf32, #tpu.memory_space<vmem>>
        %get3A_602 = tpu.memref_squeeze %get3A_601 : memref<1x80x64xf32, #tpu.memory_space<vmem>> -> memref<80x64xf32, #tpu.memory_space<vmem>>
        %get3A_603 = arith.index_cast %scan3A_589 : i32 to index
        %get3A_604 = arith.constant 0 : index
        %get3A_605 = tpu.vector_load %get3A_602[%get3A_603, %get3A_604] {strides = array<i32>} : memref<80x64xf32, #tpu.memory_space<vmem>>, vector<1x16xf32>,
        %get3A_606 = vector.shape_cast %get3A_605 : vector<1x16xf32> to vector<16xf32>
        %mul3A_607 = arith.mulf %get3A_606, %broadcast_in_dim3A_598 : vector<16xf32>
        %swap3A_608 = arith.constant 0 : i32
        %swap3A_609 = arith.constant 0 : i32
        %swap3A_610 = tpu.memref_slice %arg11[%scan3A_386, %swap3A_608, %swap3A_609] : memref<3x80x64xf32, #tpu.memory_space<vmem>> -> memref<1x80x64xf32, #tpu.memory_space<vmem>>
        %swap3A_611 = tpu.memref_squeeze %swap3A_610 : memref<1x80x64xf32, #tpu.memory_space<vmem>> -> memref<80x64xf32, #tpu.memory_space<vmem>>
        %swap3A_612 = arith.index_cast %scan3A_589 : i32 to index
        %swap3A_613 = arith.constant 0 : index
        %swap3A_614 = tpu.vector_load %swap3A_611[%swap3A_612, %swap3A_613] {strides = array<i32>} : memref<80x64xf32, #tpu.memory_space<vmem>>, vector<1x16xf32>,
        %swap3A_615 = vector.shape_cast %swap3A_614 : vector<1x16xf32> to vector<16xf32>
        %swap3A_616 = vector.shape_cast %mul3A_607 : vector<16xf32> to vector<1x16xf32>
        tpu.vector_store %swap3A_611[%swap3A_612, %swap3A_613], %swap3A_616 {strides = array<i32>} : memref<80x64xf32, #tpu.memory_space<vmem>>, vector<1x16xf32>,
        %get3A_617 = arith.constant 0 : i32
        %get3A_618 = arith.constant 0 : i32
        %get3A_619 = tpu.memref_slice %arg11[%scan3A_386, %get3A_617, %get3A_618] : memref<3x80x64xf32, #tpu.memory_space<vmem>> -> memref<1x80x64xf32, #tpu.memory_space<vmem>>
        %get3A_620 = tpu.memref_squeeze %get3A_619 : memref<1x80x64xf32, #tpu.memory_space<vmem>> -> memref<80x64xf32, #tpu.memory_space<vmem>>
        %get3A_621 = arith.index_cast %scan3A_589 : i32 to index
        %get3A_622 = arith.constant 16 : index
        %get3A_623 = tpu.vector_load %get3A_620[%get3A_621, %get3A_622] {strides = array<i32>} : memref<80x64xf32, #tpu.memory_space<vmem>>, vector<1x16xf32>,
        %get3A_624 = vector.shape_cast %get3A_623 : vector<1x16xf32> to vector<16xf32>
        %mul3A_625 = arith.mulf %get3A_624, %broadcast_in_dim3A_598 : vector<16xf32>
        %swap3A_626 = arith.constant 0 : i32
        %swap3A_627 = arith.constant 0 : i32
        %swap3A_628 = tpu.memref_slice %arg11[%scan3A_386, %swap3A_626, %swap3A_627] : memref<3x80x64xf32, #tpu.memory_space<vmem>> -> memref<1x80x64xf32, #tpu.memory_space<vmem>>
        %swap3A_629 = tpu.memref_squeeze %swap3A_628 : memref<1x80x64xf32, #tpu.memory_space<vmem>> -> memref<80x64xf32, #tpu.memory_space<vmem>>
        %swap3A_630 = arith.index_cast %scan3A_589 : i32 to index
        %swap3A_631 = arith.constant 16 : index
        %swap3A_632 = tpu.vector_load %swap3A_629[%swap3A_630, %swap3A_631] {strides = array<i32>} : memref<80x64xf32, #tpu.memory_space<vmem>>, vector<1x16xf32>,
        %swap3A_633 = vector.shape_cast %swap3A_632 : vector<1x16xf32> to vector<16xf32>
        %swap3A_634 = vector.shape_cast %mul3A_625 : vector<16xf32> to vector<1x16xf32>
        tpu.vector_store %swap3A_629[%swap3A_630, %swap3A_631], %swap3A_634 {strides = array<i32>} : memref<80x64xf32, #tpu.memory_space<vmem>>, vector<1x16xf32>,
        %get3A_635 = arith.constant 0 : i32
        %get3A_636 = arith.constant 0 : i32
        %get3A_637 = tpu.memref_slice %arg11[%scan3A_386, %get3A_635, %get3A_636] : memref<3x80x64xf32, #tpu.memory_space<vmem>> -> memref<1x80x64xf32, #tpu.memory_space<vmem>>
        %get3A_638 = tpu.memref_squeeze %get3A_637 : memref<1x80x64xf32, #tpu.memory_space<vmem>> -> memref<80x64xf32, #tpu.memory_space<vmem>>
        %get3A_639 = arith.index_cast %scan3A_589 : i32 to index
        %get3A_640 = arith.constant 32 : index
        %get3A_641 = tpu.vector_load %get3A_638[%get3A_639, %get3A_640] {strides = array<i32>} : memref<80x64xf32, #tpu.memory_space<vmem>>, vector<1x16xf32>,
        %get3A_642 = vector.shape_cast %get3A_641 : vector<1x16xf32> to vector<16xf32>
        %mul3A_643 = arith.mulf %get3A_642, %broadcast_in_dim3A_598 : vector<16xf32>
        %swap3A_644 = arith.constant 0 : i32
        %swap3A_645 = arith.constant 0 : i32
        %swap3A_646 = tpu.memref_slice %arg11[%scan3A_386, %swap3A_644, %swap3A_645] : memref<3x80x64xf32, #tpu.memory_space<vmem>> -> memref<1x80x64xf32, #tpu.memory_space<vmem>>
        %swap3A_647 = tpu.memref_squeeze %swap3A_646 : memref<1x80x64xf32, #tpu.memory_space<vmem>> -> memref<80x64xf32, #tpu.memory_space<vmem>>
        %swap3A_648 = arith.index_cast %scan3A_589 : i32 to index
        %swap3A_649 = arith.constant 32 : index
        %swap3A_650 = tpu.vector_load %swap3A_647[%swap3A_648, %swap3A_649] {strides = array<i32>} : memref<80x64xf32, #tpu.memory_space<vmem>>, vector<1x16xf32>,
        %swap3A_651 = vector.shape_cast %swap3A_650 : vector<1x16xf32> to vector<16xf32>
        %swap3A_652 = vector.shape_cast %mul3A_643 : vector<16xf32> to vector<1x16xf32>
        tpu.vector_store %swap3A_647[%swap3A_648, %swap3A_649], %swap3A_652 {strides = array<i32>} : memref<80x64xf32, #tpu.memory_space<vmem>>, vector<1x16xf32>,
        %get3A_653 = arith.constant 0 : i32
        %get3A_654 = arith.constant 0 : i32
        %get3A_655 = tpu.memref_slice %arg11[%scan3A_386, %get3A_653, %get3A_654] : memref<3x80x64xf32, #tpu.memory_space<vmem>> -> memref<1x80x64xf32, #tpu.memory_space<vmem>>
        %get3A_656 = tpu.memref_squeeze %get3A_655 : memref<1x80x64xf32, #tpu.memory_space<vmem>> -> memref<80x64xf32, #tpu.memory_space<vmem>>
        %get3A_657 = arith.index_cast %scan3A_589 : i32 to index
        %get3A_658 = arith.constant 48 : index
        %get3A_659 = tpu.vector_load %get3A_656[%get3A_657, %get3A_658] {strides = array<i32>} : memref<80x64xf32, #tpu.memory_space<vmem>>, vector<1x16xf32>,
        %get3A_660 = vector.shape_cast %get3A_659 : vector<1x16xf32> to vector<16xf32>
        %mul3A_661 = arith.mulf %get3A_660, %broadcast_in_dim3A_598 : vector<16xf32>
        %swap3A_662 = arith.constant 0 : i32
        %swap3A_663 = arith.constant 0 : i32
        %swap3A_664 = tpu.memref_slice %arg11[%scan3A_386, %swap3A_662, %swap3A_663] : memref<3x80x64xf32, #tpu.memory_space<vmem>> -> memref<1x80x64xf32, #tpu.memory_space<vmem>>
        %swap3A_665 = tpu.memref_squeeze %swap3A_664 : memref<1x80x64xf32, #tpu.memory_space<vmem>> -> memref<80x64xf32, #tpu.memory_space<vmem>>
        %swap3A_666 = arith.index_cast %scan3A_589 : i32 to index
        %swap3A_667 = arith.constant 48 : index
        %swap3A_668 = tpu.vector_load %swap3A_665[%swap3A_666, %swap3A_667] {strides = array<i32>} : memref<80x64xf32, #tpu.memory_space<vmem>>, vector<1x16xf32>,
        %swap3A_669 = vector.shape_cast %swap3A_668 : vector<1x16xf32> to vector<16xf32>
        %swap3A_670 = vector.shape_cast %mul3A_661 : vector<16xf32> to vector<1x16xf32>
        tpu.vector_store %swap3A_665[%swap3A_666, %swap3A_667], %swap3A_670 {strides = array<i32>} : memref<80x64xf32, #tpu.memory_space<vmem>>, vector<1x16xf32>,
      }
      %scan3A_391 = arith.constant 80 : i32
      %sub3A = arith.constant 1 : i32
      %sub3A_392 = arith.subi %add3A_370, %sub3A : i32
      %dma_wait3A_393 = arith.constant 0 : i32
      %dma_wait3A_394 = arith.constant 0 : i32
      %dma_wait3A_395 = arith.constant 0 : i32
      %dma_wait3A_396 = arith.constant 0 : i32
      %dma_wait3A_397 = tpu.memref_slice %arg11[%dma_wait3A_393, %dma_wait3A_395, %dma_wait3A_396] : memref<3x80x64xf32, #tpu.memory_space<vmem>> -> memref<1x80x64xf32, #tpu.memory_space<vmem>>
      %dma_wait3A_398 = tpu.memref_squeeze %dma_wait3A_397 : memref<1x80x64xf32, #tpu.memory_space<vmem>> -> memref<80x64xf32, #tpu.memory_space<vmem>>
      %dma_wait3A_399 = arith.constant 0 : i32
      %dma_wait3A_400 = tpu.memref_slice %arg9[%sub3A_392, %dma_wait3A_399] : memref<250x80xi32, #tpu.memory_space<vmem>> -> memref<1x80xi32, #tpu.memory_space<vmem>>
      %dma_wait3A_401 = tpu.memref_squeeze %dma_wait3A_400 : memref<1x80xi32, #tpu.memory_space<vmem>> -> memref<80xi32, #tpu.memory_space<vmem>>
      %dma_wait3A_402 = arith.constant 0 : i32
      %dma_wait3A_403 = arith.constant 0 : i32
      %dma_wait3A_404 = tpu.memref_slice %arg12[%dma_wait3A_402, %dma_wait3A_403] : memref<10112x64xf32, #tpu.memory_space<vmem_shared>> -> memref<10112x64xf32, #tpu.memory_space<vmem_shared>>
      %dma_wait3A_405 = tpu.memref_slice %arg14[%dma_wait3A_394] : memref<3x!tpu.dma_semaphore, #tpu.memory_space<semaphore_mem>> -> memref<1x!tpu.dma_semaphore, #tpu.memory_space<semaphore_mem>>
      %dma_wait3A_406 = tpu.memref_squeeze %dma_wait3A_405 : memref<1x!tpu.dma_semaphore, #tpu.memory_space<semaphore_mem>> -> memref<!tpu.dma_semaphore, #tpu.memory_space<semaphore_mem>>
      tpu.wait_indirect_dma semaphore(%dma_wait3A_406 : memref<!tpu.dma_semaphore, #tpu.memory_space<semaphore_mem>>) src(%dma_wait3A_398 : memref<80x64xf32, #tpu.memory_space<vmem>>) dst(%dma_wait3A_404 : memref<10112x64xf32, #tpu.memory_space<vmem_shared>>)
      %add3A_407 = arith.constant 2 : i32
      %add3A_408 = arith.addi %add3A_370, %add3A_407 : i32
      %mul3A_409 = arith.constant 80 : i32
      %mul3A_410 = arith.muli %add3A_408, %mul3A_409 : i32
      %dma_start3A_411 = arith.constant 0 : i32
      %dma_start3A_412 = arith.constant 0 : i32
      %dma_start3A_413 = arith.constant 0 : i32
      %dma_start3A_414 = arith.constant 0 : i32
      %dma_start3A_415 = tpu.memref_slice %arg11[%dma_start3A_411, %dma_start3A_413, %dma_start3A_414] : memref<3x80x64xf32, #tpu.memory_space<vmem>> -> memref<1x80x64xf32, #tpu.memory_space<vmem>>
      %dma_start3A_416 = tpu.memref_squeeze %dma_start3A_415 : memref<1x80x64xf32, #tpu.memory_space<vmem>> -> memref<80x64xf32, #tpu.memory_space<vmem>>
      %dma_start3A_417 = tpu.memref_slice %arg8[%mul3A_410] : memref<20016xi32, #tpu.memory_space<vmem>> -> memref<80xi32, #tpu.memory_space<vmem>>
      %dma_start3A_418 = arith.constant 0 : i32
      %dma_start3A_419 = arith.constant 0 : i32
      %dma_start3A_420 = tpu.memref_slice %arg5[%dma_start3A_418, %dma_start3A_419] : memref<20000x64xf32, #tpu.memory_space<hbm>> -> memref<20000x64xf32, #tpu.memory_space<hbm>>
      %dma_start3A_421 = tpu.memref_slice %arg13[%dma_start3A_412] : memref<3x!tpu.dma_semaphore, #tpu.memory_space<semaphore_mem>> -> memref<1x!tpu.dma_semaphore, #tpu.memory_space<semaphore_mem>>
      %dma_start3A_422 = tpu.memref_squeeze %dma_start3A_421 : memref<1x!tpu.dma_semaphore, #tpu.memory_space<semaphore_mem>> -> memref<!tpu.dma_semaphore, #tpu.memory_space<semaphore_mem>>
      tpu.enqueue_indirect_dma source(%dma_start3A_420 : memref<20000x64xf32, #tpu.memory_space<hbm>>) target(%dma_start3A_416 : memref<80x64xf32, #tpu.memory_space<vmem>>) offsets(%dma_start3A_417 : memref<80xi32, #tpu.memory_space<vmem>>) semaphore(%dma_start3A_422 : memref<!tpu.dma_semaphore, #tpu.memory_space<semaphore_mem>>)
      %dma_start3A_423 = arith.constant 1 : i32
      %dma_start3A_424 = arith.constant 1 : i32
      %dma_start3A_425 = arith.constant 0 : i32
      %dma_start3A_426 = arith.constant 0 : i32
      %dma_start3A_427 = tpu.memref_slice %arg11[%dma_start3A_423, %dma_start3A_425, %dma_start3A_426] : memref<3x80x64xf32, #tpu.memory_space<vmem>> -> memref<1x80x64xf32, #tpu.memory_space<vmem>>
      %dma_start3A_428 = tpu.memref_squeeze %dma_start3A_427 : memref<1x80x64xf32, #tpu.memory_space<vmem>> -> memref<80x64xf32, #tpu.memory_space<vmem>>
      %dma_start3A_429 = arith.constant 0 : i32
      %dma_start3A_430 = tpu.memref_slice %arg9[%add3A_370, %dma_start3A_429] : memref<250x80xi32, #tpu.memory_space<vmem>> -> memref<1x80xi32, #tpu.memory_space<vmem>>
      %dma_start3A_431 = tpu.memref_squeeze %dma_start3A_430 : memref<1x80xi32, #tpu.memory_space<vmem>> -> memref<80xi32, #tpu.memory_space<vmem>>
      %dma_start3A_432 = arith.constant 0 : i32
      %dma_start3A_433 = arith.constant 0 : i32
      %dma_start3A_434 = tpu.memref_slice %arg12[%dma_start3A_432, %dma_start3A_433] : memref<10112x64xf32, #tpu.memory_space<vmem_shared>> -> memref<10112x64xf32, #tpu.memory_space<vmem_shared>>
      %dma_start3A_435 = tpu.memref_slice %arg14[%dma_start3A_424] : memref<3x!tpu.dma_semaphore, #tpu.memory_space<semaphore_mem>> -> memref<1x!tpu.dma_semaphore, #tpu.memory_space<semaphore_mem>>
      %dma_start3A_436 = tpu.memref_squeeze %dma_start3A_435 : memref<1x!tpu.dma_semaphore, #tpu.memory_space<semaphore_mem>> -> memref<!tpu.dma_semaphore, #tpu.memory_space<semaphore_mem>>
      tpu.enqueue_indirect_dma source(%dma_start3A_428 : memref<80x64xf32, #tpu.memory_space<vmem>>) target(%dma_start3A_434 : memref<10112x64xf32, #tpu.memory_space<vmem_shared>>) offsets(%dma_start3A_431 : memref<80xi32, #tpu.memory_space<vmem>>) semaphore(%dma_start3A_436 : memref<!tpu.dma_semaphore, #tpu.memory_space<semaphore_mem>>) {add = true}
      %mul3A_437 = arith.constant 3 : i32
      %mul3A_438 = arith.muli %scan3A_309, %mul3A_437 : i32
      %add3A_439 = arith.constant 2 : i32
      %add3A_440 = arith.addi %mul3A_438, %add3A_439 : i32
      %mul3A_441 = arith.constant 80 : i32
      %mul3A_442 = arith.muli %add3A_440, %mul3A_441 : i32
      %dma_wait3A_443 = arith.constant 2 : i32
      %dma_wait3A_444 = arith.constant 2 : i32
      %dma_wait3A_445 = arith.constant 0 : i32
      %dma_wait3A_446 = arith.constant 0 : i32
      %dma_wait3A_447 = tpu.memref_slice %arg11[%dma_wait3A_443, %dma_wait3A_445, %dma_wait3A_446] : memref<3x80x64xf32, #tpu.memory_space<vmem>> -> memref<1x80x64xf32, #tpu.memory_space<vmem>>
      %dma_wait3A_448 = tpu.memref_squeeze %dma_wait3A_447 : memref<1x80x64xf32, #tpu.memory_space<vmem>> -> memref<80x64xf32, #tpu.memory_space<vmem>>
      %dma_wait3A_449 = tpu.memref_slice %arg8[%mul3A_442] : memref<20016xi32, #tpu.memory_space<vmem>> -> memref<80xi32, #tpu.memory_space<vmem>>
      %dma_wait3A_450 = arith.constant 0 : i32
      %dma_wait3A_451 = arith.constant 0 : i32
      %dma_wait3A_452 = tpu.memref_slice %arg5[%dma_wait3A_450, %dma_wait3A_451] : memref<20000x64xf32, #tpu.memory_space<hbm>> -> memref<20000x64xf32, #tpu.memory_space<hbm>>
      %dma_wait3A_453 = tpu.memref_slice %arg13[%dma_wait3A_444] : memref<3x!tpu.dma_semaphore, #tpu.memory_space<semaphore_mem>> -> memref<1x!tpu.dma_semaphore, #tpu.memory_space<semaphore_mem>>
      %dma_wait3A_454 = tpu.memref_squeeze %dma_wait3A_453 : memref<1x!tpu.dma_semaphore, #tpu.memory_space<semaphore_mem>> -> memref<!tpu.dma_semaphore, #tpu.memory_space<semaphore_mem>>
      tpu.wait_indirect_dma semaphore(%dma_wait3A_454 : memref<!tpu.dma_semaphore, #tpu.memory_space<semaphore_mem>>) src(%dma_wait3A_452 : memref<20000x64xf32, #tpu.memory_space<hbm>>) dst(%dma_wait3A_448 : memref<80x64xf32, #tpu.memory_space<vmem>>)
      %scan3A_455 = arith.constant 0 : i32
      %scan3A_456 = arith.constant 2 : i32
      %scan3A_457 = arith.constant 0 : i32
      %scan3A_458 = arith.constant 80 : i32
      %scan3A_459 = arith.addi %scan3A_457, %scan3A_458 : i32
      %scan3A_460 = arith.constant 2 : i32
      scf.for %scan3A_508 = %scan3A_457 to %scan3A_459 step %scan3A_460  : i32 {
        %mul3A_509 = arith.constant 80 : i32
        %mul3A_510 = arith.muli %add3A_440, %mul3A_509 : i32
        %add3A_511 = arith.addi %mul3A_510, %scan3A_508 : i32
        %get3A_512 = arith.index_cast %add3A_511 : i32 to index
        %get3A_513 = tpu.vector_load %arg10[%get3A_512] {strides = array<i32>} : memref<20016xf32, #tpu.memory_space<vmem>>, vector<16xf32>,
        %get3A_514 = vector.shape_cast %get3A_513 : vector<16xf32> to vector<16xf32>
        %slice3A = vector.extract_strided_slice %get3A_514 {offsets = [0], sizes = [1], strides = [1]} : vector<16xf32> to vector<1xf32>
        %squeeze3A = vector.extract %slice3A[0] : f32 from vector<1xf32>
        %broadcast_in_dim3A_515 = vector.broadcast %squeeze3A : f32 to vector<16xf32>
        %get3A_516 = arith.constant 0 : i32
        %get3A_517 = arith.constant 0 : i32
        %get3A_518 = tpu.memref_slice %arg11[%scan3A_456, %get3A_516, %get3A_517] : memref<3x80x64xf32, #tpu.memory_space<vmem>> -> memref<1x80x64xf32, #tpu.memory_space<vmem>>
        %get3A_519 = tpu.memref_squeeze %get3A_518 : memref<1x80x64xf32, #tpu.memory_space<vmem>> -> memref<80x64xf32, #tpu.memory_space<vmem>>
        %get3A_520 = arith.index_cast %scan3A_508 : i32 to index
        %get3A_521 = arith.constant 0 : index
        %get3A_522 = tpu.vector_load %get3A_519[%get3A_520, %get3A_521] {strides = array<i32>} : memref<80x64xf32, #tpu.memory_space<vmem>>, vector<1x16xf32>,
        %get3A_523 = vector.shape_cast %get3A_522 : vector<1x16xf32> to vector<16xf32>
        %mul3A_524 = arith.mulf %get3A_523, %broadcast_in_dim3A_515 : vector<16xf32>
        %swap3A_525 = arith.constant 0 : i32
        %swap3A_526 = arith.constant 0 : i32
        %swap3A_527 = tpu.memref_slice %arg11[%scan3A_456, %swap3A_525, %swap3A_526] : memref<3x80x64xf32, #tpu.memory_space<vmem>> -> memref<1x80x64xf32, #tpu.memory_space<vmem>>
        %swap3A_528 = tpu.memref_squeeze %swap3A_527 : memref<1x80x64xf32, #tpu.memory_space<vmem>> -> memref<80x64xf32, #tpu.memory_space<vmem>>
        %swap3A_529 = arith.index_cast %scan3A_508 : i32 to index
        %swap3A_530 = arith.constant 0 : index
        %swap3A_531 = tpu.vector_load %swap3A_528[%swap3A_529, %swap3A_530] {strides = array<i32>} : memref<80x64xf32, #tpu.memory_space<vmem>>, vector<1x16xf32>,
        %swap3A_532 = vector.shape_cast %swap3A_531 : vector<1x16xf32> to vector<16xf32>
        %swap3A_533 = vector.shape_cast %mul3A_524 : vector<16xf32> to vector<1x16xf32>
        tpu.vector_store %swap3A_528[%swap3A_529, %swap3A_530], %swap3A_533 {strides = array<i32>} : memref<80x64xf32, #tpu.memory_space<vmem>>, vector<1x16xf32>,
        %get3A_534 = arith.constant 0 : i32
        %get3A_535 = arith.constant 0 : i32
        %get3A_536 = tpu.memref_slice %arg11[%scan3A_456, %get3A_534, %get3A_535] : memref<3x80x64xf32, #tpu.memory_space<vmem>> -> memref<1x80x64xf32, #tpu.memory_space<vmem>>
        %get3A_537 = tpu.memref_squeeze %get3A_536 : memref<1x80x64xf32, #tpu.memory_space<vmem>> -> memref<80x64xf32, #tpu.memory_space<vmem>>
        %get3A_538 = arith.index_cast %scan3A_508 : i32 to index
        %get3A_539 = arith.constant 16 : index
        %get3A_540 = tpu.vector_load %get3A_537[%get3A_538, %get3A_539] {strides = array<i32>} : memref<80x64xf32, #tpu.memory_space<vmem>>, vector<1x16xf32>,
        %get3A_541 = vector.shape_cast %get3A_540 : vector<1x16xf32> to vector<16xf32>
        %mul3A_542 = arith.mulf %get3A_541, %broadcast_in_dim3A_515 : vector<16xf32>
        %swap3A_543 = arith.constant 0 : i32
        %swap3A_544 = arith.constant 0 : i32
        %swap3A_545 = tpu.memref_slice %arg11[%scan3A_456, %swap3A_543, %swap3A_544] : memref<3x80x64xf32, #tpu.memory_space<vmem>> -> memref<1x80x64xf32, #tpu.memory_space<vmem>>
        %swap3A_546 = tpu.memref_squeeze %swap3A_545 : memref<1x80x64xf32, #tpu.memory_space<vmem>> -> memref<80x64xf32, #tpu.memory_space<vmem>>
        %swap3A_547 = arith.index_cast %scan3A_508 : i32 to index
        %swap3A_548 = arith.constant 16 : index
        %swap3A_549 = tpu.vector_load %swap3A_546[%swap3A_547, %swap3A_548] {strides = array<i32>} : memref<80x64xf32, #tpu.memory_space<vmem>>, vector<1x16xf32>,
        %swap3A_550 = vector.shape_cast %swap3A_549 : vector<1x16xf32> to vector<16xf32>
        %swap3A_551 = vector.shape_cast %mul3A_542 : vector<16xf32> to vector<1x16xf32>
        tpu.vector_store %swap3A_546[%swap3A_547, %swap3A_548], %swap3A_551 {strides = array<i32>} : memref<80x64xf32, #tpu.memory_space<vmem>>, vector<1x16xf32>,
        %get3A_552 = arith.constant 0 : i32
        %get3A_553 = arith.constant 0 : i32
        %get3A_554 = tpu.memref_slice %arg11[%scan3A_456, %get3A_552, %get3A_553] : memref<3x80x64xf32, #tpu.memory_space<vmem>> -> memref<1x80x64xf32, #tpu.memory_space<vmem>>
        %get3A_555 = tpu.memref_squeeze %get3A_554 : memref<1x80x64xf32, #tpu.memory_space<vmem>> -> memref<80x64xf32, #tpu.memory_space<vmem>>
        %get3A_556 = arith.index_cast %scan3A_508 : i32 to index
        %get3A_557 = arith.constant 32 : index
        %get3A_558 = tpu.vector_load %get3A_555[%get3A_556, %get3A_557] {strides = array<i32>} : memref<80x64xf32, #tpu.memory_space<vmem>>, vector<1x16xf32>,
        %get3A_559 = vector.shape_cast %get3A_558 : vector<1x16xf32> to vector<16xf32>
        %mul3A_560 = arith.mulf %get3A_559, %broadcast_in_dim3A_515 : vector<16xf32>
        %swap3A_561 = arith.constant 0 : i32
        %swap3A_562 = arith.constant 0 : i32
        %swap3A_563 = tpu.memref_slice %arg11[%scan3A_456, %swap3A_561, %swap3A_562] : memref<3x80x64xf32, #tpu.memory_space<vmem>> -> memref<1x80x64xf32, #tpu.memory_space<vmem>>
        %swap3A_564 = tpu.memref_squeeze %swap3A_563 : memref<1x80x64xf32, #tpu.memory_space<vmem>> -> memref<80x64xf32, #tpu.memory_space<vmem>>
        %swap3A_565 = arith.index_cast %scan3A_508 : i32 to index
        %swap3A_566 = arith.constant 32 : index
        %swap3A_567 = tpu.vector_load %swap3A_564[%swap3A_565, %swap3A_566] {strides = array<i32>} : memref<80x64xf32, #tpu.memory_space<vmem>>, vector<1x16xf32>,
        %swap3A_568 = vector.shape_cast %swap3A_567 : vector<1x16xf32> to vector<16xf32>
        %swap3A_569 = vector.shape_cast %mul3A_560 : vector<16xf32> to vector<1x16xf32>
        tpu.vector_store %swap3A_564[%swap3A_565, %swap3A_566], %swap3A_569 {strides = array<i32>} : memref<80x64xf32, #tpu.memory_space<vmem>>, vector<1x16xf32>,
        %get3A_570 = arith.constant 0 : i32
        %get3A_571 = arith.constant 0 : i32
        %get3A_572 = tpu.memref_slice %arg11[%scan3A_456, %get3A_570, %get3A_571] : memref<3x80x64xf32, #tpu.memory_space<vmem>> -> memref<1x80x64xf32, #tpu.memory_space<vmem>>
        %get3A_573 = tpu.memref_squeeze %get3A_572 : memref<1x80x64xf32, #tpu.memory_space<vmem>> -> memref<80x64xf32, #tpu.memory_space<vmem>>
        %get3A_574 = arith.index_cast %scan3A_508 : i32 to index
        %get3A_575 = arith.constant 48 : index
        %get3A_576 = tpu.vector_load %get3A_573[%get3A_574, %get3A_575] {strides = array<i32>} : memref<80x64xf32, #tpu.memory_space<vmem>>, vector<1x16xf32>,
        %get3A_577 = vector.shape_cast %get3A_576 : vector<1x16xf32> to vector<16xf32>
        %mul3A_578 = arith.mulf %get3A_577, %broadcast_in_dim3A_515 : vector<16xf32>
        %swap3A_579 = arith.constant 0 : i32
        %swap3A_580 = arith.constant 0 : i32
        %swap3A_581 = tpu.memref_slice %arg11[%scan3A_456, %swap3A_579, %swap3A_580] : memref<3x80x64xf32, #tpu.memory_space<vmem>> -> memref<1x80x64xf32, #tpu.memory_space<vmem>>
        %swap3A_582 = tpu.memref_squeeze %swap3A_581 : memref<1x80x64xf32, #tpu.memory_space<vmem>> -> memref<80x64xf32, #tpu.memory_space<vmem>>
        %swap3A_583 = arith.index_cast %scan3A_508 : i32 to index
        %swap3A_584 = arith.constant 48 : index
        %swap3A_585 = tpu.vector_load %swap3A_582[%swap3A_583, %swap3A_584] {strides = array<i32>} : memref<80x64xf32, #tpu.memory_space<vmem>>, vector<1x16xf32>,
        %swap3A_586 = vector.shape_cast %swap3A_585 : vector<1x16xf32> to vector<16xf32>
        %swap3A_587 = vector.shape_cast %mul3A_578 : vector<16xf32> to vector<1x16xf32>
        tpu.vector_store %swap3A_582[%swap3A_583, %swap3A_584], %swap3A_587 {strides = array<i32>} : memref<80x64xf32, #tpu.memory_space<vmem>>, vector<1x16xf32>,
        %scan3A_588 = arith.constant 1 : i32
        %scan3A_589 = arith.addi %scan3A_508, %scan3A_588 : i32
        %mul3A_590 = arith.constant 80 : i32
        %mul3A_591 = arith.muli %add3A_440, %mul3A_590 : i32
        %add3A_592 = arith.addi %mul3A_591, %scan3A_589 : i32
        %get3A_593 = arith.index_cast %add3A_592 : i32 to index
        %get3A_594 = tpu.vector_load %arg10[%get3A_593] {strides = array<i32>} : memref<20016xf32, #tpu.memory_space<vmem>>, vector<16xf32>,
        %get3A_595 = vector.shape_cast %get3A_594 : vector<16xf32> to vector<16xf32>
        %slice3A_596 = vector.extract_strided_slice %get3A_595 {offsets = [0], sizes = [1], strides = [1]} : vector<16xf32> to vector<1xf32>
        %squeeze3A_597 = vector.extract %slice3A_596[0] : f32 from vector<1xf32>
        %broadcast_in_dim3A_598 = vector.broadcast %squeeze3A_597 : f32 to vector<16xf32>
        %get3A_599 = arith.constant 0 : i32
        %get3A_600 = arith.constant 0 : i32
        %get3A_601 = tpu.memref_slice %arg11[%scan3A_456, %get3A_599, %get3A_600] : memref<3x80x64xf32, #tpu.memory_space<vmem>> -> memref<1x80x64xf32, #tpu.memory_space<vmem>>
        %get3A_602 = tpu.memref_squeeze %get3A_601 : memref<1x80x64xf32, #tpu.memory_space<vmem>> -> memref<80x64xf32, #tpu.memory_space<vmem>>
        %get3A_603 = arith.index_cast %scan3A_589 : i32 to index
        %get3A_604 = arith.constant 0 : index
        %get3A_605 = tpu.vector_load %get3A_602[%get3A_603, %get3A_604] {strides = array<i32>} : memref<80x64xf32, #tpu.memory_space<vmem>>, vector<1x16xf32>,
        %get3A_606 = vector.shape_cast %get3A_605 : vector<1x16xf32> to vector<16xf32>
        %mul3A_607 = arith.mulf %get3A_606, %broadcast_in_dim3A_598 : vector<16xf32>
        %swap3A_608 = arith.constant 0 : i32
        %swap3A_609 = arith.constant 0 : i32
        %swap3A_610 = tpu.memref_slice %arg11[%scan3A_456, %swap3A_608, %swap3A_609] : memref<3x80x64xf32, #tpu.memory_space<vmem>> -> memref<1x80x64xf32, #tpu.memory_space<vmem>>
        %swap3A_611 = tpu.memref_squeeze %swap3A_610 : memref<1x80x64xf32, #tpu.memory_space<vmem>> -> memref<80x64xf32, #tpu.memory_space<vmem>>
        %swap3A_612 = arith.index_cast %scan3A_589 : i32 to index
        %swap3A_613 = arith.constant 0 : index
        %swap3A_614 = tpu.vector_load %swap3A_611[%swap3A_612, %swap3A_613] {strides = array<i32>} : memref<80x64xf32, #tpu.memory_space<vmem>>, vector<1x16xf32>,
        %swap3A_615 = vector.shape_cast %swap3A_614 : vector<1x16xf32> to vector<16xf32>
        %swap3A_616 = vector.shape_cast %mul3A_607 : vector<16xf32> to vector<1x16xf32>
        tpu.vector_store %swap3A_611[%swap3A_612, %swap3A_613], %swap3A_616 {strides = array<i32>} : memref<80x64xf32, #tpu.memory_space<vmem>>, vector<1x16xf32>,
        %get3A_617 = arith.constant 0 : i32
        %get3A_618 = arith.constant 0 : i32
        %get3A_619 = tpu.memref_slice %arg11[%scan3A_456, %get3A_617, %get3A_618] : memref<3x80x64xf32, #tpu.memory_space<vmem>> -> memref<1x80x64xf32, #tpu.memory_space<vmem>>
        %get3A_620 = tpu.memref_squeeze %get3A_619 : memref<1x80x64xf32, #tpu.memory_space<vmem>> -> memref<80x64xf32, #tpu.memory_space<vmem>>
        %get3A_621 = arith.index_cast %scan3A_589 : i32 to index
        %get3A_622 = arith.constant 16 : index
        %get3A_623 = tpu.vector_load %get3A_620[%get3A_621, %get3A_622] {strides = array<i32>} : memref<80x64xf32, #tpu.memory_space<vmem>>, vector<1x16xf32>,
        %get3A_624 = vector.shape_cast %get3A_623 : vector<1x16xf32> to vector<16xf32>
        %mul3A_625 = arith.mulf %get3A_624, %broadcast_in_dim3A_598 : vector<16xf32>
        %swap3A_626 = arith.constant 0 : i32
        %swap3A_627 = arith.constant 0 : i32
        %swap3A_628 = tpu.memref_slice %arg11[%scan3A_456, %swap3A_626, %swap3A_627] : memref<3x80x64xf32, #tpu.memory_space<vmem>> -> memref<1x80x64xf32, #tpu.memory_space<vmem>>
        %swap3A_629 = tpu.memref_squeeze %swap3A_628 : memref<1x80x64xf32, #tpu.memory_space<vmem>> -> memref<80x64xf32, #tpu.memory_space<vmem>>
        %swap3A_630 = arith.index_cast %scan3A_589 : i32 to index
        %swap3A_631 = arith.constant 16 : index
        %swap3A_632 = tpu.vector_load %swap3A_629[%swap3A_630, %swap3A_631] {strides = array<i32>} : memref<80x64xf32, #tpu.memory_space<vmem>>, vector<1x16xf32>,
        %swap3A_633 = vector.shape_cast %swap3A_632 : vector<1x16xf32> to vector<16xf32>
        %swap3A_634 = vector.shape_cast %mul3A_625 : vector<16xf32> to vector<1x16xf32>
        tpu.vector_store %swap3A_629[%swap3A_630, %swap3A_631], %swap3A_634 {strides = array<i32>} : memref<80x64xf32, #tpu.memory_space<vmem>>, vector<1x16xf32>,
        %get3A_635 = arith.constant 0 : i32
        %get3A_636 = arith.constant 0 : i32
        %get3A_637 = tpu.memref_slice %arg11[%scan3A_456, %get3A_635, %get3A_636] : memref<3x80x64xf32, #tpu.memory_space<vmem>> -> memref<1x80x64xf32, #tpu.memory_space<vmem>>
        %get3A_638 = tpu.memref_squeeze %get3A_637 : memref<1x80x64xf32, #tpu.memory_space<vmem>> -> memref<80x64xf32, #tpu.memory_space<vmem>>
        %get3A_639 = arith.index_cast %scan3A_589 : i32 to index
        %get3A_640 = arith.constant 32 : index
        %get3A_641 = tpu.vector_load %get3A_638[%get3A_639, %get3A_640] {strides = array<i32>} : memref<80x64xf32, #tpu.memory_space<vmem>>, vector<1x16xf32>,
        %get3A_642 = vector.shape_cast %get3A_641 : vector<1x16xf32> to vector<16xf32>
        %mul3A_643 = arith.mulf %get3A_642, %broadcast_in_dim3A_598 : vector<16xf32>
        %swap3A_644 = arith.constant 0 : i32
        %swap3A_645 = arith.constant 0 : i32
        %swap3A_646 = tpu.memref_slice %arg11[%scan3A_456, %swap3A_644, %swap3A_645] : memref<3x80x64xf32, #tpu.memory_space<vmem>> -> memref<1x80x64xf32, #tpu.memory_space<vmem>>
        %swap3A_647 = tpu.memref_squeeze %swap3A_646 : memref<1x80x64xf32, #tpu.memory_space<vmem>> -> memref<80x64xf32, #tpu.memory_space<vmem>>
        %swap3A_648 = arith.index_cast %scan3A_589 : i32 to index
        %swap3A_649 = arith.constant 32 : index
        %swap3A_650 = tpu.vector_load %swap3A_647[%swap3A_648, %swap3A_649] {strides = array<i32>} : memref<80x64xf32, #tpu.memory_space<vmem>>, vector<1x16xf32>,
        %swap3A_651 = vector.shape_cast %swap3A_650 : vector<1x16xf32> to vector<16xf32>
        %swap3A_652 = vector.shape_cast %mul3A_643 : vector<16xf32> to vector<1x16xf32>
        tpu.vector_store %swap3A_647[%swap3A_648, %swap3A_649], %swap3A_652 {strides = array<i32>} : memref<80x64xf32, #tpu.memory_space<vmem>>, vector<1x16xf32>,
        %get3A_653 = arith.constant 0 : i32
        %get3A_654 = arith.constant 0 : i32
        %get3A_655 = tpu.memref_slice %arg11[%scan3A_456, %get3A_653, %get3A_654] : memref<3x80x64xf32, #tpu.memory_space<vmem>> -> memref<1x80x64xf32, #tpu.memory_space<vmem>>
        %get3A_656 = tpu.memref_squeeze %get3A_655 : memref<1x80x64xf32, #tpu.memory_space<vmem>> -> memref<80x64xf32, #tpu.memory_space<vmem>>
        %get3A_657 = arith.index_cast %scan3A_589 : i32 to index
        %get3A_658 = arith.constant 48 : index
        %get3A_659 = tpu.vector_load %get3A_656[%get3A_657, %get3A_658] {strides = array<i32>} : memref<80x64xf32, #tpu.memory_space<vmem>>, vector<1x16xf32>,
        %get3A_660 = vector.shape_cast %get3A_659 : vector<1x16xf32> to vector<16xf32>
        %mul3A_661 = arith.mulf %get3A_660, %broadcast_in_dim3A_598 : vector<16xf32>
        %swap3A_662 = arith.constant 0 : i32
        %swap3A_663 = arith.constant 0 : i32
        %swap3A_664 = tpu.memref_slice %arg11[%scan3A_456, %swap3A_662, %swap3A_663] : memref<3x80x64xf32, #tpu.memory_space<vmem>> -> memref<1x80x64xf32, #tpu.memory_space<vmem>>
        %swap3A_665 = tpu.memref_squeeze %swap3A_664 : memref<1x80x64xf32, #tpu.memory_space<vmem>> -> memref<80x64xf32, #tpu.memory_space<vmem>>
        %swap3A_666 = arith.index_cast %scan3A_589 : i32 to index
        %swap3A_667 = arith.constant 48 : index
        %swap3A_668 = tpu.vector_load %swap3A_665[%swap3A_666, %swap3A_667] {strides = array<i32>} : memref<80x64xf32, #tpu.memory_space<vmem>>, vector<1x16xf32>,
        %swap3A_669 = vector.shape_cast %swap3A_668 : vector<1x16xf32> to vector<16xf32>
        %swap3A_670 = vector.shape_cast %mul3A_661 : vector<16xf32> to vector<1x16xf32>
        tpu.vector_store %swap3A_665[%swap3A_666, %swap3A_667], %swap3A_670 {strides = array<i32>} : memref<80x64xf32, #tpu.memory_space<vmem>>, vector<1x16xf32>,
      }
      %scan3A_461 = arith.constant 80 : i32
      %sub3A_462 = arith.constant 1 : i32
      %sub3A_463 = arith.subi %add3A_440, %sub3A_462 : i32
      %dma_wait3A_464 = arith.constant 1 : i32
      %dma_wait3A_465 = arith.constant 1 : i32
      %dma_wait3A_466 = arith.constant 0 : i32
      %dma_wait3A_467 = arith.constant 0 : i32
      %dma_wait3A_468 = tpu.memref_slice %arg11[%dma_wait3A_464, %dma_wait3A_466, %dma_wait3A_467] : memref<3x80x64xf32, #tpu.memory_space<vmem>> -> memref<1x80x64xf32, #tpu.memory_space<vmem>>
      %dma_wait3A_469 = tpu.memref_squeeze %dma_wait3A_468 : memref<1x80x64xf32, #tpu.memory_space<vmem>> -> memref<80x64xf32, #tpu.memory_space<vmem>>
      %dma_wait3A_470 = arith.constant 0 : i32
      %dma_wait3A_471 = tpu.memref_slice %arg9[%sub3A_463, %dma_wait3A_470] : memref<250x80xi32, #tpu.memory_space<vmem>> -> memref<1x80xi32, #tpu.memory_space<vmem>>
      %dma_wait3A_472 = tpu.memref_squeeze %dma_wait3A_471 : memref<1x80xi32, #tpu.memory_space<vmem>> -> memref<80xi32, #tpu.memory_space<vmem>>
      %dma_wait3A_473 = arith.constant 0 : i32
      %dma_wait3A_474 = arith.constant 0 : i32
      %dma_wait3A_475 = tpu.memref_slice %arg12[%dma_wait3A_473, %dma_wait3A_474] : memref<10112x64xf32, #tpu.memory_space<vmem_shared>> -> memref<10112x64xf32, #tpu.memory_space<vmem_shared>>
      %dma_wait3A_476 = tpu.memref_slice %arg14[%dma_wait3A_465] : memref<3x!tpu.dma_semaphore, #tpu.memory_space<semaphore_mem>> -> memref<1x!tpu.dma_semaphore, #tpu.memory_space<semaphore_mem>>
      %dma_wait3A_477 = tpu.memref_squeeze %dma_wait3A_476 : memref<1x!tpu.dma_semaphore, #tpu.memory_space<semaphore_mem>> -> memref<!tpu.dma_semaphore, #tpu.memory_space<semaphore_mem>>
      tpu.wait_indirect_dma semaphore(%dma_wait3A_477 : memref<!tpu.dma_semaphore, #tpu.memory_space<semaphore_mem>>) src(%dma_wait3A_469 : memref<80x64xf32, #tpu.memory_space<vmem>>) dst(%dma_wait3A_475 : memref<10112x64xf32, #tpu.memory_space<vmem_shared>>)
      %add3A_478 = arith.constant 2 : i32
      %add3A_479 = arith.addi %add3A_440, %add3A_478 : i32
      %mul3A_480 = arith.constant 80 : i32
      %mul3A_481 = arith.muli %add3A_479, %mul3A_480 : i32
      %dma_start3A_482 = arith.constant 1 : i32
      %dma_start3A_483 = arith.constant 1 : i32
      %dma_start3A_484 = arith.constant 0 : i32
      %dma_start3A_485 = arith.constant 0 : i32
      %dma_start3A_486 = tpu.memref_slice %arg11[%dma_start3A_482, %dma_start3A_484, %dma_start3A_485] : memref<3x80x64xf32, #tpu.memory_space<vmem>> -> memref<1x80x64xf32, #tpu.memory_space<vmem>>
      %dma_start3A_487 = tpu.memref_squeeze %dma_start3A_486 : memref<1x80x64xf32, #tpu.memory_space<vmem>> -> memref<80x64xf32, #tpu.memory_space<vmem>>
      %dma_start3A_488 = tpu.memref_slice %arg8[%mul3A_481] : memref<20016xi32, #tpu.memory_space<vmem>> -> memref<80xi32, #tpu.memory_space<vmem>>
      %dma_start3A_489 = arith.constant 0 : i32
      %dma_start3A_490 = arith.constant 0 : i32
      %dma_start3A_491 = tpu.memref_slice %arg5[%dma_start3A_489, %dma_start3A_490] : memref<20000x64xf32, #tpu.memory_space<hbm>> -> memref<20000x64xf32, #tpu.memory_space<hbm>>
      %dma_start3A_492 = tpu.memref_slice %arg13[%dma_start3A_483] : memref<3x!tpu.dma_semaphore, #tpu.memory_space<semaphore_mem>> -> memref<1x!tpu.dma_semaphore, #tpu.memory_space<semaphore_mem>>
      %dma_start3A_493 = tpu.memref_squeeze %dma_start3A_492 : memref<1x!tpu.dma_semaphore, #tpu.memory_space<semaphore_mem>> -> memref<!tpu.dma_semaphore, #tpu.memory_space<semaphore_mem>>
      tpu.enqueue_indirect_dma source(%dma_start3A_491 : memref<20000x64xf32, #tpu.memory_space<hbm>>) target(%dma_start3A_487 : memref<80x64xf32, #tpu.memory_space<vmem>>) offsets(%dma_start3A_488 : memref<80xi32, #tpu.memory_space<vmem>>) semaphore(%dma_start3A_493 : memref<!tpu.dma_semaphore, #tpu.memory_space<semaphore_mem>>)
      %dma_start3A_494 = arith.constant 2 : i32
      %dma_start3A_495 = arith.constant 2 : i32
      %dma_start3A_496 = arith.constant 0 : i32
      %dma_start3A_497 = arith.constant 0 : i32
      %dma_start3A_498 = tpu.memref_slice %arg11[%dma_start3A_494, %dma_start3A_496, %dma_start3A_497] : memref<3x80x64xf32, #tpu.memory_space<vmem>> -> memref<1x80x64xf32, #tpu.memory_space<vmem>>
      %dma_start3A_499 = tpu.memref_squeeze %dma_start3A_498 : memref<1x80x64xf32, #tpu.memory_space<vmem>> -> memref<80x64xf32, #tpu.memory_space<vmem>>
      %dma_start3A_500 = arith.constant 0 : i32
      %dma_start3A_501 = tpu.memref_slice %arg9[%add3A_440, %dma_start3A_500] : memref<250x80xi32, #tpu.memory_space<vmem>> -> memref<1x80xi32, #tpu.memory_space<vmem>>
      %dma_start3A_502 = tpu.memref_squeeze %dma_start3A_501 : memref<1x80xi32, #tpu.memory_space<vmem>> -> memref<80xi32, #tpu.memory_space<vmem>>
      %dma_start3A_503 = arith.constant 0 : i32
      %dma_start3A_504 = arith.constant 0 : i32
      %dma_start3A_505 = tpu.memref_slice %arg12[%dma_start3A_503, %dma_start3A_504] : memref<10112x64xf32, #tpu.memory_space<vmem_shared>> -> memref<10112x64xf32, #tpu.memory_space<vmem_shared>>
      %dma_start3A_506 = tpu.memref_slice %arg14[%dma_start3A_495] : memref<3x!tpu.dma_semaphore, #tpu.memory_space<semaphore_mem>> -> memref<1x!tpu.dma_semaphore, #tpu.memory_space<semaphore_mem>>
      %dma_start3A_507 = tpu.memref_squeeze %dma_start3A_506 : memref<1x!tpu.dma_semaphore, #tpu.memory_space<semaphore_mem>> -> memref<!tpu.dma_semaphore, #tpu.memory_space<semaphore_mem>>
      tpu.enqueue_indirect_dma source(%dma_start3A_499 : memref<80x64xf32, #tpu.memory_space<vmem>>) target(%dma_start3A_505 : memref<10112x64xf32, #tpu.memory_space<vmem_shared>>) offsets(%dma_start3A_502 : memref<80xi32, #tpu.memory_space<vmem>>) semaphore(%dma_start3A_507 : memref<!tpu.dma_semaphore, #tpu.memory_space<semaphore_mem>>) {add = true}
    }
    %scan3A_63 = arith.constant 82 : i32
    %dma_wait3A = arith.constant 0 : i32
    %dma_wait3A_64 = arith.constant 0 : i32
    %dma_wait3A_65 = arith.constant 0 : i32
    %dma_wait3A_66 = arith.constant 0 : i32
    %dma_wait3A_67 = tpu.memref_slice %arg11[%dma_wait3A, %dma_wait3A_65, %dma_wait3A_66] : memref<3x80x64xf32, #tpu.memory_space<vmem>> -> memref<1x80x64xf32, #tpu.memory_space<vmem>>
    %dma_wait3A_68 = tpu.memref_squeeze %dma_wait3A_67 : memref<1x80x64xf32, #tpu.memory_space<vmem>> -> memref<80x64xf32, #tpu.memory_space<vmem>>
    %dma_wait3A_69 = arith.constant 19680 : i32
    %dma_wait3A_70 = tpu.memref_slice %arg8[%dma_wait3A_69] : memref<20016xi32, #tpu.memory_space<vmem>> -> memref<80xi32, #tpu.memory_space<vmem>>
    %dma_wait3A_71 = arith.constant 0 : i32
    %dma_wait3A_72 = arith.constant 0 : i32
    %dma_wait3A_73 = tpu.memref_slice %arg5[%dma_wait3A_71, %dma_wait3A_72] : memref<20000x64xf32, #tpu.memory_space<hbm>> -> memref<20000x64xf32, #tpu.memory_space<hbm>>
    %dma_wait3A_74 = tpu.memref_slice %arg13[%dma_wait3A_64] : memref<3x!tpu.dma_semaphore, #tpu.memory_space<semaphore_mem>> -> memref<1x!tpu.dma_semaphore, #tpu.memory_space<semaphore_mem>>
    %dma_wait3A_75 = tpu.memref_squeeze %dma_wait3A_74 : memref<1x!tpu.dma_semaphore, #tpu.memory_space<semaphore_mem>> -> memref<!tpu.dma_semaphore, #tpu.memory_space<semaphore_mem>>
    tpu.wait_indirect_dma semaphore(%dma_wait3A_75 : memref<!tpu.dma_semaphore, #tpu.memory_space<semaphore_mem>>) src(%dma_wait3A_73 : memref<20000x64xf32, #tpu.memory_space<hbm>>) dst(%dma_wait3A_68 : memref<80x64xf32, #tpu.memory_space<vmem>>)
    %scan3A_76 = arith.constant 0 : i32
    %scan3A_77 = arith.constant 0 : i32
    %scan3A_78 = arith.constant 0 : i32
    %scan3A_79 = arith.constant 80 : i32
    %scan3A_80 = arith.addi %scan3A_78, %scan3A_79 : i32
    %scan3A_81 = arith.constant 2 : i32
    scf.for %scan3A_309 = %scan3A_78 to %scan3A_80 step %scan3A_81  : i32 {
      %add3A_310 = arith.constant 19680 : i32
      %add3A_311 = arith.addi %add3A_310, %scan3A_309 : i32
      %get3A_312 = arith.index_cast %add3A_311 : i32 to index
      %get3A_313 = tpu.vector_load %arg10[%get3A_312] {strides = array<i32>} : memref<20016xf32, #tpu.memory_space<vmem>>, vector<16xf32>,
      %get3A_314 = vector.shape_cast %get3A_313 : vector<16xf32> to vector<16xf32>
      %slice3A = vector.extract_strided_slice %get3A_314 {offsets = [0], sizes = [1], strides = [1]} : vector<16xf32> to vector<1xf32>
      %squeeze3A = vector.extract %slice3A[0] : f32 from vector<1xf32>
      %broadcast_in_dim3A_315 = vector.broadcast %squeeze3A : f32 to vector<16xf32>
      %get3A_316 = arith.constant 0 : i32
      %get3A_317 = arith.constant 0 : i32
      %get3A_318 = tpu.memref_slice %arg11[%scan3A_77, %get3A_316, %get3A_317] : memref<3x80x64xf32, #tpu.memory_space<vmem>> -> memref<1x80x64xf32, #tpu.memory_space<vmem>>
      %get3A_319 = tpu.memref_squeeze %get3A_318 : memref<1x80x64xf32, #tpu.memory_space<vmem>> -> memref<80x64xf32, #tpu.memory_space<vmem>>
      %get3A_320 = arith.index_cast %scan3A_309 : i32 to index
      %get3A_321 = arith.constant 0 : index
      %get3A_322 = tpu.vector_load %get3A_319[%get3A_320, %get3A_321] {strides = array<i32>} : memref<80x64xf32, #tpu.memory_space<vmem>>, vector<1x16xf32>,
      %get3A_323 = vector.shape_cast %get3A_322 : vector<1x16xf32> to vector<16xf32>
      %mul3A_324 = arith.mulf %get3A_323, %broadcast_in_dim3A_315 : vector<16xf32>
      %swap3A_325 = arith.constant 0 : i32
      %swap3A_326 = arith.constant 0 : i32
      %swap3A_327 = tpu.memref_slice %arg11[%scan3A_77, %swap3A_325, %swap3A_326] : memref<3x80x64xf32, #tpu.memory_space<vmem>> -> memref<1x80x64xf32, #tpu.memory_space<vmem>>
      %swap3A_328 = tpu.memref_squeeze %swap3A_327 : memref<1x80x64xf32, #tpu.memory_space<vmem>> -> memref<80x64xf32, #tpu.memory_space<vmem>>
      %swap3A_329 = arith.index_cast %scan3A_309 : i32 to index
      %swap3A_330 = arith.constant 0 : index
      %swap3A_331 = tpu.vector_load %swap3A_328[%swap3A_329, %swap3A_330] {strides = array<i32>} : memref<80x64xf32, #tpu.memory_space<vmem>>, vector<1x16xf32>,
      %swap3A_332 = vector.shape_cast %swap3A_331 : vector<1x16xf32> to vector<16xf32>
      %swap3A_333 = vector.shape_cast %mul3A_324 : vector<16xf32> to vector<1x16xf32>
      tpu.vector_store %swap3A_328[%swap3A_329, %swap3A_330], %swap3A_333 {strides = array<i32>} : memref<80x64xf32, #tpu.memory_space<vmem>>, vector<1x16xf32>,
      %get3A_334 = arith.constant 0 : i32
      %get3A_335 = arith.constant 0 : i32
      %get3A_336 = tpu.memref_slice %arg11[%scan3A_77, %get3A_334, %get3A_335] : memref<3x80x64xf32, #tpu.memory_space<vmem>> -> memref<1x80x64xf32, #tpu.memory_space<vmem>>
      %get3A_337 = tpu.memref_squeeze %get3A_336 : memref<1x80x64xf32, #tpu.memory_space<vmem>> -> memref<80x64xf32, #tpu.memory_space<vmem>>
      %get3A_338 = arith.index_cast %scan3A_309 : i32 to index
      %get3A_339 = arith.constant 16 : index
      %get3A_340 = tpu.vector_load %get3A_337[%get3A_338, %get3A_339] {strides = array<i32>} : memref<80x64xf32, #tpu.memory_space<vmem>>, vector<1x16xf32>,
      %get3A_341 = vector.shape_cast %get3A_340 : vector<1x16xf32> to vector<16xf32>
      %mul3A_342 = arith.mulf %get3A_341, %broadcast_in_dim3A_315 : vector<16xf32>
      %swap3A_343 = arith.constant 0 : i32
      %swap3A_344 = arith.constant 0 : i32
      %swap3A_345 = tpu.memref_slice %arg11[%scan3A_77, %swap3A_343, %swap3A_344] : memref<3x80x64xf32, #tpu.memory_space<vmem>> -> memref<1x80x64xf32, #tpu.memory_space<vmem>>
      %swap3A_346 = tpu.memref_squeeze %swap3A_345 : memref<1x80x64xf32, #tpu.memory_space<vmem>> -> memref<80x64xf32, #tpu.memory_space<vmem>>
      %swap3A_347 = arith.index_cast %scan3A_309 : i32 to index
      %swap3A_348 = arith.constant 16 : index
      %swap3A_349 = tpu.vector_load %swap3A_346[%swap3A_347, %swap3A_348] {strides = array<i32>} : memref<80x64xf32, #tpu.memory_space<vmem>>, vector<1x16xf32>,
      %swap3A_350 = vector.shape_cast %swap3A_349 : vector<1x16xf32> to vector<16xf32>
      %swap3A_351 = vector.shape_cast %mul3A_342 : vector<16xf32> to vector<1x16xf32>
      tpu.vector_store %swap3A_346[%swap3A_347, %swap3A_348], %swap3A_351 {strides = array<i32>} : memref<80x64xf32, #tpu.memory_space<vmem>>, vector<1x16xf32>,
      %get3A_352 = arith.constant 0 : i32
      %get3A_353 = arith.constant 0 : i32
      %get3A_354 = tpu.memref_slice %arg11[%scan3A_77, %get3A_352, %get3A_353] : memref<3x80x64xf32, #tpu.memory_space<vmem>> -> memref<1x80x64xf32, #tpu.memory_space<vmem>>
      %get3A_355 = tpu.memref_squeeze %get3A_354 : memref<1x80x64xf32, #tpu.memory_space<vmem>> -> memref<80x64xf32, #tpu.memory_space<vmem>>
      %get3A_356 = arith.index_cast %scan3A_309 : i32 to index
      %get3A_357 = arith.constant 32 : index
      %get3A_358 = tpu.vector_load %get3A_355[%get3A_356, %get3A_357] {strides = array<i32>} : memref<80x64xf32, #tpu.memory_space<vmem>>, vector<1x16xf32>,
      %get3A_359 = vector.shape_cast %get3A_358 : vector<1x16xf32> to vector<16xf32>
      %mul3A_360 = arith.mulf %get3A_359, %broadcast_in_dim3A_315 : vector<16xf32>
      %swap3A_361 = arith.constant 0 : i32
      %swap3A_362 = arith.constant 0 : i32
      %swap3A_363 = tpu.memref_slice %arg11[%scan3A_77, %swap3A_361, %swap3A_362] : memref<3x80x64xf32, #tpu.memory_space<vmem>> -> memref<1x80x64xf32, #tpu.memory_space<vmem>>
      %swap3A_364 = tpu.memref_squeeze %swap3A_363 : memref<1x80x64xf32, #tpu.memory_space<vmem>> -> memref<80x64xf32, #tpu.memory_space<vmem>>
      %swap3A_365 = arith.index_cast %scan3A_309 : i32 to index
      %swap3A_366 = arith.constant 32 : index
      %swap3A_367 = tpu.vector_load %swap3A_364[%swap3A_365, %swap3A_366] {strides = array<i32>} : memref<80x64xf32, #tpu.memory_space<vmem>>, vector<1x16xf32>,
      %swap3A_368 = vector.shape_cast %swap3A_367 : vector<1x16xf32> to vector<16xf32>
      %swap3A_369 = vector.shape_cast %mul3A_360 : vector<16xf32> to vector<1x16xf32>
      tpu.vector_store %swap3A_364[%swap3A_365, %swap3A_366], %swap3A_369 {strides = array<i32>} : memref<80x64xf32, #tpu.memory_space<vmem>>, vector<1x16xf32>,
      %get3A_370 = arith.constant 0 : i32
      %get3A_371 = arith.constant 0 : i32
      %get3A_372 = tpu.memref_slice %arg11[%scan3A_77, %get3A_370, %get3A_371] : memref<3x80x64xf32, #tpu.memory_space<vmem>> -> memref<1x80x64xf32, #tpu.memory_space<vmem>>
      %get3A_373 = tpu.memref_squeeze %get3A_372 : memref<1x80x64xf32, #tpu.memory_space<vmem>> -> memref<80x64xf32, #tpu.memory_space<vmem>>
      %get3A_374 = arith.index_cast %scan3A_309 : i32 to index
      %get3A_375 = arith.constant 48 : index
      %get3A_376 = tpu.vector_load %get3A_373[%get3A_374, %get3A_375] {strides = array<i32>} : memref<80x64xf32, #tpu.memory_space<vmem>>, vector<1x16xf32>,
      %get3A_377 = vector.shape_cast %get3A_376 : vector<1x16xf32> to vector<16xf32>
      %mul3A_378 = arith.mulf %get3A_377, %broadcast_in_dim3A_315 : vector<16xf32>
      %swap3A_379 = arith.constant 0 : i32
      %swap3A_380 = arith.constant 0 : i32
      %swap3A_381 = tpu.memref_slice %arg11[%scan3A_77, %swap3A_379, %swap3A_380] : memref<3x80x64xf32, #tpu.memory_space<vmem>> -> memref<1x80x64xf32, #tpu.memory_space<vmem>>
      %swap3A_382 = tpu.memref_squeeze %swap3A_381 : memref<1x80x64xf32, #tpu.memory_space<vmem>> -> memref<80x64xf32, #tpu.memory_space<vmem>>
      %swap3A_383 = arith.index_cast %scan3A_309 : i32 to index
      %swap3A_384 = arith.constant 48 : index
      %swap3A_385 = tpu.vector_load %swap3A_382[%swap3A_383, %swap3A_384] {strides = array<i32>} : memref<80x64xf32, #tpu.memory_space<vmem>>, vector<1x16xf32>,
      %swap3A_386 = vector.shape_cast %swap3A_385 : vector<1x16xf32> to vector<16xf32>
      %swap3A_387 = vector.shape_cast %mul3A_378 : vector<16xf32> to vector<1x16xf32>
      tpu.vector_store %swap3A_382[%swap3A_383, %swap3A_384], %swap3A_387 {strides = array<i32>} : memref<80x64xf32, #tpu.memory_space<vmem>>, vector<1x16xf32>,
      %scan3A_388 = arith.constant 1 : i32
      %scan3A_389 = arith.addi %scan3A_309, %scan3A_388 : i32
      %add3A_390 = arith.constant 19680 : i32
      %add3A_391 = arith.addi %add3A_390, %scan3A_389 : i32
      %get3A_392 = arith.index_cast %add3A_391 : i32 to index
      %get3A_393 = tpu.vector_load %arg10[%get3A_392] {strides = array<i32>} : memref<20016xf32, #tpu.memory_space<vmem>>, vector<16xf32>,
      %get3A_394 = vector.shape_cast %get3A_393 : vector<16xf32> to vector<16xf32>
      %slice3A_395 = vector.extract_strided_slice %get3A_394 {offsets = [0], sizes = [1], strides = [1]} : vector<16xf32> to vector<1xf32>
      %squeeze3A_396 = vector.extract %slice3A_395[0] : f32 from vector<1xf32>
      %broadcast_in_dim3A_397 = vector.broadcast %squeeze3A_396 : f32 to vector<16xf32>
      %get3A_398 = arith.constant 0 : i32
      %get3A_399 = arith.constant 0 : i32
      %get3A_400 = tpu.memref_slice %arg11[%scan3A_77, %get3A_398, %get3A_399] : memref<3x80x64xf32, #tpu.memory_space<vmem>> -> memref<1x80x64xf32, #tpu.memory_space<vmem>>
      %get3A_401 = tpu.memref_squeeze %get3A_400 : memref<1x80x64xf32, #tpu.memory_space<vmem>> -> memref<80x64xf32, #tpu.memory_space<vmem>>
      %get3A_402 = arith.index_cast %scan3A_389 : i32 to index
      %get3A_403 = arith.constant 0 : index
      %get3A_404 = tpu.vector_load %get3A_401[%get3A_402, %get3A_403] {strides = array<i32>} : memref<80x64xf32, #tpu.memory_space<vmem>>, vector<1x16xf32>,
      %get3A_405 = vector.shape_cast %get3A_404 : vector<1x16xf32> to vector<16xf32>
      %mul3A_406 = arith.mulf %get3A_405, %broadcast_in_dim3A_397 : vector<16xf32>
      %swap3A_407 = arith.constant 0 : i32
      %swap3A_408 = arith.constant 0 : i32
      %swap3A_409 = tpu.memref_slice %arg11[%scan3A_77, %swap3A_407, %swap3A_408] : memref<3x80x64xf32, #tpu.memory_space<vmem>> -> memref<1x80x64xf32, #tpu.memory_space<vmem>>
      %swap3A_410 = tpu.memref_squeeze %swap3A_409 : memref<1x80x64xf32, #tpu.memory_space<vmem>> -> memref<80x64xf32, #tpu.memory_space<vmem>>
      %swap3A_411 = arith.index_cast %scan3A_389 : i32 to index
      %swap3A_412 = arith.constant 0 : index
      %swap3A_413 = tpu.vector_load %swap3A_410[%swap3A_411, %swap3A_412] {strides = array<i32>} : memref<80x64xf32, #tpu.memory_space<vmem>>, vector<1x16xf32>,
      %swap3A_414 = vector.shape_cast %swap3A_413 : vector<1x16xf32> to vector<16xf32>
      %swap3A_415 = vector.shape_cast %mul3A_406 : vector<16xf32> to vector<1x16xf32>
      tpu.vector_store %swap3A_410[%swap3A_411, %swap3A_412], %swap3A_415 {strides = array<i32>} : memref<80x64xf32, #tpu.memory_space<vmem>>, vector<1x16xf32>,
      %get3A_416 = arith.constant 0 : i32
      %get3A_417 = arith.constant 0 : i32
      %get3A_418 = tpu.memref_slice %arg11[%scan3A_77, %get3A_416, %get3A_417] : memref<3x80x64xf32, #tpu.memory_space<vmem>> -> memref<1x80x64xf32, #tpu.memory_space<vmem>>
      %get3A_419 = tpu.memref_squeeze %get3A_418 : memref<1x80x64xf32, #tpu.memory_space<vmem>> -> memref<80x64xf32, #tpu.memory_space<vmem>>
      %get3A_420 = arith.index_cast %scan3A_389 : i32 to index
      %get3A_421 = arith.constant 16 : index
      %get3A_422 = tpu.vector_load %get3A_419[%get3A_420, %get3A_421] {strides = array<i32>} : memref<80x64xf32, #tpu.memory_space<vmem>>, vector<1x16xf32>,
      %get3A_423 = vector.shape_cast %get3A_422 : vector<1x16xf32> to vector<16xf32>
      %mul3A_424 = arith.mulf %get3A_423, %broadcast_in_dim3A_397 : vector<16xf32>
      %swap3A_425 = arith.constant 0 : i32
      %swap3A_426 = arith.constant 0 : i32
      %swap3A_427 = tpu.memref_slice %arg11[%scan3A_77, %swap3A_425, %swap3A_426] : memref<3x80x64xf32, #tpu.memory_space<vmem>> -> memref<1x80x64xf32, #tpu.memory_space<vmem>>
      %swap3A_428 = tpu.memref_squeeze %swap3A_427 : memref<1x80x64xf32, #tpu.memory_space<vmem>> -> memref<80x64xf32, #tpu.memory_space<vmem>>
      %swap3A_429 = arith.index_cast %scan3A_389 : i32 to index
      %swap3A_430 = arith.constant 16 : index
      %swap3A_431 = tpu.vector_load %swap3A_428[%swap3A_429, %swap3A_430] {strides = array<i32>} : memref<80x64xf32, #tpu.memory_space<vmem>>, vector<1x16xf32>,
      %swap3A_432 = vector.shape_cast %swap3A_431 : vector<1x16xf32> to vector<16xf32>
      %swap3A_433 = vector.shape_cast %mul3A_424 : vector<16xf32> to vector<1x16xf32>
      tpu.vector_store %swap3A_428[%swap3A_429, %swap3A_430], %swap3A_433 {strides = array<i32>} : memref<80x64xf32, #tpu.memory_space<vmem>>, vector<1x16xf32>,
      %get3A_434 = arith.constant 0 : i32
      %get3A_435 = arith.constant 0 : i32
      %get3A_436 = tpu.memref_slice %arg11[%scan3A_77, %get3A_434, %get3A_435] : memref<3x80x64xf32, #tpu.memory_space<vmem>> -> memref<1x80x64xf32, #tpu.memory_space<vmem>>
      %get3A_437 = tpu.memref_squeeze %get3A_436 : memref<1x80x64xf32, #tpu.memory_space<vmem>> -> memref<80x64xf32, #tpu.memory_space<vmem>>
      %get3A_438 = arith.index_cast %scan3A_389 : i32 to index
      %get3A_439 = arith.constant 32 : index
      %get3A_440 = tpu.vector_load %get3A_437[%get3A_438, %get3A_439] {strides = array<i32>} : memref<80x64xf32, #tpu.memory_space<vmem>>, vector<1x16xf32>,
      %get3A_441 = vector.shape_cast %get3A_440 : vector<1x16xf32> to vector<16xf32>
      %mul3A_442 = arith.mulf %get3A_441, %broadcast_in_dim3A_397 : vector<16xf32>
      %swap3A_443 = arith.constant 0 : i32
      %swap3A_444 = arith.constant 0 : i32
      %swap3A_445 = tpu.memref_slice %arg11[%scan3A_77, %swap3A_443, %swap3A_444] : memref<3x80x64xf32, #tpu.memory_space<vmem>> -> memref<1x80x64xf32, #tpu.memory_space<vmem>>
      %swap3A_446 = tpu.memref_squeeze %swap3A_445 : memref<1x80x64xf32, #tpu.memory_space<vmem>> -> memref<80x64xf32, #tpu.memory_space<vmem>>
      %swap3A_447 = arith.index_cast %scan3A_389 : i32 to index
      %swap3A_448 = arith.constant 32 : index
      %swap3A_449 = tpu.vector_load %swap3A_446[%swap3A_447, %swap3A_448] {strides = array<i32>} : memref<80x64xf32, #tpu.memory_space<vmem>>, vector<1x16xf32>,
      %swap3A_450 = vector.shape_cast %swap3A_449 : vector<1x16xf32> to vector<16xf32>
      %swap3A_451 = vector.shape_cast %mul3A_442 : vector<16xf32> to vector<1x16xf32>
      tpu.vector_store %swap3A_446[%swap3A_447, %swap3A_448], %swap3A_451 {strides = array<i32>} : memref<80x64xf32, #tpu.memory_space<vmem>>, vector<1x16xf32>,
      %get3A_452 = arith.constant 0 : i32
      %get3A_453 = arith.constant 0 : i32
      %get3A_454 = tpu.memref_slice %arg11[%scan3A_77, %get3A_452, %get3A_453] : memref<3x80x64xf32, #tpu.memory_space<vmem>> -> memref<1x80x64xf32, #tpu.memory_space<vmem>>
      %get3A_455 = tpu.memref_squeeze %get3A_454 : memref<1x80x64xf32, #tpu.memory_space<vmem>> -> memref<80x64xf32, #tpu.memory_space<vmem>>
      %get3A_456 = arith.index_cast %scan3A_389 : i32 to index
      %get3A_457 = arith.constant 48 : index
      %get3A_458 = tpu.vector_load %get3A_455[%get3A_456, %get3A_457] {strides = array<i32>} : memref<80x64xf32, #tpu.memory_space<vmem>>, vector<1x16xf32>,
      %get3A_459 = vector.shape_cast %get3A_458 : vector<1x16xf32> to vector<16xf32>
      %mul3A_460 = arith.mulf %get3A_459, %broadcast_in_dim3A_397 : vector<16xf32>
      %swap3A_461 = arith.constant 0 : i32
      %swap3A_462 = arith.constant 0 : i32
      %swap3A_463 = tpu.memref_slice %arg11[%scan3A_77, %swap3A_461, %swap3A_462] : memref<3x80x64xf32, #tpu.memory_space<vmem>> -> memref<1x80x64xf32, #tpu.memory_space<vmem>>
      %swap3A_464 = tpu.memref_squeeze %swap3A_463 : memref<1x80x64xf32, #tpu.memory_space<vmem>> -> memref<80x64xf32, #tpu.memory_space<vmem>>
      %swap3A_465 = arith.index_cast %scan3A_389 : i32 to index
      %swap3A_466 = arith.constant 48 : index
      %swap3A_467 = tpu.vector_load %swap3A_464[%swap3A_465, %swap3A_466] {strides = array<i32>} : memref<80x64xf32, #tpu.memory_space<vmem>>, vector<1x16xf32>,
      %swap3A_468 = vector.shape_cast %swap3A_467 : vector<1x16xf32> to vector<16xf32>
      %swap3A_469 = vector.shape_cast %mul3A_460 : vector<16xf32> to vector<1x16xf32>
      tpu.vector_store %swap3A_464[%swap3A_465, %swap3A_466], %swap3A_469 {strides = array<i32>} : memref<80x64xf32, #tpu.memory_space<vmem>>, vector<1x16xf32>,
    }
    %scan3A_82 = arith.constant 80 : i32
    %dma_wait3A_83 = arith.constant 2 : i32
    %dma_wait3A_84 = arith.constant 245 : i32
    %dma_wait3A_85 = arith.constant 2 : i32
    %dma_wait3A_86 = arith.constant 0 : i32
    %dma_wait3A_87 = arith.constant 0 : i32
    %dma_wait3A_88 = tpu.memref_slice %arg11[%dma_wait3A_83, %dma_wait3A_86, %dma_wait3A_87] : memref<3x80x64xf32, #tpu.memory_space<vmem>> -> memref<1x80x64xf32, #tpu.memory_space<vmem>>
    %dma_wait3A_89 = tpu.memref_squeeze %dma_wait3A_88 : memref<1x80x64xf32, #tpu.memory_space<vmem>> -> memref<80x64xf32, #tpu.memory_space<vmem>>
    %dma_wait3A_90 = arith.constant 0 : i32
    %dma_wait3A_91 = tpu.memref_slice %arg9[%dma_wait3A_84, %dma_wait3A_90] : memref<250x80xi32, #tpu.memory_space<vmem>> -> memref<1x80xi32, #tpu.memory_space<vmem>>
    %dma_wait3A_92 = tpu.memref_squeeze %dma_wait3A_91 : memref<1x80xi32, #tpu.memory_space<vmem>> -> memref<80xi32, #tpu.memory_space<vmem>>
    %dma_wait3A_93 = arith.constant 0 : i32
    %dma_wait3A_94 = arith.constant 0 : i32
    %dma_wait3A_95 = tpu.memref_slice %arg12[%dma_wait3A_93, %dma_wait3A_94] : memref<10112x64xf32, #tpu.memory_space<vmem_shared>> -> memref<10112x64xf32, #tpu.memory_space<vmem_shared>>
    %dma_wait3A_96 = tpu.memref_slice %arg14[%dma_wait3A_85] : memref<3x!tpu.dma_semaphore, #tpu.memory_space<semaphore_mem>> -> memref<1x!tpu.dma_semaphore, #tpu.memory_space<semaphore_mem>>
    %dma_wait3A_97 = tpu.memref_squeeze %dma_wait3A_96 : memref<1x!tpu.dma_semaphore, #tpu.memory_space<semaphore_mem>> -> memref<!tpu.dma_semaphore, #tpu.memory_space<semaphore_mem>>
    tpu.wait_indirect_dma semaphore(%dma_wait3A_97 : memref<!tpu.dma_semaphore, #tpu.memory_space<semaphore_mem>>) src(%dma_wait3A_89 : memref<80x64xf32, #tpu.memory_space<vmem>>) dst(%dma_wait3A_95 : memref<10112x64xf32, #tpu.memory_space<vmem_shared>>)
    %dma_start3A_98 = arith.constant 2 : i32
    %dma_start3A_99 = arith.constant 2 : i32
    %dma_start3A_100 = arith.constant 0 : i32
    %dma_start3A_101 = arith.constant 0 : i32
    %dma_start3A_102 = tpu.memref_slice %arg11[%dma_start3A_98, %dma_start3A_100, %dma_start3A_101] : memref<3x80x64xf32, #tpu.memory_space<vmem>> -> memref<1x80x64xf32, #tpu.memory_space<vmem>>
    %dma_start3A_103 = tpu.memref_squeeze %dma_start3A_102 : memref<1x80x64xf32, #tpu.memory_space<vmem>> -> memref<80x64xf32, #tpu.memory_space<vmem>>
    %dma_start3A_104 = arith.constant 19840 : i32
    %dma_start3A_105 = tpu.memref_slice %arg8[%dma_start3A_104] : memref<20016xi32, #tpu.memory_space<vmem>> -> memref<80xi32, #tpu.memory_space<vmem>>
    %dma_start3A_106 = arith.constant 0 : i32
    %dma_start3A_107 = arith.constant 0 : i32
    %dma_start3A_108 = tpu.memref_slice %arg5[%dma_start3A_106, %dma_start3A_107] : memref<20000x64xf32, #tpu.memory_space<hbm>> -> memref<20000x64xf32, #tpu.memory_space<hbm>>
    %dma_start3A_109 = tpu.memref_slice %arg13[%dma_start3A_99] : memref<3x!tpu.dma_semaphore, #tpu.memory_space<semaphore_mem>> -> memref<1x!tpu.dma_semaphore, #tpu.memory_space<semaphore_mem>>
    %dma_start3A_110 = tpu.memref_squeeze %dma_start3A_109 : memref<1x!tpu.dma_semaphore, #tpu.memory_space<semaphore_mem>> -> memref<!tpu.dma_semaphore, #tpu.memory_space<semaphore_mem>>
    tpu.enqueue_indirect_dma source(%dma_start3A_108 : memref<20000x64xf32, #tpu.memory_space<hbm>>) target(%dma_start3A_103 : memref<80x64xf32, #tpu.memory_space<vmem>>) offsets(%dma_start3A_105 : memref<80xi32, #tpu.memory_space<vmem>>) semaphore(%dma_start3A_110 : memref<!tpu.dma_semaphore, #tpu.memory_space<semaphore_mem>>)
    %dma_start3A_111 = arith.constant 0 : i32
    %dma_start3A_112 = arith.constant 246 : i32
    %dma_start3A_113 = arith.constant 0 : i32
    %dma_start3A_114 = arith.constant 0 : i32
    %dma_start3A_115 = arith.constant 0 : i32
    %dma_start3A_116 = tpu.memref_slice %arg11[%dma_start3A_111, %dma_start3A_114, %dma_start3A_115] : memref<3x80x64xf32, #tpu.memory_space<vmem>> -> memref<1x80x64xf32, #tpu.memory_space<vmem>>
    %dma_start3A_117 = tpu.memref_squeeze %dma_start3A_116 : memref<1x80x64xf32, #tpu.memory_space<vmem>> -> memref<80x64xf32, #tpu.memory_space<vmem>>
    %dma_start3A_118 = arith.constant 0 : i32
    %dma_start3A_119 = tpu.memref_slice %arg9[%dma_start3A_112, %dma_start3A_118] : memref<250x80xi32, #tpu.memory_space<vmem>> -> memref<1x80xi32, #tpu.memory_space<vmem>>
    %dma_start3A_120 = tpu.memref_squeeze %dma_start3A_119 : memref<1x80xi32, #tpu.memory_space<vmem>> -> memref<80xi32, #tpu.memory_space<vmem>>
    %dma_start3A_121 = arith.constant 0 : i32
    %dma_start3A_122 = arith.constant 0 : i32
    %dma_start3A_123 = tpu.memref_slice %arg12[%dma_start3A_121, %dma_start3A_122] : memref<10112x64xf32, #tpu.memory_space<vmem_shared>> -> memref<10112x64xf32, #tpu.memory_space<vmem_shared>>
    %dma_start3A_124 = tpu.memref_slice %arg14[%dma_start3A_113] : memref<3x!tpu.dma_semaphore, #tpu.memory_space<semaphore_mem>> -> memref<1x!tpu.dma_semaphore, #tpu.memory_space<semaphore_mem>>
    %dma_start3A_125 = tpu.memref_squeeze %dma_start3A_124 : memref<1x!tpu.dma_semaphore, #tpu.memory_space<semaphore_mem>> -> memref<!tpu.dma_semaphore, #tpu.memory_space<semaphore_mem>>
    tpu.enqueue_indirect_dma source(%dma_start3A_117 : memref<80x64xf32, #tpu.memory_space<vmem>>) target(%dma_start3A_123 : memref<10112x64xf32, #tpu.memory_space<vmem_shared>>) offsets(%dma_start3A_120 : memref<80xi32, #tpu.memory_space<vmem>>) semaphore(%dma_start3A_125 : memref<!tpu.dma_semaphore, #tpu.memory_space<semaphore_mem>>) {add = true}
    %dma_wait3A_126 = arith.constant 1 : i32
    %dma_wait3A_127 = arith.constant 1 : i32
    %dma_wait3A_128 = arith.constant 0 : i32
    %dma_wait3A_129 = arith.constant 0 : i32
    %dma_wait3A_130 = tpu.memref_slice %arg11[%dma_wait3A_126, %dma_wait3A_128, %dma_wait3A_129] : memref<3x80x64xf32, #tpu.memory_space<vmem>> -> memref<1x80x64xf32, #tpu.memory_space<vmem>>
    %dma_wait3A_131 = tpu.memref_squeeze %dma_wait3A_130 : memref<1x80x64xf32, #tpu.memory_space<vmem>> -> memref<80x64xf32, #tpu.memory_space<vmem>>
    %dma_wait3A_132 = arith.constant 19760 : i32
    %dma_wait3A_133 = tpu.memref_slice %arg8[%dma_wait3A_132] : memref<20016xi32, #tpu.memory_space<vmem>> -> memref<80xi32, #tpu.memory_space<vmem>>
    %dma_wait3A_134 = arith.constant 0 : i32
    %dma_wait3A_135 = arith.constant 0 : i32
    %dma_wait3A_136 = tpu.memref_slice %arg5[%dma_wait3A_134, %dma_wait3A_135] : memref<20000x64xf32, #tpu.memory_space<hbm>> -> memref<20000x64xf32, #tpu.memory_space<hbm>>
    %dma_wait3A_137 = tpu.memref_slice %arg13[%dma_wait3A_127] : memref<3x!tpu.dma_semaphore, #tpu.memory_space<semaphore_mem>> -> memref<1x!tpu.dma_semaphore, #tpu.memory_space<semaphore_mem>>
    %dma_wait3A_138 = tpu.memref_squeeze %dma_wait3A_137 : memref<1x!tpu.dma_semaphore, #tpu.memory_space<semaphore_mem>> -> memref<!tpu.dma_semaphore, #tpu.memory_space<semaphore_mem>>
    tpu.wait_indirect_dma semaphore(%dma_wait3A_138 : memref<!tpu.dma_semaphore, #tpu.memory_space<semaphore_mem>>) src(%dma_wait3A_136 : memref<20000x64xf32, #tpu.memory_space<hbm>>) dst(%dma_wait3A_131 : memref<80x64xf32, #tpu.memory_space<vmem>>)
    %scan3A_139 = arith.constant 0 : i32
    %scan3A_140 = arith.constant 1 : i32
    %scan3A_141 = arith.constant 0 : i32
    %scan3A_142 = arith.constant 80 : i32
    %scan3A_143 = arith.addi %scan3A_141, %scan3A_142 : i32
    %scan3A_144 = arith.constant 2 : i32
    scf.for %scan3A_309 = %scan3A_141 to %scan3A_143 step %scan3A_144  : i32 {
      %add3A_310 = arith.constant 19760 : i32
      %add3A_311 = arith.addi %add3A_310, %scan3A_309 : i32
      %get3A_312 = arith.index_cast %add3A_311 : i32 to index
      %get3A_313 = tpu.vector_load %arg10[%get3A_312] {strides = array<i32>} : memref<20016xf32, #tpu.memory_space<vmem>>, vector<16xf32>,
      %get3A_314 = vector.shape_cast %get3A_313 : vector<16xf32> to vector<16xf32>
      %slice3A = vector.extract_strided_slice %get3A_314 {offsets = [0], sizes = [1], strides = [1]} : vector<16xf32> to vector<1xf32>
      %squeeze3A = vector.extract %slice3A[0] : f32 from vector<1xf32>
      %broadcast_in_dim3A_315 = vector.broadcast %squeeze3A : f32 to vector<16xf32>
      %get3A_316 = arith.constant 0 : i32
      %get3A_317 = arith.constant 0 : i32
      %get3A_318 = tpu.memref_slice %arg11[%scan3A_140, %get3A_316, %get3A_317] : memref<3x80x64xf32, #tpu.memory_space<vmem>> -> memref<1x80x64xf32, #tpu.memory_space<vmem>>
      %get3A_319 = tpu.memref_squeeze %get3A_318 : memref<1x80x64xf32, #tpu.memory_space<vmem>> -> memref<80x64xf32, #tpu.memory_space<vmem>>
      %get3A_320 = arith.index_cast %scan3A_309 : i32 to index
      %get3A_321 = arith.constant 0 : index
      %get3A_322 = tpu.vector_load %get3A_319[%get3A_320, %get3A_321] {strides = array<i32>} : memref<80x64xf32, #tpu.memory_space<vmem>>, vector<1x16xf32>,
      %get3A_323 = vector.shape_cast %get3A_322 : vector<1x16xf32> to vector<16xf32>
      %mul3A_324 = arith.mulf %get3A_323, %broadcast_in_dim3A_315 : vector<16xf32>
      %swap3A_325 = arith.constant 0 : i32
      %swap3A_326 = arith.constant 0 : i32
      %swap3A_327 = tpu.memref_slice %arg11[%scan3A_140, %swap3A_325, %swap3A_326] : memref<3x80x64xf32, #tpu.memory_space<vmem>> -> memref<1x80x64xf32, #tpu.memory_space<vmem>>
      %swap3A_328 = tpu.memref_squeeze %swap3A_327 : memref<1x80x64xf32, #tpu.memory_space<vmem>> -> memref<80x64xf32, #tpu.memory_space<vmem>>
      %swap3A_329 = arith.index_cast %scan3A_309 : i32 to index
      %swap3A_330 = arith.constant 0 : index
      %swap3A_331 = tpu.vector_load %swap3A_328[%swap3A_329, %swap3A_330] {strides = array<i32>} : memref<80x64xf32, #tpu.memory_space<vmem>>, vector<1x16xf32>,
      %swap3A_332 = vector.shape_cast %swap3A_331 : vector<1x16xf32> to vector<16xf32>
      %swap3A_333 = vector.shape_cast %mul3A_324 : vector<16xf32> to vector<1x16xf32>
      tpu.vector_store %swap3A_328[%swap3A_329, %swap3A_330], %swap3A_333 {strides = array<i32>} : memref<80x64xf32, #tpu.memory_space<vmem>>, vector<1x16xf32>,
      %get3A_334 = arith.constant 0 : i32
      %get3A_335 = arith.constant 0 : i32
      %get3A_336 = tpu.memref_slice %arg11[%scan3A_140, %get3A_334, %get3A_335] : memref<3x80x64xf32, #tpu.memory_space<vmem>> -> memref<1x80x64xf32, #tpu.memory_space<vmem>>
      %get3A_337 = tpu.memref_squeeze %get3A_336 : memref<1x80x64xf32, #tpu.memory_space<vmem>> -> memref<80x64xf32, #tpu.memory_space<vmem>>
      %get3A_338 = arith.index_cast %scan3A_309 : i32 to index
      %get3A_339 = arith.constant 16 : index
      %get3A_340 = tpu.vector_load %get3A_337[%get3A_338, %get3A_339] {strides = array<i32>} : memref<80x64xf32, #tpu.memory_space<vmem>>, vector<1x16xf32>,
      %get3A_341 = vector.shape_cast %get3A_340 : vector<1x16xf32> to vector<16xf32>
      %mul3A_342 = arith.mulf %get3A_341, %broadcast_in_dim3A_315 : vector<16xf32>
      %swap3A_343 = arith.constant 0 : i32
      %swap3A_344 = arith.constant 0 : i32
      %swap3A_345 = tpu.memref_slice %arg11[%scan3A_140, %swap3A_343, %swap3A_344] : memref<3x80x64xf32, #tpu.memory_space<vmem>> -> memref<1x80x64xf32, #tpu.memory_space<vmem>>
      %swap3A_346 = tpu.memref_squeeze %swap3A_345 : memref<1x80x64xf32, #tpu.memory_space<vmem>> -> memref<80x64xf32, #tpu.memory_space<vmem>>
      %swap3A_347 = arith.index_cast %scan3A_309 : i32 to index
      %swap3A_348 = arith.constant 16 : index
      %swap3A_349 = tpu.vector_load %swap3A_346[%swap3A_347, %swap3A_348] {strides = array<i32>} : memref<80x64xf32, #tpu.memory_space<vmem>>, vector<1x16xf32>,
      %swap3A_350 = vector.shape_cast %swap3A_349 : vector<1x16xf32> to vector<16xf32>
      %swap3A_351 = vector.shape_cast %mul3A_342 : vector<16xf32> to vector<1x16xf32>
      tpu.vector_store %swap3A_346[%swap3A_347, %swap3A_348], %swap3A_351 {strides = array<i32>} : memref<80x64xf32, #tpu.memory_space<vmem>>, vector<1x16xf32>,
      %get3A_352 = arith.constant 0 : i32
      %get3A_353 = arith.constant 0 : i32
      %get3A_354 = tpu.memref_slice %arg11[%scan3A_140, %get3A_352, %get3A_353] : memref<3x80x64xf32, #tpu.memory_space<vmem>> -> memref<1x80x64xf32, #tpu.memory_space<vmem>>
      %get3A_355 = tpu.memref_squeeze %get3A_354 : memref<1x80x64xf32, #tpu.memory_space<vmem>> -> memref<80x64xf32, #tpu.memory_space<vmem>>
      %get3A_356 = arith.index_cast %scan3A_309 : i32 to index
      %get3A_357 = arith.constant 32 : index
      %get3A_358 = tpu.vector_load %get3A_355[%get3A_356, %get3A_357] {strides = array<i32>} : memref<80x64xf32, #tpu.memory_space<vmem>>, vector<1x16xf32>,
      %get3A_359 = vector.shape_cast %get3A_358 : vector<1x16xf32> to vector<16xf32>
      %mul3A_360 = arith.mulf %get3A_359, %broadcast_in_dim3A_315 : vector<16xf32>
      %swap3A_361 = arith.constant 0 : i32
      %swap3A_362 = arith.constant 0 : i32
      %swap3A_363 = tpu.memref_slice %arg11[%scan3A_140, %swap3A_361, %swap3A_362] : memref<3x80x64xf32, #tpu.memory_space<vmem>> -> memref<1x80x64xf32, #tpu.memory_space<vmem>>
      %swap3A_364 = tpu.memref_squeeze %swap3A_363 : memref<1x80x64xf32, #tpu.memory_space<vmem>> -> memref<80x64xf32, #tpu.memory_space<vmem>>
      %swap3A_365 = arith.index_cast %scan3A_309 : i32 to index
      %swap3A_366 = arith.constant 32 : index
      %swap3A_367 = tpu.vector_load %swap3A_364[%swap3A_365, %swap3A_366] {strides = array<i32>} : memref<80x64xf32, #tpu.memory_space<vmem>>, vector<1x16xf32>,
      %swap3A_368 = vector.shape_cast %swap3A_367 : vector<1x16xf32> to vector<16xf32>
      %swap3A_369 = vector.shape_cast %mul3A_360 : vector<16xf32> to vector<1x16xf32>
      tpu.vector_store %swap3A_364[%swap3A_365, %swap3A_366], %swap3A_369 {strides = array<i32>} : memref<80x64xf32, #tpu.memory_space<vmem>>, vector<1x16xf32>,
      %get3A_370 = arith.constant 0 : i32
      %get3A_371 = arith.constant 0 : i32
      %get3A_372 = tpu.memref_slice %arg11[%scan3A_140, %get3A_370, %get3A_371] : memref<3x80x64xf32, #tpu.memory_space<vmem>> -> memref<1x80x64xf32, #tpu.memory_space<vmem>>
      %get3A_373 = tpu.memref_squeeze %get3A_372 : memref<1x80x64xf32, #tpu.memory_space<vmem>> -> memref<80x64xf32, #tpu.memory_space<vmem>>
      %get3A_374 = arith.index_cast %scan3A_309 : i32 to index
      %get3A_375 = arith.constant 48 : index
      %get3A_376 = tpu.vector_load %get3A_373[%get3A_374, %get3A_375] {strides = array<i32>} : memref<80x64xf32, #tpu.memory_space<vmem>>, vector<1x16xf32>,
      %get3A_377 = vector.shape_cast %get3A_376 : vector<1x16xf32> to vector<16xf32>
      %mul3A_378 = arith.mulf %get3A_377, %broadcast_in_dim3A_315 : vector<16xf32>
      %swap3A_379 = arith.constant 0 : i32
      %swap3A_380 = arith.constant 0 : i32
      %swap3A_381 = tpu.memref_slice %arg11[%scan3A_140, %swap3A_379, %swap3A_380] : memref<3x80x64xf32, #tpu.memory_space<vmem>> -> memref<1x80x64xf32, #tpu.memory_space<vmem>>
      %swap3A_382 = tpu.memref_squeeze %swap3A_381 : memref<1x80x64xf32, #tpu.memory_space<vmem>> -> memref<80x64xf32, #tpu.memory_space<vmem>>
      %swap3A_383 = arith.index_cast %scan3A_309 : i32 to index
      %swap3A_384 = arith.constant 48 : index
      %swap3A_385 = tpu.vector_load %swap3A_382[%swap3A_383, %swap3A_384] {strides = array<i32>} : memref<80x64xf32, #tpu.memory_space<vmem>>, vector<1x16xf32>,
      %swap3A_386 = vector.shape_cast %swap3A_385 : vector<1x16xf32> to vector<16xf32>
      %swap3A_387 = vector.shape_cast %mul3A_378 : vector<16xf32> to vector<1x16xf32>
      tpu.vector_store %swap3A_382[%swap3A_383, %swap3A_384], %swap3A_387 {strides = array<i32>} : memref<80x64xf32, #tpu.memory_space<vmem>>, vector<1x16xf32>,
      %scan3A_388 = arith.constant 1 : i32
      %scan3A_389 = arith.addi %scan3A_309, %scan3A_388 : i32
      %add3A_390 = arith.constant 19760 : i32
      %add3A_391 = arith.addi %add3A_390, %scan3A_389 : i32
      %get3A_392 = arith.index_cast %add3A_391 : i32 to index
      %get3A_393 = tpu.vector_load %arg10[%get3A_392] {strides = array<i32>} : memref<20016xf32, #tpu.memory_space<vmem>>, vector<16xf32>,
      %get3A_394 = vector.shape_cast %get3A_393 : vector<16xf32> to vector<16xf32>
      %slice3A_395 = vector.extract_strided_slice %get3A_394 {offsets = [0], sizes = [1], strides = [1]} : vector<16xf32> to vector<1xf32>
      %squeeze3A_396 = vector.extract %slice3A_395[0] : f32 from vector<1xf32>
      %broadcast_in_dim3A_397 = vector.broadcast %squeeze3A_396 : f32 to vector<16xf32>
      %get3A_398 = arith.constant 0 : i32
      %get3A_399 = arith.constant 0 : i32
      %get3A_400 = tpu.memref_slice %arg11[%scan3A_140, %get3A_398, %get3A_399] : memref<3x80x64xf32, #tpu.memory_space<vmem>> -> memref<1x80x64xf32, #tpu.memory_space<vmem>>
      %get3A_401 = tpu.memref_squeeze %get3A_400 : memref<1x80x64xf32, #tpu.memory_space<vmem>> -> memref<80x64xf32, #tpu.memory_space<vmem>>
      %get3A_402 = arith.index_cast %scan3A_389 : i32 to index
      %get3A_403 = arith.constant 0 : index
      %get3A_404 = tpu.vector_load %get3A_401[%get3A_402, %get3A_403] {strides = array<i32>} : memref<80x64xf32, #tpu.memory_space<vmem>>, vector<1x16xf32>,
      %get3A_405 = vector.shape_cast %get3A_404 : vector<1x16xf32> to vector<16xf32>
      %mul3A_406 = arith.mulf %get3A_405, %broadcast_in_dim3A_397 : vector<16xf32>
      %swap3A_407 = arith.constant 0 : i32
      %swap3A_408 = arith.constant 0 : i32
      %swap3A_409 = tpu.memref_slice %arg11[%scan3A_140, %swap3A_407, %swap3A_408] : memref<3x80x64xf32, #tpu.memory_space<vmem>> -> memref<1x80x64xf32, #tpu.memory_space<vmem>>
      %swap3A_410 = tpu.memref_squeeze %swap3A_409 : memref<1x80x64xf32, #tpu.memory_space<vmem>> -> memref<80x64xf32, #tpu.memory_space<vmem>>
      %swap3A_411 = arith.index_cast %scan3A_389 : i32 to index
      %swap3A_412 = arith.constant 0 : index
      %swap3A_413 = tpu.vector_load %swap3A_410[%swap3A_411, %swap3A_412] {strides = array<i32>} : memref<80x64xf32, #tpu.memory_space<vmem>>, vector<1x16xf32>,
      %swap3A_414 = vector.shape_cast %swap3A_413 : vector<1x16xf32> to vector<16xf32>
      %swap3A_415 = vector.shape_cast %mul3A_406 : vector<16xf32> to vector<1x16xf32>
      tpu.vector_store %swap3A_410[%swap3A_411, %swap3A_412], %swap3A_415 {strides = array<i32>} : memref<80x64xf32, #tpu.memory_space<vmem>>, vector<1x16xf32>,
      %get3A_416 = arith.constant 0 : i32
      %get3A_417 = arith.constant 0 : i32
      %get3A_418 = tpu.memref_slice %arg11[%scan3A_140, %get3A_416, %get3A_417] : memref<3x80x64xf32, #tpu.memory_space<vmem>> -> memref<1x80x64xf32, #tpu.memory_space<vmem>>
      %get3A_419 = tpu.memref_squeeze %get3A_418 : memref<1x80x64xf32, #tpu.memory_space<vmem>> -> memref<80x64xf32, #tpu.memory_space<vmem>>
      %get3A_420 = arith.index_cast %scan3A_389 : i32 to index
      %get3A_421 = arith.constant 16 : index
      %get3A_422 = tpu.vector_load %get3A_419[%get3A_420, %get3A_421] {strides = array<i32>} : memref<80x64xf32, #tpu.memory_space<vmem>>, vector<1x16xf32>,
      %get3A_423 = vector.shape_cast %get3A_422 : vector<1x16xf32> to vector<16xf32>
      %mul3A_424 = arith.mulf %get3A_423, %broadcast_in_dim3A_397 : vector<16xf32>
      %swap3A_425 = arith.constant 0 : i32
      %swap3A_426 = arith.constant 0 : i32
      %swap3A_427 = tpu.memref_slice %arg11[%scan3A_140, %swap3A_425, %swap3A_426] : memref<3x80x64xf32, #tpu.memory_space<vmem>> -> memref<1x80x64xf32, #tpu.memory_space<vmem>>
      %swap3A_428 = tpu.memref_squeeze %swap3A_427 : memref<1x80x64xf32, #tpu.memory_space<vmem>> -> memref<80x64xf32, #tpu.memory_space<vmem>>
      %swap3A_429 = arith.index_cast %scan3A_389 : i32 to index
      %swap3A_430 = arith.constant 16 : index
      %swap3A_431 = tpu.vector_load %swap3A_428[%swap3A_429, %swap3A_430] {strides = array<i32>} : memref<80x64xf32, #tpu.memory_space<vmem>>, vector<1x16xf32>,
      %swap3A_432 = vector.shape_cast %swap3A_431 : vector<1x16xf32> to vector<16xf32>
      %swap3A_433 = vector.shape_cast %mul3A_424 : vector<16xf32> to vector<1x16xf32>
      tpu.vector_store %swap3A_428[%swap3A_429, %swap3A_430], %swap3A_433 {strides = array<i32>} : memref<80x64xf32, #tpu.memory_space<vmem>>, vector<1x16xf32>,
      %get3A_434 = arith.constant 0 : i32
      %get3A_435 = arith.constant 0 : i32
      %get3A_436 = tpu.memref_slice %arg11[%scan3A_140, %get3A_434, %get3A_435] : memref<3x80x64xf32, #tpu.memory_space<vmem>> -> memref<1x80x64xf32, #tpu.memory_space<vmem>>
      %get3A_437 = tpu.memref_squeeze %get3A_436 : memref<1x80x64xf32, #tpu.memory_space<vmem>> -> memref<80x64xf32, #tpu.memory_space<vmem>>
      %get3A_438 = arith.index_cast %scan3A_389 : i32 to index
      %get3A_439 = arith.constant 32 : index
      %get3A_440 = tpu.vector_load %get3A_437[%get3A_438, %get3A_439] {strides = array<i32>} : memref<80x64xf32, #tpu.memory_space<vmem>>, vector<1x16xf32>,
      %get3A_441 = vector.shape_cast %get3A_440 : vector<1x16xf32> to vector<16xf32>
      %mul3A_442 = arith.mulf %get3A_441, %broadcast_in_dim3A_397 : vector<16xf32>
      %swap3A_443 = arith.constant 0 : i32
      %swap3A_444 = arith.constant 0 : i32
      %swap3A_445 = tpu.memref_slice %arg11[%scan3A_140, %swap3A_443, %swap3A_444] : memref<3x80x64xf32, #tpu.memory_space<vmem>> -> memref<1x80x64xf32, #tpu.memory_space<vmem>>
      %swap3A_446 = tpu.memref_squeeze %swap3A_445 : memref<1x80x64xf32, #tpu.memory_space<vmem>> -> memref<80x64xf32, #tpu.memory_space<vmem>>
      %swap3A_447 = arith.index_cast %scan3A_389 : i32 to index
      %swap3A_448 = arith.constant 32 : index
      %swap3A_449 = tpu.vector_load %swap3A_446[%swap3A_447, %swap3A_448] {strides = array<i32>} : memref<80x64xf32, #tpu.memory_space<vmem>>, vector<1x16xf32>,
      %swap3A_450 = vector.shape_cast %swap3A_449 : vector<1x16xf32> to vector<16xf32>
      %swap3A_451 = vector.shape_cast %mul3A_442 : vector<16xf32> to vector<1x16xf32>
      tpu.vector_store %swap3A_446[%swap3A_447, %swap3A_448], %swap3A_451 {strides = array<i32>} : memref<80x64xf32, #tpu.memory_space<vmem>>, vector<1x16xf32>,
      %get3A_452 = arith.constant 0 : i32
      %get3A_453 = arith.constant 0 : i32
      %get3A_454 = tpu.memref_slice %arg11[%scan3A_140, %get3A_452, %get3A_453] : memref<3x80x64xf32, #tpu.memory_space<vmem>> -> memref<1x80x64xf32, #tpu.memory_space<vmem>>
      %get3A_455 = tpu.memref_squeeze %get3A_454 : memref<1x80x64xf32, #tpu.memory_space<vmem>> -> memref<80x64xf32, #tpu.memory_space<vmem>>
      %get3A_456 = arith.index_cast %scan3A_389 : i32 to index
      %get3A_457 = arith.constant 48 : index
      %get3A_458 = tpu.vector_load %get3A_455[%get3A_456, %get3A_457] {strides = array<i32>} : memref<80x64xf32, #tpu.memory_space<vmem>>, vector<1x16xf32>,
      %get3A_459 = vector.shape_cast %get3A_458 : vector<1x16xf32> to vector<16xf32>
      %mul3A_460 = arith.mulf %get3A_459, %broadcast_in_dim3A_397 : vector<16xf32>
      %swap3A_461 = arith.constant 0 : i32
      %swap3A_462 = arith.constant 0 : i32
      %swap3A_463 = tpu.memref_slice %arg11[%scan3A_140, %swap3A_461, %swap3A_462] : memref<3x80x64xf32, #tpu.memory_space<vmem>> -> memref<1x80x64xf32, #tpu.memory_space<vmem>>
      %swap3A_464 = tpu.memref_squeeze %swap3A_463 : memref<1x80x64xf32, #tpu.memory_space<vmem>> -> memref<80x64xf32, #tpu.memory_space<vmem>>
      %swap3A_465 = arith.index_cast %scan3A_389 : i32 to index
      %swap3A_466 = arith.constant 48 : index
      %swap3A_467 = tpu.vector_load %swap3A_464[%swap3A_465, %swap3A_466] {strides = array<i32>} : memref<80x64xf32, #tpu.memory_space<vmem>>, vector<1x16xf32>,
      %swap3A_468 = vector.shape_cast %swap3A_467 : vector<1x16xf32> to vector<16xf32>
      %swap3A_469 = vector.shape_cast %mul3A_460 : vector<16xf32> to vector<1x16xf32>
      tpu.vector_store %swap3A_464[%swap3A_465, %swap3A_466], %swap3A_469 {strides = array<i32>} : memref<80x64xf32, #tpu.memory_space<vmem>>, vector<1x16xf32>,
    }
    %scan3A_145 = arith.constant 80 : i32
    %dma_wait3A_146 = arith.constant 0 : i32
    %dma_wait3A_147 = arith.constant 246 : i32
    %dma_wait3A_148 = arith.constant 0 : i32
    %dma_wait3A_149 = arith.constant 0 : i32
    %dma_wait3A_150 = arith.constant 0 : i32
    %dma_wait3A_151 = tpu.memref_slice %arg11[%dma_wait3A_146, %dma_wait3A_149, %dma_wait3A_150] : memref<3x80x64xf32, #tpu.memory_space<vmem>> -> memref<1x80x64xf32, #tpu.memory_space<vmem>>
    %dma_wait3A_152 = tpu.memref_squeeze %dma_wait3A_151 : memref<1x80x64xf32, #tpu.memory_space<vmem>> -> memref<80x64xf32, #tpu.memory_space<vmem>>
    %dma_wait3A_153 = arith.constant 0 : i32
    %dma_wait3A_154 = tpu.memref_slice %arg9[%dma_wait3A_147, %dma_wait3A_153] : memref<250x80xi32, #tpu.memory_space<vmem>> -> memref<1x80xi32, #tpu.memory_space<vmem>>
    %dma_wait3A_155 = tpu.memref_squeeze %dma_wait3A_154 : memref<1x80xi32, #tpu.memory_space<vmem>> -> memref<80xi32, #tpu.memory_space<vmem>>
    %dma_wait3A_156 = arith.constant 0 : i32
    %dma_wait3A_157 = arith.constant 0 : i32
    %dma_wait3A_158 = tpu.memref_slice %arg12[%dma_wait3A_156, %dma_wait3A_157] : memref<10112x64xf32, #tpu.memory_space<vmem_shared>> -> memref<10112x64xf32, #tpu.memory_space<vmem_shared>>
    %dma_wait3A_159 = tpu.memref_slice %arg14[%dma_wait3A_148] : memref<3x!tpu.dma_semaphore, #tpu.memory_space<semaphore_mem>> -> memref<1x!tpu.dma_semaphore, #tpu.memory_space<semaphore_mem>>
    %dma_wait3A_160 = tpu.memref_squeeze %dma_wait3A_159 : memref<1x!tpu.dma_semaphore, #tpu.memory_space<semaphore_mem>> -> memref<!tpu.dma_semaphore, #tpu.memory_space<semaphore_mem>>
    tpu.wait_indirect_dma semaphore(%dma_wait3A_160 : memref<!tpu.dma_semaphore, #tpu.memory_space<semaphore_mem>>) src(%dma_wait3A_152 : memref<80x64xf32, #tpu.memory_space<vmem>>) dst(%dma_wait3A_158 : memref<10112x64xf32, #tpu.memory_space<vmem_shared>>)
    %dma_start3A_161 = arith.constant 0 : i32
    %dma_start3A_162 = arith.constant 0 : i32
    %dma_start3A_163 = arith.constant 0 : i32
    %dma_start3A_164 = arith.constant 0 : i32
    %dma_start3A_165 = tpu.memref_slice %arg11[%dma_start3A_161, %dma_start3A_163, %dma_start3A_164] : memref<3x80x64xf32, #tpu.memory_space<vmem>> -> memref<1x80x64xf32, #tpu.memory_space<vmem>>
    %dma_start3A_166 = tpu.memref_squeeze %dma_start3A_165 : memref<1x80x64xf32, #tpu.memory_space<vmem>> -> memref<80x64xf32, #tpu.memory_space<vmem>>
    %dma_start3A_167 = arith.constant 19920 : i32
    %dma_start3A_168 = tpu.memref_slice %arg8[%dma_start3A_167] : memref<20016xi32, #tpu.memory_space<vmem>> -> memref<80xi32, #tpu.memory_space<vmem>>
    %dma_start3A_169 = arith.constant 0 : i32
    %dma_start3A_170 = arith.constant 0 : i32
    %dma_start3A_171 = tpu.memref_slice %arg5[%dma_start3A_169, %dma_start3A_170] : memref<20000x64xf32, #tpu.memory_space<hbm>> -> memref<20000x64xf32, #tpu.memory_space<hbm>>
    %dma_start3A_172 = tpu.memref_slice %arg13[%dma_start3A_162] : memref<3x!tpu.dma_semaphore, #tpu.memory_space<semaphore_mem>> -> memref<1x!tpu.dma_semaphore, #tpu.memory_space<semaphore_mem>>
    %dma_start3A_173 = tpu.memref_squeeze %dma_start3A_172 : memref<1x!tpu.dma_semaphore, #tpu.memory_space<semaphore_mem>> -> memref<!tpu.dma_semaphore, #tpu.memory_space<semaphore_mem>>
    tpu.enqueue_indirect_dma source(%dma_start3A_171 : memref<20000x64xf32, #tpu.memory_space<hbm>>) target(%dma_start3A_166 : memref<80x64xf32, #tpu.memory_space<vmem>>) offsets(%dma_start3A_168 : memref<80xi32, #tpu.memory_space<vmem>>) semaphore(%dma_start3A_173 : memref<!tpu.dma_semaphore, #tpu.memory_space<semaphore_mem>>)
    %dma_start3A_174 = arith.constant 1 : i32
    %dma_start3A_175 = arith.constant 247 : i32
    %dma_start3A_176 = arith.constant 1 : i32
    %dma_start3A_177 = arith.constant 0 : i32
    %dma_start3A_178 = arith.constant 0 : i32
    %dma_start3A_179 = tpu.memref_slice %arg11[%dma_start3A_174, %dma_start3A_177, %dma_start3A_178] : memref<3x80x64xf32, #tpu.memory_space<vmem>> -> memref<1x80x64xf32, #tpu.memory_space<vmem>>
    %dma_start3A_180 = tpu.memref_squeeze %dma_start3A_179 : memref<1x80x64xf32, #tpu.memory_space<vmem>> -> memref<80x64xf32, #tpu.memory_space<vmem>>
    %dma_start3A_181 = arith.constant 0 : i32
    %dma_start3A_182 = tpu.memref_slice %arg9[%dma_start3A_175, %dma_start3A_181] : memref<250x80xi32, #tpu.memory_space<vmem>> -> memref<1x80xi32, #tpu.memory_space<vmem>>
    %dma_start3A_183 = tpu.memref_squeeze %dma_start3A_182 : memref<1x80xi32, #tpu.memory_space<vmem>> -> memref<80xi32, #tpu.memory_space<vmem>>
    %dma_start3A_184 = arith.constant 0 : i32
    %dma_start3A_185 = arith.constant 0 : i32
    %dma_start3A_186 = tpu.memref_slice %arg12[%dma_start3A_184, %dma_start3A_185] : memref<10112x64xf32, #tpu.memory_space<vmem_shared>> -> memref<10112x64xf32, #tpu.memory_space<vmem_shared>>
    %dma_start3A_187 = tpu.memref_slice %arg14[%dma_start3A_176] : memref<3x!tpu.dma_semaphore, #tpu.memory_space<semaphore_mem>> -> memref<1x!tpu.dma_semaphore, #tpu.memory_space<semaphore_mem>>
    %dma_start3A_188 = tpu.memref_squeeze %dma_start3A_187 : memref<1x!tpu.dma_semaphore, #tpu.memory_space<semaphore_mem>> -> memref<!tpu.dma_semaphore, #tpu.memory_space<semaphore_mem>>
    tpu.enqueue_indirect_dma source(%dma_start3A_180 : memref<80x64xf32, #tpu.memory_space<vmem>>) target(%dma_start3A_186 : memref<10112x64xf32, #tpu.memory_space<vmem_shared>>) offsets(%dma_start3A_183 : memref<80xi32, #tpu.memory_space<vmem>>) semaphore(%dma_start3A_188 : memref<!tpu.dma_semaphore, #tpu.memory_space<semaphore_mem>>) {add = true}
    %dma_wait3A_189 = arith.constant 2 : i32
    %dma_wait3A_190 = arith.constant 2 : i32
    %dma_wait3A_191 = arith.constant 0 : i32
    %dma_wait3A_192 = arith.constant 0 : i32
    %dma_wait3A_193 = tpu.memref_slice %arg11[%dma_wait3A_189, %dma_wait3A_191, %dma_wait3A_192] : memref<3x80x64xf32, #tpu.memory_space<vmem>> -> memref<1x80x64xf32, #tpu.memory_space<vmem>>
    %dma_wait3A_194 = tpu.memref_squeeze %dma_wait3A_193 : memref<1x80x64xf32, #tpu.memory_space<vmem>> -> memref<80x64xf32, #tpu.memory_space<vmem>>
    %dma_wait3A_195 = arith.constant 19840 : i32
    %dma_wait3A_196 = tpu.memref_slice %arg8[%dma_wait3A_195] : memref<20016xi32, #tpu.memory_space<vmem>> -> memref<80xi32, #tpu.memory_space<vmem>>
    %dma_wait3A_197 = arith.constant 0 : i32
    %dma_wait3A_198 = arith.constant 0 : i32
    %dma_wait3A_199 = tpu.memref_slice %arg5[%dma_wait3A_197, %dma_wait3A_198] : memref<20000x64xf32, #tpu.memory_space<hbm>> -> memref<20000x64xf32, #tpu.memory_space<hbm>>
    %dma_wait3A_200 = tpu.memref_slice %arg13[%dma_wait3A_190] : memref<3x!tpu.dma_semaphore, #tpu.memory_space<semaphore_mem>> -> memref<1x!tpu.dma_semaphore, #tpu.memory_space<semaphore_mem>>
    %dma_wait3A_201 = tpu.memref_squeeze %dma_wait3A_200 : memref<1x!tpu.dma_semaphore, #tpu.memory_space<semaphore_mem>> -> memref<!tpu.dma_semaphore, #tpu.memory_space<semaphore_mem>>
    tpu.wait_indirect_dma semaphore(%dma_wait3A_201 : memref<!tpu.dma_semaphore, #tpu.memory_space<semaphore_mem>>) src(%dma_wait3A_199 : memref<20000x64xf32, #tpu.memory_space<hbm>>) dst(%dma_wait3A_194 : memref<80x64xf32, #tpu.memory_space<vmem>>)
    %scan3A_202 = arith.constant 0 : i32
    %scan3A_203 = arith.constant 2 : i32
    %scan3A_204 = arith.constant 0 : i32
    %scan3A_205 = arith.constant 80 : i32
    %scan3A_206 = arith.addi %scan3A_204, %scan3A_205 : i32
    %scan3A_207 = arith.constant 2 : i32
    scf.for %scan3A_309 = %scan3A_204 to %scan3A_206 step %scan3A_207  : i32 {
      %add3A_310 = arith.constant 19840 : i32
      %add3A_311 = arith.addi %add3A_310, %scan3A_309 : i32
      %get3A_312 = arith.index_cast %add3A_311 : i32 to index
      %get3A_313 = tpu.vector_load %arg10[%get3A_312] {strides = array<i32>} : memref<20016xf32, #tpu.memory_space<vmem>>, vector<16xf32>,
      %get3A_314 = vector.shape_cast %get3A_313 : vector<16xf32> to vector<16xf32>
      %slice3A = vector.extract_strided_slice %get3A_314 {offsets = [0], sizes = [1], strides = [1]} : vector<16xf32> to vector<1xf32>
      %squeeze3A = vector.extract %slice3A[0] : f32 from vector<1xf32>
      %broadcast_in_dim3A_315 = vector.broadcast %squeeze3A : f32 to vector<16xf32>
      %get3A_316 = arith.constant 0 : i32
      %get3A_317 = arith.constant 0 : i32
      %get3A_318 = tpu.memref_slice %arg11[%scan3A_203, %get3A_316, %get3A_317] : memref<3x80x64xf32, #tpu.memory_space<vmem>> -> memref<1x80x64xf32, #tpu.memory_space<vmem>>
      %get3A_319 = tpu.memref_squeeze %get3A_318 : memref<1x80x64xf32, #tpu.memory_space<vmem>> -> memref<80x64xf32, #tpu.memory_space<vmem>>
      %get3A_320 = arith.index_cast %scan3A_309 : i32 to index
      %get3A_321 = arith.constant 0 : index
      %get3A_322 = tpu.vector_load %get3A_319[%get3A_320, %get3A_321] {strides = array<i32>} : memref<80x64xf32, #tpu.memory_space<vmem>>, vector<1x16xf32>,
      %get3A_323 = vector.shape_cast %get3A_322 : vector<1x16xf32> to vector<16xf32>
      %mul3A_324 = arith.mulf %get3A_323, %broadcast_in_dim3A_315 : vector<16xf32>
      %swap3A_325 = arith.constant 0 : i32
      %swap3A_326 = arith.constant 0 : i32
      %swap3A_327 = tpu.memref_slice %arg11[%scan3A_203, %swap3A_325, %swap3A_326] : memref<3x80x64xf32, #tpu.memory_space<vmem>> -> memref<1x80x64xf32, #tpu.memory_space<vmem>>
      %swap3A_328 = tpu.memref_squeeze %swap3A_327 : memref<1x80x64xf32, #tpu.memory_space<vmem>> -> memref<80x64xf32, #tpu.memory_space<vmem>>
      %swap3A_329 = arith.index_cast %scan3A_309 : i32 to index
      %swap3A_330 = arith.constant 0 : index
      %swap3A_331 = tpu.vector_load %swap3A_328[%swap3A_329, %swap3A_330] {strides = array<i32>} : memref<80x64xf32, #tpu.memory_space<vmem>>, vector<1x16xf32>,
      %swap3A_332 = vector.shape_cast %swap3A_331 : vector<1x16xf32> to vector<16xf32>
      %swap3A_333 = vector.shape_cast %mul3A_324 : vector<16xf32> to vector<1x16xf32>
      tpu.vector_store %swap3A_328[%swap3A_329, %swap3A_330], %swap3A_333 {strides = array<i32>} : memref<80x64xf32, #tpu.memory_space<vmem>>, vector<1x16xf32>,
      %get3A_334 = arith.constant 0 : i32
      %get3A_335 = arith.constant 0 : i32
      %get3A_336 = tpu.memref_slice %arg11[%scan3A_203, %get3A_334, %get3A_335] : memref<3x80x64xf32, #tpu.memory_space<vmem>> -> memref<1x80x64xf32, #tpu.memory_space<vmem>>
      %get3A_337 = tpu.memref_squeeze %get3A_336 : memref<1x80x64xf32, #tpu.memory_space<vmem>> -> memref<80x64xf32, #tpu.memory_space<vmem>>
      %get3A_338 = arith.index_cast %scan3A_309 : i32 to index
      %get3A_339 = arith.constant 16 : index
      %get3A_340 = tpu.vector_load %get3A_337[%get3A_338, %get3A_339] {strides = array<i32>} : memref<80x64xf32, #tpu.memory_space<vmem>>, vector<1x16xf32>,
      %get3A_341 = vector.shape_cast %get3A_340 : vector<1x16xf32> to vector<16xf32>
      %mul3A_342 = arith.mulf %get3A_341, %broadcast_in_dim3A_315 : vector<16xf32>
      %swap3A_343 = arith.constant 0 : i32
      %swap3A_344 = arith.constant 0 : i32
      %swap3A_345 = tpu.memref_slice %arg11[%scan3A_203, %swap3A_343, %swap3A_344] : memref<3x80x64xf32, #tpu.memory_space<vmem>> -> memref<1x80x64xf32, #tpu.memory_space<vmem>>
      %swap3A_346 = tpu.memref_squeeze %swap3A_345 : memref<1x80x64xf32, #tpu.memory_space<vmem>> -> memref<80x64xf32, #tpu.memory_space<vmem>>
      %swap3A_347 = arith.index_cast %scan3A_309 : i32 to index
      %swap3A_348 = arith.constant 16 : index
      %swap3A_349 = tpu.vector_load %swap3A_346[%swap3A_347, %swap3A_348] {strides = array<i32>} : memref<80x64xf32, #tpu.memory_space<vmem>>, vector<1x16xf32>,
      %swap3A_350 = vector.shape_cast %swap3A_349 : vector<1x16xf32> to vector<16xf32>
      %swap3A_351 = vector.shape_cast %mul3A_342 : vector<16xf32> to vector<1x16xf32>
      tpu.vector_store %swap3A_346[%swap3A_347, %swap3A_348], %swap3A_351 {strides = array<i32>} : memref<80x64xf32, #tpu.memory_space<vmem>>, vector<1x16xf32>,
      %get3A_352 = arith.constant 0 : i32
      %get3A_353 = arith.constant 0 : i32
      %get3A_354 = tpu.memref_slice %arg11[%scan3A_203, %get3A_352, %get3A_353] : memref<3x80x64xf32, #tpu.memory_space<vmem>> -> memref<1x80x64xf32, #tpu.memory_space<vmem>>
      %get3A_355 = tpu.memref_squeeze %get3A_354 : memref<1x80x64xf32, #tpu.memory_space<vmem>> -> memref<80x64xf32, #tpu.memory_space<vmem>>
      %get3A_356 = arith.index_cast %scan3A_309 : i32 to index
      %get3A_357 = arith.constant 32 : index
      %get3A_358 = tpu.vector_load %get3A_355[%get3A_356, %get3A_357] {strides = array<i32>} : memref<80x64xf32, #tpu.memory_space<vmem>>, vector<1x16xf32>,
      %get3A_359 = vector.shape_cast %get3A_358 : vector<1x16xf32> to vector<16xf32>
      %mul3A_360 = arith.mulf %get3A_359, %broadcast_in_dim3A_315 : vector<16xf32>
      %swap3A_361 = arith.constant 0 : i32
      %swap3A_362 = arith.constant 0 : i32
      %swap3A_363 = tpu.memref_slice %arg11[%scan3A_203, %swap3A_361, %swap3A_362] : memref<3x80x64xf32, #tpu.memory_space<vmem>> -> memref<1x80x64xf32, #tpu.memory_space<vmem>>
      %swap3A_364 = tpu.memref_squeeze %swap3A_363 : memref<1x80x64xf32, #tpu.memory_space<vmem>> -> memref<80x64xf32, #tpu.memory_space<vmem>>
      %swap3A_365 = arith.index_cast %scan3A_309 : i32 to index
      %swap3A_366 = arith.constant 32 : index
      %swap3A_367 = tpu.vector_load %swap3A_364[%swap3A_365, %swap3A_366] {strides = array<i32>} : memref<80x64xf32, #tpu.memory_space<vmem>>, vector<1x16xf32>,
      %swap3A_368 = vector.shape_cast %swap3A_367 : vector<1x16xf32> to vector<16xf32>
      %swap3A_369 = vector.shape_cast %mul3A_360 : vector<16xf32> to vector<1x16xf32>
      tpu.vector_store %swap3A_364[%swap3A_365, %swap3A_366], %swap3A_369 {strides = array<i32>} : memref<80x64xf32, #tpu.memory_space<vmem>>, vector<1x16xf32>,
      %get3A_370 = arith.constant 0 : i32
      %get3A_371 = arith.constant 0 : i32
      %get3A_372 = tpu.memref_slice %arg11[%scan3A_203, %get3A_370, %get3A_371] : memref<3x80x64xf32, #tpu.memory_space<vmem>> -> memref<1x80x64xf32, #tpu.memory_space<vmem>>
      %get3A_373 = tpu.memref_squeeze %get3A_372 : memref<1x80x64xf32, #tpu.memory_space<vmem>> -> memref<80x64xf32, #tpu.memory_space<vmem>>
      %get3A_374 = arith.index_cast %scan3A_309 : i32 to index
      %get3A_375 = arith.constant 48 : index
      %get3A_376 = tpu.vector_load %get3A_373[%get3A_374, %get3A_375] {strides = array<i32>} : memref<80x64xf32, #tpu.memory_space<vmem>>, vector<1x16xf32>,
      %get3A_377 = vector.shape_cast %get3A_376 : vector<1x16xf32> to vector<16xf32>
      %mul3A_378 = arith.mulf %get3A_377, %broadcast_in_dim3A_315 : vector<16xf32>
      %swap3A_379 = arith.constant 0 : i32
      %swap3A_380 = arith.constant 0 : i32
      %swap3A_381 = tpu.memref_slice %arg11[%scan3A_203, %swap3A_379, %swap3A_380] : memref<3x80x64xf32, #tpu.memory_space<vmem>> -> memref<1x80x64xf32, #tpu.memory_space<vmem>>
      %swap3A_382 = tpu.memref_squeeze %swap3A_381 : memref<1x80x64xf32, #tpu.memory_space<vmem>> -> memref<80x64xf32, #tpu.memory_space<vmem>>
      %swap3A_383 = arith.index_cast %scan3A_309 : i32 to index
      %swap3A_384 = arith.constant 48 : index
      %swap3A_385 = tpu.vector_load %swap3A_382[%swap3A_383, %swap3A_384] {strides = array<i32>} : memref<80x64xf32, #tpu.memory_space<vmem>>, vector<1x16xf32>,
      %swap3A_386 = vector.shape_cast %swap3A_385 : vector<1x16xf32> to vector<16xf32>
      %swap3A_387 = vector.shape_cast %mul3A_378 : vector<16xf32> to vector<1x16xf32>
      tpu.vector_store %swap3A_382[%swap3A_383, %swap3A_384], %swap3A_387 {strides = array<i32>} : memref<80x64xf32, #tpu.memory_space<vmem>>, vector<1x16xf32>,
      %scan3A_388 = arith.constant 1 : i32
      %scan3A_389 = arith.addi %scan3A_309, %scan3A_388 : i32
      %add3A_390 = arith.constant 19840 : i32
      %add3A_391 = arith.addi %add3A_390, %scan3A_389 : i32
      %get3A_392 = arith.index_cast %add3A_391 : i32 to index
      %get3A_393 = tpu.vector_load %arg10[%get3A_392] {strides = array<i32>} : memref<20016xf32, #tpu.memory_space<vmem>>, vector<16xf32>,
      %get3A_394 = vector.shape_cast %get3A_393 : vector<16xf32> to vector<16xf32>
      %slice3A_395 = vector.extract_strided_slice %get3A_394 {offsets = [0], sizes = [1], strides = [1]} : vector<16xf32> to vector<1xf32>
      %squeeze3A_396 = vector.extract %slice3A_395[0] : f32 from vector<1xf32>
      %broadcast_in_dim3A_397 = vector.broadcast %squeeze3A_396 : f32 to vector<16xf32>
      %get3A_398 = arith.constant 0 : i32
      %get3A_399 = arith.constant 0 : i32
      %get3A_400 = tpu.memref_slice %arg11[%scan3A_203, %get3A_398, %get3A_399] : memref<3x80x64xf32, #tpu.memory_space<vmem>> -> memref<1x80x64xf32, #tpu.memory_space<vmem>>
      %get3A_401 = tpu.memref_squeeze %get3A_400 : memref<1x80x64xf32, #tpu.memory_space<vmem>> -> memref<80x64xf32, #tpu.memory_space<vmem>>
      %get3A_402 = arith.index_cast %scan3A_389 : i32 to index
      %get3A_403 = arith.constant 0 : index
      %get3A_404 = tpu.vector_load %get3A_401[%get3A_402, %get3A_403] {strides = array<i32>} : memref<80x64xf32, #tpu.memory_space<vmem>>, vector<1x16xf32>,
      %get3A_405 = vector.shape_cast %get3A_404 : vector<1x16xf32> to vector<16xf32>
      %mul3A_406 = arith.mulf %get3A_405, %broadcast_in_dim3A_397 : vector<16xf32>
      %swap3A_407 = arith.constant 0 : i32
      %swap3A_408 = arith.constant 0 : i32
      %swap3A_409 = tpu.memref_slice %arg11[%scan3A_203, %swap3A_407, %swap3A_408] : memref<3x80x64xf32, #tpu.memory_space<vmem>> -> memref<1x80x64xf32, #tpu.memory_space<vmem>>
      %swap3A_410 = tpu.memref_squeeze %swap3A_409 : memref<1x80x64xf32, #tpu.memory_space<vmem>> -> memref<80x64xf32, #tpu.memory_space<vmem>>
      %swap3A_411 = arith.index_cast %scan3A_389 : i32 to index
      %swap3A_412 = arith.constant 0 : index
      %swap3A_413 = tpu.vector_load %swap3A_410[%swap3A_411, %swap3A_412] {strides = array<i32>} : memref<80x64xf32, #tpu.memory_space<vmem>>, vector<1x16xf32>,
      %swap3A_414 = vector.shape_cast %swap3A_413 : vector<1x16xf32> to vector<16xf32>
      %swap3A_415 = vector.shape_cast %mul3A_406 : vector<16xf32> to vector<1x16xf32>
      tpu.vector_store %swap3A_410[%swap3A_411, %swap3A_412], %swap3A_415 {strides = array<i32>} : memref<80x64xf32, #tpu.memory_space<vmem>>, vector<1x16xf32>,
      %get3A_416 = arith.constant 0 : i32
      %get3A_417 = arith.constant 0 : i32
      %get3A_418 = tpu.memref_slice %arg11[%scan3A_203, %get3A_416, %get3A_417] : memref<3x80x64xf32, #tpu.memory_space<vmem>> -> memref<1x80x64xf32, #tpu.memory_space<vmem>>
      %get3A_419 = tpu.memref_squeeze %get3A_418 : memref<1x80x64xf32, #tpu.memory_space<vmem>> -> memref<80x64xf32, #tpu.memory_space<vmem>>
      %get3A_420 = arith.index_cast %scan3A_389 : i32 to index
      %get3A_421 = arith.constant 16 : index
      %get3A_422 = tpu.vector_load %get3A_419[%get3A_420, %get3A_421] {strides = array<i32>} : memref<80x64xf32, #tpu.memory_space<vmem>>, vector<1x16xf32>,
      %get3A_423 = vector.shape_cast %get3A_422 : vector<1x16xf32> to vector<16xf32>
      %mul3A_424 = arith.mulf %get3A_423, %broadcast_in_dim3A_397 : vector<16xf32>
      %swap3A_425 = arith.constant 0 : i32
      %swap3A_426 = arith.constant 0 : i32
      %swap3A_427 = tpu.memref_slice %arg11[%scan3A_203, %swap3A_425, %swap3A_426] : memref<3x80x64xf32, #tpu.memory_space<vmem>> -> memref<1x80x64xf32, #tpu.memory_space<vmem>>
      %swap3A_428 = tpu.memref_squeeze %swap3A_427 : memref<1x80x64xf32, #tpu.memory_space<vmem>> -> memref<80x64xf32, #tpu.memory_space<vmem>>
      %swap3A_429 = arith.index_cast %scan3A_389 : i32 to index
      %swap3A_430 = arith.constant 16 : index
      %swap3A_431 = tpu.vector_load %swap3A_428[%swap3A_429, %swap3A_430] {strides = array<i32>} : memref<80x64xf32, #tpu.memory_space<vmem>>, vector<1x16xf32>,
      %swap3A_432 = vector.shape_cast %swap3A_431 : vector<1x16xf32> to vector<16xf32>
      %swap3A_433 = vector.shape_cast %mul3A_424 : vector<16xf32> to vector<1x16xf32>
      tpu.vector_store %swap3A_428[%swap3A_429, %swap3A_430], %swap3A_433 {strides = array<i32>} : memref<80x64xf32, #tpu.memory_space<vmem>>, vector<1x16xf32>,
      %get3A_434 = arith.constant 0 : i32
      %get3A_435 = arith.constant 0 : i32
      %get3A_436 = tpu.memref_slice %arg11[%scan3A_203, %get3A_434, %get3A_435] : memref<3x80x64xf32, #tpu.memory_space<vmem>> -> memref<1x80x64xf32, #tpu.memory_space<vmem>>
      %get3A_437 = tpu.memref_squeeze %get3A_436 : memref<1x80x64xf32, #tpu.memory_space<vmem>> -> memref<80x64xf32, #tpu.memory_space<vmem>>
      %get3A_438 = arith.index_cast %scan3A_389 : i32 to index
      %get3A_439 = arith.constant 32 : index
      %get3A_440 = tpu.vector_load %get3A_437[%get3A_438, %get3A_439] {strides = array<i32>} : memref<80x64xf32, #tpu.memory_space<vmem>>, vector<1x16xf32>,
      %get3A_441 = vector.shape_cast %get3A_440 : vector<1x16xf32> to vector<16xf32>
      %mul3A_442 = arith.mulf %get3A_441, %broadcast_in_dim3A_397 : vector<16xf32>
      %swap3A_443 = arith.constant 0 : i32
      %swap3A_444 = arith.constant 0 : i32
      %swap3A_445 = tpu.memref_slice %arg11[%scan3A_203, %swap3A_443, %swap3A_444] : memref<3x80x64xf32, #tpu.memory_space<vmem>> -> memref<1x80x64xf32, #tpu.memory_space<vmem>>
      %swap3A_446 = tpu.memref_squeeze %swap3A_445 : memref<1x80x64xf32, #tpu.memory_space<vmem>> -> memref<80x64xf32, #tpu.memory_space<vmem>>
      %swap3A_447 = arith.index_cast %scan3A_389 : i32 to index
      %swap3A_448 = arith.constant 32 : index
      %swap3A_449 = tpu.vector_load %swap3A_446[%swap3A_447, %swap3A_448] {strides = array<i32>} : memref<80x64xf32, #tpu.memory_space<vmem>>, vector<1x16xf32>,
      %swap3A_450 = vector.shape_cast %swap3A_449 : vector<1x16xf32> to vector<16xf32>
      %swap3A_451 = vector.shape_cast %mul3A_442 : vector<16xf32> to vector<1x16xf32>
      tpu.vector_store %swap3A_446[%swap3A_447, %swap3A_448], %swap3A_451 {strides = array<i32>} : memref<80x64xf32, #tpu.memory_space<vmem>>, vector<1x16xf32>,
      %get3A_452 = arith.constant 0 : i32
      %get3A_453 = arith.constant 0 : i32
      %get3A_454 = tpu.memref_slice %arg11[%scan3A_203, %get3A_452, %get3A_453] : memref<3x80x64xf32, #tpu.memory_space<vmem>> -> memref<1x80x64xf32, #tpu.memory_space<vmem>>
      %get3A_455 = tpu.memref_squeeze %get3A_454 : memref<1x80x64xf32, #tpu.memory_space<vmem>> -> memref<80x64xf32, #tpu.memory_space<vmem>>
      %get3A_456 = arith.index_cast %scan3A_389 : i32 to index
      %get3A_457 = arith.constant 48 : index
      %get3A_458 = tpu.vector_load %get3A_455[%get3A_456, %get3A_457] {strides = array<i32>} : memref<80x64xf32, #tpu.memory_space<vmem>>, vector<1x16xf32>,
      %get3A_459 = vector.shape_cast %get3A_458 : vector<1x16xf32> to vector<16xf32>
      %mul3A_460 = arith.mulf %get3A_459, %broadcast_in_dim3A_397 : vector<16xf32>
      %swap3A_461 = arith.constant 0 : i32
      %swap3A_462 = arith.constant 0 : i32
      %swap3A_463 = tpu.memref_slice %arg11[%scan3A_203, %swap3A_461, %swap3A_462] : memref<3x80x64xf32, #tpu.memory_space<vmem>> -> memref<1x80x64xf32, #tpu.memory_space<vmem>>
      %swap3A_464 = tpu.memref_squeeze %swap3A_463 : memref<1x80x64xf32, #tpu.memory_space<vmem>> -> memref<80x64xf32, #tpu.memory_space<vmem>>
      %swap3A_465 = arith.index_cast %scan3A_389 : i32 to index
      %swap3A_466 = arith.constant 48 : index
      %swap3A_467 = tpu.vector_load %swap3A_464[%swap3A_465, %swap3A_466] {strides = array<i32>} : memref<80x64xf32, #tpu.memory_space<vmem>>, vector<1x16xf32>,
      %swap3A_468 = vector.shape_cast %swap3A_467 : vector<1x16xf32> to vector<16xf32>
      %swap3A_469 = vector.shape_cast %mul3A_460 : vector<16xf32> to vector<1x16xf32>
      tpu.vector_store %swap3A_464[%swap3A_465, %swap3A_466], %swap3A_469 {strides = array<i32>} : memref<80x64xf32, #tpu.memory_space<vmem>>, vector<1x16xf32>,
    }
    %scan3A_208 = arith.constant 80 : i32
    %dma_wait3A_209 = arith.constant 1 : i32
    %dma_wait3A_210 = arith.constant 247 : i32
    %dma_wait3A_211 = arith.constant 1 : i32
    %dma_wait3A_212 = arith.constant 0 : i32
    %dma_wait3A_213 = arith.constant 0 : i32
    %dma_wait3A_214 = tpu.memref_slice %arg11[%dma_wait3A_209, %dma_wait3A_212, %dma_wait3A_213] : memref<3x80x64xf32, #tpu.memory_space<vmem>> -> memref<1x80x64xf32, #tpu.memory_space<vmem>>
    %dma_wait3A_215 = tpu.memref_squeeze %dma_wait3A_214 : memref<1x80x64xf32, #tpu.memory_space<vmem>> -> memref<80x64xf32, #tpu.memory_space<vmem>>
    %dma_wait3A_216 = arith.constant 0 : i32
    %dma_wait3A_217 = tpu.memref_slice %arg9[%dma_wait3A_210, %dma_wait3A_216] : memref<250x80xi32, #tpu.memory_space<vmem>> -> memref<1x80xi32, #tpu.memory_space<vmem>>
    %dma_wait3A_218 = tpu.memref_squeeze %dma_wait3A_217 : memref<1x80xi32, #tpu.memory_space<vmem>> -> memref<80xi32, #tpu.memory_space<vmem>>
    %dma_wait3A_219 = arith.constant 0 : i32
    %dma_wait3A_220 = arith.constant 0 : i32
    %dma_wait3A_221 = tpu.memref_slice %arg12[%dma_wait3A_219, %dma_wait3A_220] : memref<10112x64xf32, #tpu.memory_space<vmem_shared>> -> memref<10112x64xf32, #tpu.memory_space<vmem_shared>>
    %dma_wait3A_222 = tpu.memref_slice %arg14[%dma_wait3A_211] : memref<3x!tpu.dma_semaphore, #tpu.memory_space<semaphore_mem>> -> memref<1x!tpu.dma_semaphore, #tpu.memory_space<semaphore_mem>>
    %dma_wait3A_223 = tpu.memref_squeeze %dma_wait3A_222 : memref<1x!tpu.dma_semaphore, #tpu.memory_space<semaphore_mem>> -> memref<!tpu.dma_semaphore, #tpu.memory_space<semaphore_mem>>
    tpu.wait_indirect_dma semaphore(%dma_wait3A_223 : memref<!tpu.dma_semaphore, #tpu.memory_space<semaphore_mem>>) src(%dma_wait3A_215 : memref<80x64xf32, #tpu.memory_space<vmem>>) dst(%dma_wait3A_221 : memref<10112x64xf32, #tpu.memory_space<vmem_shared>>)
    %dma_start3A_224 = arith.constant 2 : i32
    %dma_start3A_225 = arith.constant 248 : i32
    %dma_start3A_226 = arith.constant 2 : i32
    %dma_start3A_227 = arith.constant 0 : i32
    %dma_start3A_228 = arith.constant 0 : i32
    %dma_start3A_229 = tpu.memref_slice %arg11[%dma_start3A_224, %dma_start3A_227, %dma_start3A_228] : memref<3x80x64xf32, #tpu.memory_space<vmem>> -> memref<1x80x64xf32, #tpu.memory_space<vmem>>
    %dma_start3A_230 = tpu.memref_squeeze %dma_start3A_229 : memref<1x80x64xf32, #tpu.memory_space<vmem>> -> memref<80x64xf32, #tpu.memory_space<vmem>>
    %dma_start3A_231 = arith.constant 0 : i32
    %dma_start3A_232 = tpu.memref_slice %arg9[%dma_start3A_225, %dma_start3A_231] : memref<250x80xi32, #tpu.memory_space<vmem>> -> memref<1x80xi32, #tpu.memory_space<vmem>>
    %dma_start3A_233 = tpu.memref_squeeze %dma_start3A_232 : memref<1x80xi32, #tpu.memory_space<vmem>> -> memref<80xi32, #tpu.memory_space<vmem>>
    %dma_start3A_234 = arith.constant 0 : i32
    %dma_start3A_235 = arith.constant 0 : i32
    %dma_start3A_236 = tpu.memref_slice %arg12[%dma_start3A_234, %dma_start3A_235] : memref<10112x64xf32, #tpu.memory_space<vmem_shared>> -> memref<10112x64xf32, #tpu.memory_space<vmem_shared>>
    %dma_start3A_237 = tpu.memref_slice %arg14[%dma_start3A_226] : memref<3x!tpu.dma_semaphore, #tpu.memory_space<semaphore_mem>> -> memref<1x!tpu.dma_semaphore, #tpu.memory_space<semaphore_mem>>
    %dma_start3A_238 = tpu.memref_squeeze %dma_start3A_237 : memref<1x!tpu.dma_semaphore, #tpu.memory_space<semaphore_mem>> -> memref<!tpu.dma_semaphore, #tpu.memory_space<semaphore_mem>>
    tpu.enqueue_indirect_dma source(%dma_start3A_230 : memref<80x64xf32, #tpu.memory_space<vmem>>) target(%dma_start3A_236 : memref<10112x64xf32, #tpu.memory_space<vmem_shared>>) offsets(%dma_start3A_233 : memref<80xi32, #tpu.memory_space<vmem>>) semaphore(%dma_start3A_238 : memref<!tpu.dma_semaphore, #tpu.memory_space<semaphore_mem>>) {add = true}
    %dma_wait3A_239 = arith.constant 0 : i32
    %dma_wait3A_240 = arith.constant 0 : i32
    %dma_wait3A_241 = arith.constant 0 : i32
    %dma_wait3A_242 = arith.constant 0 : i32
    %dma_wait3A_243 = tpu.memref_slice %arg11[%dma_wait3A_239, %dma_wait3A_241, %dma_wait3A_242] : memref<3x80x64xf32, #tpu.memory_space<vmem>> -> memref<1x80x64xf32, #tpu.memory_space<vmem>>
    %dma_wait3A_244 = tpu.memref_squeeze %dma_wait3A_243 : memref<1x80x64xf32, #tpu.memory_space<vmem>> -> memref<80x64xf32, #tpu.memory_space<vmem>>
    %dma_wait3A_245 = arith.constant 19920 : i32
    %dma_wait3A_246 = tpu.memref_slice %arg8[%dma_wait3A_245] : memref<20016xi32, #tpu.memory_space<vmem>> -> memref<80xi32, #tpu.memory_space<vmem>>
    %dma_wait3A_247 = arith.constant 0 : i32
    %dma_wait3A_248 = arith.constant 0 : i32
    %dma_wait3A_249 = tpu.memref_slice %arg5[%dma_wait3A_247, %dma_wait3A_248] : memref<20000x64xf32, #tpu.memory_space<hbm>> -> memref<20000x64xf32, #tpu.memory_space<hbm>>
    %dma_wait3A_250 = tpu.memref_slice %arg13[%dma_wait3A_240] : memref<3x!tpu.dma_semaphore, #tpu.memory_space<semaphore_mem>> -> memref<1x!tpu.dma_semaphore, #tpu.memory_space<semaphore_mem>>
    %dma_wait3A_251 = tpu.memref_squeeze %dma_wait3A_250 : memref<1x!tpu.dma_semaphore, #tpu.memory_space<semaphore_mem>> -> memref<!tpu.dma_semaphore, #tpu.memory_space<semaphore_mem>>
    tpu.wait_indirect_dma semaphore(%dma_wait3A_251 : memref<!tpu.dma_semaphore, #tpu.memory_space<semaphore_mem>>) src(%dma_wait3A_249 : memref<20000x64xf32, #tpu.memory_space<hbm>>) dst(%dma_wait3A_244 : memref<80x64xf32, #tpu.memory_space<vmem>>)
    %scan3A_252 = arith.constant 0 : i32
    %scan3A_253 = arith.constant 0 : i32
    %scan3A_254 = arith.constant 0 : i32
    %scan3A_255 = arith.constant 80 : i32
    %scan3A_256 = arith.addi %scan3A_254, %scan3A_255 : i32
    %scan3A_257 = arith.constant 2 : i32
    scf.for %scan3A_309 = %scan3A_254 to %scan3A_256 step %scan3A_257  : i32 {
      %add3A_310 = arith.constant 19920 : i32
      %add3A_311 = arith.addi %add3A_310, %scan3A_309 : i32
      %get3A_312 = arith.index_cast %add3A_311 : i32 to index
      %get3A_313 = tpu.vector_load %arg10[%get3A_312] {strides = array<i32>} : memref<20016xf32, #tpu.memory_space<vmem>>, vector<16xf32>,
      %get3A_314 = vector.shape_cast %get3A_313 : vector<16xf32> to vector<16xf32>
      %slice3A = vector.extract_strided_slice %get3A_314 {offsets = [0], sizes = [1], strides = [1]} : vector<16xf32> to vector<1xf32>
      %squeeze3A = vector.extract %slice3A[0] : f32 from vector<1xf32>
      %broadcast_in_dim3A_315 = vector.broadcast %squeeze3A : f32 to vector<16xf32>
      %get3A_316 = arith.constant 0 : i32
      %get3A_317 = arith.constant 0 : i32
      %get3A_318 = tpu.memref_slice %arg11[%scan3A_253, %get3A_316, %get3A_317] : memref<3x80x64xf32, #tpu.memory_space<vmem>> -> memref<1x80x64xf32, #tpu.memory_space<vmem>>
      %get3A_319 = tpu.memref_squeeze %get3A_318 : memref<1x80x64xf32, #tpu.memory_space<vmem>> -> memref<80x64xf32, #tpu.memory_space<vmem>>
      %get3A_320 = arith.index_cast %scan3A_309 : i32 to index
      %get3A_321 = arith.constant 0 : index
      %get3A_322 = tpu.vector_load %get3A_319[%get3A_320, %get3A_321] {strides = array<i32>} : memref<80x64xf32, #tpu.memory_space<vmem>>, vector<1x16xf32>,
      %get3A_323 = vector.shape_cast %get3A_322 : vector<1x16xf32> to vector<16xf32>
      %mul3A_324 = arith.mulf %get3A_323, %broadcast_in_dim3A_315 : vector<16xf32>
      %swap3A_325 = arith.constant 0 : i32
      %swap3A_326 = arith.constant 0 : i32
      %swap3A_327 = tpu.memref_slice %arg11[%scan3A_253, %swap3A_325, %swap3A_326] : memref<3x80x64xf32, #tpu.memory_space<vmem>> -> memref<1x80x64xf32, #tpu.memory_space<vmem>>
      %swap3A_328 = tpu.memref_squeeze %swap3A_327 : memref<1x80x64xf32, #tpu.memory_space<vmem>> -> memref<80x64xf32, #tpu.memory_space<vmem>>
      %swap3A_329 = arith.index_cast %scan3A_309 : i32 to index
      %swap3A_330 = arith.constant 0 : index
      %swap3A_331 = tpu.vector_load %swap3A_328[%swap3A_329, %swap3A_330] {strides = array<i32>} : memref<80x64xf32, #tpu.memory_space<vmem>>, vector<1x16xf32>,
      %swap3A_332 = vector.shape_cast %swap3A_331 : vector<1x16xf32> to vector<16xf32>
      %swap3A_333 = vector.shape_cast %mul3A_324 : vector<16xf32> to vector<1x16xf32>
      tpu.vector_store %swap3A_328[%swap3A_329, %swap3A_330], %swap3A_333 {strides = array<i32>} : memref<80x64xf32, #tpu.memory_space<vmem>>, vector<1x16xf32>,
      %get3A_334 = arith.constant 0 : i32
      %get3A_335 = arith.constant 0 : i32
      %get3A_336 = tpu.memref_slice %arg11[%scan3A_253, %get3A_334, %get3A_335] : memref<3x80x64xf32, #tpu.memory_space<vmem>> -> memref<1x80x64xf32, #tpu.memory_space<vmem>>
      %get3A_337 = tpu.memref_squeeze %get3A_336 : memref<1x80x64xf32, #tpu.memory_space<vmem>> -> memref<80x64xf32, #tpu.memory_space<vmem>>
      %get3A_338 = arith.index_cast %scan3A_309 : i32 to index
      %get3A_339 = arith.constant 16 : index
      %get3A_340 = tpu.vector_load %get3A_337[%get3A_338, %get3A_339] {strides = array<i32>} : memref<80x64xf32, #tpu.memory_space<vmem>>, vector<1x16xf32>,
      %get3A_341 = vector.shape_cast %get3A_340 : vector<1x16xf32> to vector<16xf32>
      %mul3A_342 = arith.mulf %get3A_341, %broadcast_in_dim3A_315 : vector<16xf32>
      %swap3A_343 = arith.constant 0 : i32
      %swap3A_344 = arith.constant 0 : i32
      %swap3A_345 = tpu.memref_slice %arg11[%scan3A_253, %swap3A_343, %swap3A_344] : memref<3x80x64xf32, #tpu.memory_space<vmem>> -> memref<1x80x64xf32, #tpu.memory_space<vmem>>
      %swap3A_346 = tpu.memref_squeeze %swap3A_345 : memref<1x80x64xf32, #tpu.memory_space<vmem>> -> memref<80x64xf32, #tpu.memory_space<vmem>>
      %swap3A_347 = arith.index_cast %scan3A_309 : i32 to index
      %swap3A_348 = arith.constant 16 : index
      %swap3A_349 = tpu.vector_load %swap3A_346[%swap3A_347, %swap3A_348] {strides = array<i32>} : memref<80x64xf32, #tpu.memory_space<vmem>>, vector<1x16xf32>,
      %swap3A_350 = vector.shape_cast %swap3A_349 : vector<1x16xf32> to vector<16xf32>
      %swap3A_351 = vector.shape_cast %mul3A_342 : vector<16xf32> to vector<1x16xf32>
      tpu.vector_store %swap3A_346[%swap3A_347, %swap3A_348], %swap3A_351 {strides = array<i32>} : memref<80x64xf32, #tpu.memory_space<vmem>>, vector<1x16xf32>,
      %get3A_352 = arith.constant 0 : i32
      %get3A_353 = arith.constant 0 : i32
      %get3A_354 = tpu.memref_slice %arg11[%scan3A_253, %get3A_352, %get3A_353] : memref<3x80x64xf32, #tpu.memory_space<vmem>> -> memref<1x80x64xf32, #tpu.memory_space<vmem>>
      %get3A_355 = tpu.memref_squeeze %get3A_354 : memref<1x80x64xf32, #tpu.memory_space<vmem>> -> memref<80x64xf32, #tpu.memory_space<vmem>>
      %get3A_356 = arith.index_cast %scan3A_309 : i32 to index
      %get3A_357 = arith.constant 32 : index
      %get3A_358 = tpu.vector_load %get3A_355[%get3A_356, %get3A_357] {strides = array<i32>} : memref<80x64xf32, #tpu.memory_space<vmem>>, vector<1x16xf32>,
      %get3A_359 = vector.shape_cast %get3A_358 : vector<1x16xf32> to vector<16xf32>
      %mul3A_360 = arith.mulf %get3A_359, %broadcast_in_dim3A_315 : vector<16xf32>
      %swap3A_361 = arith.constant 0 : i32
      %swap3A_362 = arith.constant 0 : i32
      %swap3A_363 = tpu.memref_slice %arg11[%scan3A_253, %swap3A_361, %swap3A_362] : memref<3x80x64xf32, #tpu.memory_space<vmem>> -> memref<1x80x64xf32, #tpu.memory_space<vmem>>
      %swap3A_364 = tpu.memref_squeeze %swap3A_363 : memref<1x80x64xf32, #tpu.memory_space<vmem>> -> memref<80x64xf32, #tpu.memory_space<vmem>>
      %swap3A_365 = arith.index_cast %scan3A_309 : i32 to index
      %swap3A_366 = arith.constant 32 : index
      %swap3A_367 = tpu.vector_load %swap3A_364[%swap3A_365, %swap3A_366] {strides = array<i32>} : memref<80x64xf32, #tpu.memory_space<vmem>>, vector<1x16xf32>,
      %swap3A_368 = vector.shape_cast %swap3A_367 : vector<1x16xf32> to vector<16xf32>
      %swap3A_369 = vector.shape_cast %mul3A_360 : vector<16xf32> to vector<1x16xf32>
      tpu.vector_store %swap3A_364[%swap3A_365, %swap3A_366], %swap3A_369 {strides = array<i32>} : memref<80x64xf32, #tpu.memory_space<vmem>>, vector<1x16xf32>,
      %get3A_370 = arith.constant 0 : i32
      %get3A_371 = arith.constant 0 : i32
      %get3A_372 = tpu.memref_slice %arg11[%scan3A_253, %get3A_370, %get3A_371] : memref<3x80x64xf32, #tpu.memory_space<vmem>> -> memref<1x80x64xf32, #tpu.memory_space<vmem>>
      %get3A_373 = tpu.memref_squeeze %get3A_372 : memref<1x80x64xf32, #tpu.memory_space<vmem>> -> memref<80x64xf32, #tpu.memory_space<vmem>>
      %get3A_374 = arith.index_cast %scan3A_309 : i32 to index
      %get3A_375 = arith.constant 48 : index
      %get3A_376 = tpu.vector_load %get3A_373[%get3A_374, %get3A_375] {strides = array<i32>} : memref<80x64xf32, #tpu.memory_space<vmem>>, vector<1x16xf32>,
      %get3A_377 = vector.shape_cast %get3A_376 : vector<1x16xf32> to vector<16xf32>
      %mul3A_378 = arith.mulf %get3A_377, %broadcast_in_dim3A_315 : vector<16xf32>
      %swap3A_379 = arith.constant 0 : i32
      %swap3A_380 = arith.constant 0 : i32
      %swap3A_381 = tpu.memref_slice %arg11[%scan3A_253, %swap3A_379, %swap3A_380] : memref<3x80x64xf32, #tpu.memory_space<vmem>> -> memref<1x80x64xf32, #tpu.memory_space<vmem>>
      %swap3A_382 = tpu.memref_squeeze %swap3A_381 : memref<1x80x64xf32, #tpu.memory_space<vmem>> -> memref<80x64xf32, #tpu.memory_space<vmem>>
      %swap3A_383 = arith.index_cast %scan3A_309 : i32 to index
      %swap3A_384 = arith.constant 48 : index
      %swap3A_385 = tpu.vector_load %swap3A_382[%swap3A_383, %swap3A_384] {strides = array<i32>} : memref<80x64xf32, #tpu.memory_space<vmem>>, vector<1x16xf32>,
      %swap3A_386 = vector.shape_cast %swap3A_385 : vector<1x16xf32> to vector<16xf32>
      %swap3A_387 = vector.shape_cast %mul3A_378 : vector<16xf32> to vector<1x16xf32>
      tpu.vector_store %swap3A_382[%swap3A_383, %swap3A_384], %swap3A_387 {strides = array<i32>} : memref<80x64xf32, #tpu.memory_space<vmem>>, vector<1x16xf32>,
      %scan3A_388 = arith.constant 1 : i32
      %scan3A_389 = arith.addi %scan3A_309, %scan3A_388 : i32
      %add3A_390 = arith.constant 19920 : i32
      %add3A_391 = arith.addi %add3A_390, %scan3A_389 : i32
      %get3A_392 = arith.index_cast %add3A_391 : i32 to index
      %get3A_393 = tpu.vector_load %arg10[%get3A_392] {strides = array<i32>} : memref<20016xf32, #tpu.memory_space<vmem>>, vector<16xf32>,
      %get3A_394 = vector.shape_cast %get3A_393 : vector<16xf32> to vector<16xf32>
      %slice3A_395 = vector.extract_strided_slice %get3A_394 {offsets = [0], sizes = [1], strides = [1]} : vector<16xf32> to vector<1xf32>
      %squeeze3A_396 = vector.extract %slice3A_395[0] : f32 from vector<1xf32>
      %broadcast_in_dim3A_397 = vector.broadcast %squeeze3A_396 : f32 to vector<16xf32>
      %get3A_398 = arith.constant 0 : i32
      %get3A_399 = arith.constant 0 : i32
      %get3A_400 = tpu.memref_slice %arg11[%scan3A_253, %get3A_398, %get3A_399] : memref<3x80x64xf32, #tpu.memory_space<vmem>> -> memref<1x80x64xf32, #tpu.memory_space<vmem>>
      %get3A_401 = tpu.memref_squeeze %get3A_400 : memref<1x80x64xf32, #tpu.memory_space<vmem>> -> memref<80x64xf32, #tpu.memory_space<vmem>>
      %get3A_402 = arith.index_cast %scan3A_389 : i32 to index
      %get3A_403 = arith.constant 0 : index
      %get3A_404 = tpu.vector_load %get3A_401[%get3A_402, %get3A_403] {strides = array<i32>} : memref<80x64xf32, #tpu.memory_space<vmem>>, vector<1x16xf32>,
      %get3A_405 = vector.shape_cast %get3A_404 : vector<1x16xf32> to vector<16xf32>
      %mul3A_406 = arith.mulf %get3A_405, %broadcast_in_dim3A_397 : vector<16xf32>
      %swap3A_407 = arith.constant 0 : i32
      %swap3A_408 = arith.constant 0 : i32
      %swap3A_409 = tpu.memref_slice %arg11[%scan3A_253, %swap3A_407, %swap3A_408] : memref<3x80x64xf32, #tpu.memory_space<vmem>> -> memref<1x80x64xf32, #tpu.memory_space<vmem>>
      %swap3A_410 = tpu.memref_squeeze %swap3A_409 : memref<1x80x64xf32, #tpu.memory_space<vmem>> -> memref<80x64xf32, #tpu.memory_space<vmem>>
      %swap3A_411 = arith.index_cast %scan3A_389 : i32 to index
      %swap3A_412 = arith.constant 0 : index
      %swap3A_413 = tpu.vector_load %swap3A_410[%swap3A_411, %swap3A_412] {strides = array<i32>} : memref<80x64xf32, #tpu.memory_space<vmem>>, vector<1x16xf32>,
      %swap3A_414 = vector.shape_cast %swap3A_413 : vector<1x16xf32> to vector<16xf32>
      %swap3A_415 = vector.shape_cast %mul3A_406 : vector<16xf32> to vector<1x16xf32>
      tpu.vector_store %swap3A_410[%swap3A_411, %swap3A_412], %swap3A_415 {strides = array<i32>} : memref<80x64xf32, #tpu.memory_space<vmem>>, vector<1x16xf32>,
      %get3A_416 = arith.constant 0 : i32
      %get3A_417 = arith.constant 0 : i32
      %get3A_418 = tpu.memref_slice %arg11[%scan3A_253, %get3A_416, %get3A_417] : memref<3x80x64xf32, #tpu.memory_space<vmem>> -> memref<1x80x64xf32, #tpu.memory_space<vmem>>
      %get3A_419 = tpu.memref_squeeze %get3A_418 : memref<1x80x64xf32, #tpu.memory_space<vmem>> -> memref<80x64xf32, #tpu.memory_space<vmem>>
      %get3A_420 = arith.index_cast %scan3A_389 : i32 to index
      %get3A_421 = arith.constant 16 : index
      %get3A_422 = tpu.vector_load %get3A_419[%get3A_420, %get3A_421] {strides = array<i32>} : memref<80x64xf32, #tpu.memory_space<vmem>>, vector<1x16xf32>,
      %get3A_423 = vector.shape_cast %get3A_422 : vector<1x16xf32> to vector<16xf32>
      %mul3A_424 = arith.mulf %get3A_423, %broadcast_in_dim3A_397 : vector<16xf32>
      %swap3A_425 = arith.constant 0 : i32
      %swap3A_426 = arith.constant 0 : i32
      %swap3A_427 = tpu.memref_slice %arg11[%scan3A_253, %swap3A_425, %swap3A_426] : memref<3x80x64xf32, #tpu.memory_space<vmem>> -> memref<1x80x64xf32, #tpu.memory_space<vmem>>
      %swap3A_428 = tpu.memref_squeeze %swap3A_427 : memref<1x80x64xf32, #tpu.memory_space<vmem>> -> memref<80x64xf32, #tpu.memory_space<vmem>>
      %swap3A_429 = arith.index_cast %scan3A_389 : i32 to index
      %swap3A_430 = arith.constant 16 : index
      %swap3A_431 = tpu.vector_load %swap3A_428[%swap3A_429, %swap3A_430] {strides = array<i32>} : memref<80x64xf32, #tpu.memory_space<vmem>>, vector<1x16xf32>,
      %swap3A_432 = vector.shape_cast %swap3A_431 : vector<1x16xf32> to vector<16xf32>
      %swap3A_433 = vector.shape_cast %mul3A_424 : vector<16xf32> to vector<1x16xf32>
      tpu.vector_store %swap3A_428[%swap3A_429, %swap3A_430], %swap3A_433 {strides = array<i32>} : memref<80x64xf32, #tpu.memory_space<vmem>>, vector<1x16xf32>,
      %get3A_434 = arith.constant 0 : i32
      %get3A_435 = arith.constant 0 : i32
      %get3A_436 = tpu.memref_slice %arg11[%scan3A_253, %get3A_434, %get3A_435] : memref<3x80x64xf32, #tpu.memory_space<vmem>> -> memref<1x80x64xf32, #tpu.memory_space<vmem>>
      %get3A_437 = tpu.memref_squeeze %get3A_436 : memref<1x80x64xf32, #tpu.memory_space<vmem>> -> memref<80x64xf32, #tpu.memory_space<vmem>>
      %get3A_438 = arith.index_cast %scan3A_389 : i32 to index
      %get3A_439 = arith.constant 32 : index
      %get3A_440 = tpu.vector_load %get3A_437[%get3A_438, %get3A_439] {strides = array<i32>} : memref<80x64xf32, #tpu.memory_space<vmem>>, vector<1x16xf32>,
      %get3A_441 = vector.shape_cast %get3A_440 : vector<1x16xf32> to vector<16xf32>
      %mul3A_442 = arith.mulf %get3A_441, %broadcast_in_dim3A_397 : vector<16xf32>
      %swap3A_443 = arith.constant 0 : i32
      %swap3A_444 = arith.constant 0 : i32
      %swap3A_445 = tpu.memref_slice %arg11[%scan3A_253, %swap3A_443, %swap3A_444] : memref<3x80x64xf32, #tpu.memory_space<vmem>> -> memref<1x80x64xf32, #tpu.memory_space<vmem>>
      %swap3A_446 = tpu.memref_squeeze %swap3A_445 : memref<1x80x64xf32, #tpu.memory_space<vmem>> -> memref<80x64xf32, #tpu.memory_space<vmem>>
      %swap3A_447 = arith.index_cast %scan3A_389 : i32 to index
      %swap3A_448 = arith.constant 32 : index
      %swap3A_449 = tpu.vector_load %swap3A_446[%swap3A_447, %swap3A_448] {strides = array<i32>} : memref<80x64xf32, #tpu.memory_space<vmem>>, vector<1x16xf32>,
      %swap3A_450 = vector.shape_cast %swap3A_449 : vector<1x16xf32> to vector<16xf32>
      %swap3A_451 = vector.shape_cast %mul3A_442 : vector<16xf32> to vector<1x16xf32>
      tpu.vector_store %swap3A_446[%swap3A_447, %swap3A_448], %swap3A_451 {strides = array<i32>} : memref<80x64xf32, #tpu.memory_space<vmem>>, vector<1x16xf32>,
      %get3A_452 = arith.constant 0 : i32
      %get3A_453 = arith.constant 0 : i32
      %get3A_454 = tpu.memref_slice %arg11[%scan3A_253, %get3A_452, %get3A_453] : memref<3x80x64xf32, #tpu.memory_space<vmem>> -> memref<1x80x64xf32, #tpu.memory_space<vmem>>
      %get3A_455 = tpu.memref_squeeze %get3A_454 : memref<1x80x64xf32, #tpu.memory_space<vmem>> -> memref<80x64xf32, #tpu.memory_space<vmem>>
      %get3A_456 = arith.index_cast %scan3A_389 : i32 to index
      %get3A_457 = arith.constant 48 : index
      %get3A_458 = tpu.vector_load %get3A_455[%get3A_456, %get3A_457] {strides = array<i32>} : memref<80x64xf32, #tpu.memory_space<vmem>>, vector<1x16xf32>,
      %get3A_459 = vector.shape_cast %get3A_458 : vector<1x16xf32> to vector<16xf32>
      %mul3A_460 = arith.mulf %get3A_459, %broadcast_in_dim3A_397 : vector<16xf32>
      %swap3A_461 = arith.constant 0 : i32
      %swap3A_462 = arith.constant 0 : i32
      %swap3A_463 = tpu.memref_slice %arg11[%scan3A_253, %swap3A_461, %swap3A_462] : memref<3x80x64xf32, #tpu.memory_space<vmem>> -> memref<1x80x64xf32, #tpu.memory_space<vmem>>
      %swap3A_464 = tpu.memref_squeeze %swap3A_463 : memref<1x80x64xf32, #tpu.memory_space<vmem>> -> memref<80x64xf32, #tpu.memory_space<vmem>>
      %swap3A_465 = arith.index_cast %scan3A_389 : i32 to index
      %swap3A_466 = arith.constant 48 : index
      %swap3A_467 = tpu.vector_load %swap3A_464[%swap3A_465, %swap3A_466] {strides = array<i32>} : memref<80x64xf32, #tpu.memory_space<vmem>>, vector<1x16xf32>,
      %swap3A_468 = vector.shape_cast %swap3A_467 : vector<1x16xf32> to vector<16xf32>
      %swap3A_469 = vector.shape_cast %mul3A_460 : vector<16xf32> to vector<1x16xf32>
      tpu.vector_store %swap3A_464[%swap3A_465, %swap3A_466], %swap3A_469 {strides = array<i32>} : memref<80x64xf32, #tpu.memory_space<vmem>>, vector<1x16xf32>,
    }
    %scan3A_258 = arith.constant 80 : i32
    %dma_wait3A_259 = arith.constant 2 : i32
    %dma_wait3A_260 = arith.constant 248 : i32
    %dma_wait3A_261 = arith.constant 2 : i32
    %dma_wait3A_262 = arith.constant 0 : i32
    %dma_wait3A_263 = arith.constant 0 : i32
    %dma_wait3A_264 = tpu.memref_slice %arg11[%dma_wait3A_259, %dma_wait3A_262, %dma_wait3A_263] : memref<3x80x64xf32, #tpu.memory_space<vmem>> -> memref<1x80x64xf32, #tpu.memory_space<vmem>>
    %dma_wait3A_265 = tpu.memref_squeeze %dma_wait3A_264 : memref<1x80x64xf32, #tpu.memory_space<vmem>> -> memref<80x64xf32, #tpu.memory_space<vmem>>
    %dma_wait3A_266 = arith.constant 0 : i32
    %dma_wait3A_267 = tpu.memref_slice %arg9[%dma_wait3A_260, %dma_wait3A_266] : memref<250x80xi32, #tpu.memory_space<vmem>> -> memref<1x80xi32, #tpu.memory_space<vmem>>
    %dma_wait3A_268 = tpu.memref_squeeze %dma_wait3A_267 : memref<1x80xi32, #tpu.memory_space<vmem>> -> memref<80xi32, #tpu.memory_space<vmem>>
    %dma_wait3A_269 = arith.constant 0 : i32
    %dma_wait3A_270 = arith.constant 0 : i32
    %dma_wait3A_271 = tpu.memref_slice %arg12[%dma_wait3A_269, %dma_wait3A_270] : memref<10112x64xf32, #tpu.memory_space<vmem_shared>> -> memref<10112x64xf32, #tpu.memory_space<vmem_shared>>
    %dma_wait3A_272 = tpu.memref_slice %arg14[%dma_wait3A_261] : memref<3x!tpu.dma_semaphore, #tpu.memory_space<semaphore_mem>> -> memref<1x!tpu.dma_semaphore, #tpu.memory_space<semaphore_mem>>
    %dma_wait3A_273 = tpu.memref_squeeze %dma_wait3A_272 : memref<1x!tpu.dma_semaphore, #tpu.memory_space<semaphore_mem>> -> memref<!tpu.dma_semaphore, #tpu.memory_space<semaphore_mem>>
    tpu.wait_indirect_dma semaphore(%dma_wait3A_273 : memref<!tpu.dma_semaphore, #tpu.memory_space<semaphore_mem>>) src(%dma_wait3A_265 : memref<80x64xf32, #tpu.memory_space<vmem>>) dst(%dma_wait3A_271 : memref<10112x64xf32, #tpu.memory_space<vmem_shared>>)
    %dma_start3A_274 = arith.constant 0 : i32
    %dma_start3A_275 = arith.constant 249 : i32
    %dma_start3A_276 = arith.constant 0 : i32
    %dma_start3A_277 = arith.constant 0 : i32
    %dma_start3A_278 = arith.constant 0 : i32
    %dma_start3A_279 = tpu.memref_slice %arg11[%dma_start3A_274, %dma_start3A_277, %dma_start3A_278] : memref<3x80x64xf32, #tpu.memory_space<vmem>> -> memref<1x80x64xf32, #tpu.memory_space<vmem>>
    %dma_start3A_280 = tpu.memref_squeeze %dma_start3A_279 : memref<1x80x64xf32, #tpu.memory_space<vmem>> -> memref<80x64xf32, #tpu.memory_space<vmem>>
    %dma_start3A_281 = arith.constant 0 : i32
    %dma_start3A_282 = tpu.memref_slice %arg9[%dma_start3A_275, %dma_start3A_281] : memref<250x80xi32, #tpu.memory_space<vmem>> -> memref<1x80xi32, #tpu.memory_space<vmem>>
    %dma_start3A_283 = tpu.memref_squeeze %dma_start3A_282 : memref<1x80xi32, #tpu.memory_space<vmem>> -> memref<80xi32, #tpu.memory_space<vmem>>
    %dma_start3A_284 = arith.constant 0 : i32
    %dma_start3A_285 = arith.constant 0 : i32
    %dma_start3A_286 = tpu.memref_slice %arg12[%dma_start3A_284, %dma_start3A_285] : memref<10112x64xf32, #tpu.memory_space<vmem_shared>> -> memref<10112x64xf32, #tpu.memory_space<vmem_shared>>
    %dma_start3A_287 = tpu.memref_slice %arg14[%dma_start3A_276] : memref<3x!tpu.dma_semaphore, #tpu.memory_space<semaphore_mem>> -> memref<1x!tpu.dma_semaphore, #tpu.memory_space<semaphore_mem>>
    %dma_start3A_288 = tpu.memref_squeeze %dma_start3A_287 : memref<1x!tpu.dma_semaphore, #tpu.memory_space<semaphore_mem>> -> memref<!tpu.dma_semaphore, #tpu.memory_space<semaphore_mem>>
    tpu.enqueue_indirect_dma source(%dma_start3A_280 : memref<80x64xf32, #tpu.memory_space<vmem>>) target(%dma_start3A_286 : memref<10112x64xf32, #tpu.memory_space<vmem_shared>>) offsets(%dma_start3A_283 : memref<80xi32, #tpu.memory_space<vmem>>) semaphore(%dma_start3A_288 : memref<!tpu.dma_semaphore, #tpu.memory_space<semaphore_mem>>) {add = true}
    %dma_wait3A_289 = arith.constant 0 : i32
    %dma_wait3A_290 = arith.constant 249 : i32
    %dma_wait3A_291 = arith.constant 0 : i32
    %dma_wait3A_292 = arith.constant 0 : i32
    %dma_wait3A_293 = arith.constant 0 : i32
    %dma_wait3A_294 = tpu.memref_slice %arg11[%dma_wait3A_289, %dma_wait3A_292, %dma_wait3A_293] : memref<3x80x64xf32, #tpu.memory_space<vmem>> -> memref<1x80x64xf32, #tpu.memory_space<vmem>>
    %dma_wait3A_295 = tpu.memref_squeeze %dma_wait3A_294 : memref<1x80x64xf32, #tpu.memory_space<vmem>> -> memref<80x64xf32, #tpu.memory_space<vmem>>
    %dma_wait3A_296 = arith.constant 0 : i32
    %dma_wait3A_297 = tpu.memref_slice %arg9[%dma_wait3A_290, %dma_wait3A_296] : memref<250x80xi32, #tpu.memory_space<vmem>> -> memref<1x80xi32, #tpu.memory_space<vmem>>
    %dma_wait3A_298 = tpu.memref_squeeze %dma_wait3A_297 : memref<1x80xi32, #tpu.memory_space<vmem>> -> memref<80xi32, #tpu.memory_space<vmem>>
    %dma_wait3A_299 = arith.constant 0 : i32
    %dma_wait3A_300 = arith.constant 0 : i32
    %dma_wait3A_301 = tpu.memref_slice %arg12[%dma_wait3A_299, %dma_wait3A_300] : memref<10112x64xf32, #tpu.memory_space<vmem_shared>> -> memref<10112x64xf32, #tpu.memory_space<vmem_shared>>
    %dma_wait3A_302 = tpu.memref_slice %arg14[%dma_wait3A_291] : memref<3x!tpu.dma_semaphore, #tpu.memory_space<semaphore_mem>> -> memref<1x!tpu.dma_semaphore, #tpu.memory_space<semaphore_mem>>
    %dma_wait3A_303 = tpu.memref_squeeze %dma_wait3A_302 : memref<1x!tpu.dma_semaphore, #tpu.memory_space<semaphore_mem>> -> memref<!tpu.dma_semaphore, #tpu.memory_space<semaphore_mem>>
    tpu.wait_indirect_dma semaphore(%dma_wait3A_303 : memref<!tpu.dma_semaphore, #tpu.memory_space<semaphore_mem>>) src(%dma_wait3A_295 : memref<80x64xf32, #tpu.memory_space<vmem>>) dst(%dma_wait3A_301 : memref<10112x64xf32, #tpu.memory_space<vmem_shared>>)
    %barrier3A_304 = arith.constant 0 : index
    tpu.barrier barrier_id(%barrier3A_304)
    %mul3A_305 = arith.constant 632 : i32
    %mul3A_306 = arith.muli %arg1, %mul3A_305 : i32
    %mul3A_307 = arith.constant 632 : i32
    %mul3A_308 = arith.muli %arg1, %mul3A_307 : i32
    "tpu.region"() ({
      %run_scoped3A = tpu.sem_alloc : memref<!tpu.dma_semaphore, #tpu.memory_space<semaphore_mem>>
      %dma_start3A_309 = arith.constant 0 : i32
      %dma_start3A_310 = tpu.memref_slice %arg7[%arg0, %mul3A_308, %dma_start3A_309] : memref<2x10112x64xf32, #tpu.memory_space<hbm>> -> memref<1x632x64xf32, #tpu.memory_space<hbm>>
      %dma_start3A_311 = tpu.memref_squeeze %dma_start3A_310 : memref<1x632x64xf32, #tpu.memory_space<hbm>> -> memref<632x64xf32, #tpu.memory_space<hbm>>
      %dma_start3A_312 = arith.constant 0 : i32
      %dma_start3A_313 = tpu.memref_slice %arg12[%mul3A_306, %dma_start3A_312] : memref<10112x64xf32, #tpu.memory_space<vmem_shared>> -> memref<632x64xf32, #tpu.memory_space<vmem_shared>>
      tpu.enqueue_dma source(%dma_start3A_313 : memref<632x64xf32, #tpu.memory_space<vmem_shared>>) target(%dma_start3A_311 : memref<632x64xf32, #tpu.memory_space<hbm>>) target_semaphore(%run_scoped3A : memref<!tpu.dma_semaphore, #tpu.memory_space<semaphore_mem>>)
      %dma_wait3A_314 = arith.constant 0 : i32
      %dma_wait3A_315 = tpu.memref_slice %arg7[%arg0, %mul3A_308, %dma_wait3A_314] : memref<2x10112x64xf32, #tpu.memory_space<hbm>> -> memref<1x632x64xf32, #tpu.memory_space<hbm>>
      %dma_wait3A_316 = tpu.memref_squeeze %dma_wait3A_315 : memref<1x632x64xf32, #tpu.memory_space<hbm>> -> memref<632x64xf32, #tpu.memory_space<hbm>>
      %dma_wait3A_317 = arith.constant 0 : i32
      %dma_wait3A_318 = tpu.memref_slice %arg12[%mul3A_306, %dma_wait3A_317] : memref<10112x64xf32, #tpu.memory_space<vmem_shared>> -> memref<632x64xf32, #tpu.memory_space<vmem_shared>>
      tpu.wait_dma2 semaphore(%run_scoped3A : memref<!tpu.dma_semaphore, #tpu.memory_space<semaphore_mem>>) src(%dma_wait3A_318 : memref<632x64xf32, #tpu.memory_space<vmem_shared>>) dst(%dma_wait3A_316 : memref<632x64xf32, #tpu.memory_space<hbm>>)
      tpu.yield
    }) : () -> ()
    return
  }
}

module attributes {stable_mosaic.version = 14 : i64} {
  func.func @_matmul_body(%arg0: i32, %arg1: memref<2x1000x64xf32, #tpu.memory_space<vmem>>, %arg2: memref<128x128xf32, #tpu.memory_space<vmem>>, %arg3: memref<1000x128xf32, #tpu.memory_space<vmem>>) attributes {dimension_semantics = [#tpu.dimension_semantics<arbitrary>], iteration_bounds = array<i64: 10>, scalar_prefetch = 0 : i64, scratch_operands = 0 : i64, tpu.core_type = #tpu.core_type<tc>, window_params = [{transform_indices = @transform_0, window_bounds = array<i64: 2, 1000, 64>}, {pipeline_mode = #tpu.pipeline_mode<synchronous>, transform_indices = @transform_1, window_bounds = array<i64: 128, 128>}, {transform_indices = @transform_2, window_bounds = array<i64: 1000, 128>}]} {
    %get3A = arith.constant 0 : index
    %get3A_0 = arith.constant 0 : index
    %get3A_1 = arith.constant 0 : index
    %get3A_2 = vector.load %arg1[%get3A, %get3A_0, %get3A_1] : memref<2x1000x64xf32, #tpu.memory_space<vmem>>, vector<1x1000x64xf32>
    %get3A_3 = vector.shape_cast %get3A_2 : vector<1x1000x64xf32> to vector<1000x64xf32>
    %get3A_4 = arith.constant 0 : index
    %get3A_5 = arith.constant 0 : index
    %get3A_6 = vector.load %arg2[%get3A_4, %get3A_5] : memref<128x128xf32, #tpu.memory_space<vmem>>, vector<64x128xf32>
    %dot_general3A = arith.constant dense<0.000000e+00> : vector<1000x128xf32>
    %dot_general3A_7 = tpu.matmul %get3A_3, %get3A_6, %dot_general3A {dimension_numbers = #tpu.dot_dimension_numbers<[1], [0], [0], [1], [0, 0, 1, 1], [], []>, transpose_lhs_hint = false} : vector<1000x64xf32>, vector<64x128xf32>, vector<1000x128xf32> -> vector<1000x128xf32>
    %get3A_8 = arith.constant 1 : index
    %get3A_9 = arith.constant 0 : index
    %get3A_10 = arith.constant 0 : index
    %get3A_11 = vector.load %arg1[%get3A_8, %get3A_9, %get3A_10] : memref<2x1000x64xf32, #tpu.memory_space<vmem>>, vector<1x1000x64xf32>
    %get3A_12 = vector.shape_cast %get3A_11 : vector<1x1000x64xf32> to vector<1000x64xf32>
    %get3A_13 = arith.constant 64 : index
    %get3A_14 = arith.constant 0 : index
    %get3A_15 = vector.load %arg2[%get3A_13, %get3A_14] : memref<128x128xf32, #tpu.memory_space<vmem>>, vector<64x128xf32>
    %dot_general3A_16 = arith.constant dense<0.000000e+00> : vector<1000x128xf32>
    %dot_general3A_17 = tpu.matmul %get3A_12, %get3A_15, %dot_general3A_16 {dimension_numbers = #tpu.dot_dimension_numbers<[1], [0], [0], [1], [0, 0, 1, 1], [], []>, transpose_lhs_hint = false} : vector<1000x64xf32>, vector<64x128xf32>, vector<1000x128xf32> -> vector<1000x128xf32>
    %add3A = arith.addf %dot_general3A_7, %dot_general3A_17 : vector<1000x128xf32>
    %swap3A = arith.constant 0 : index
    %swap3A_18 = arith.constant 0 : index
    %swap3A_19 = vector.load %arg3[%swap3A, %swap3A_18] : memref<1000x128xf32, #tpu.memory_space<vmem>>, vector<1000x128xf32>
    tpu.vector_store %arg3[%swap3A, %swap3A_18], %add3A {strides = array<i32>} : memref<1000x128xf32, #tpu.memory_space<vmem>>, vector<1000x128xf32>,
    return
  }
  func.func @transform_0(%arg0: i32) -> (i32, i32, i32) {
    %c0_i32 = arith.constant 0 : i32
    %c0_i32_0 = arith.constant 0 : i32
    %c0_i32_1 = arith.constant 0 : i32
    return %c0_i32, %arg0, %c0_i32_0 : i32, i32, i32
  }
  func.func @transform_1(%arg0: i32) -> (i32, i32) {
    %c0_i32 = arith.constant 0 : i32
    %c0_i32_0 = arith.constant 0 : i32
    %c0_i32_1 = arith.constant 0 : i32
    return %c0_i32, %c0_i32_0 : i32, i32
  }
  func.func @transform_2(%arg0: i32) -> (i32, i32) {
    %c0_i32 = arith.constant 0 : i32
    %c0_i32_0 = arith.constant 0 : i32
    return %arg0, %c0_i32 : i32, i32
  }
}

</mosaic_0001>

<sc_bundles>
// kernel: kernel.4.cloned.1.call-start
scs
__scs_entry_jumppad:
0x0: {  	(pc) =	sbr.rel $0x88, $3  }
0x1: {  	(tag) =	ssettag $0x0;
	lr =	simm.s32 $0x1  }
0x2: {  	[smem:$0x3F9D] =	sst lr;
	_ =	strace $0xD0000000  }
0x3: {  	_ = 	snop  }
0x4: {  	_ = 	snop  }
0x5: {  	_ = 	snop  }
0x6: {  	_ = 	snop  }
0x7: {  	_ = 	snop  }
__scs_overlays_trampoline_lowered:
0x8: {  	[smem:$0x3FAC] =	sst s0  }
0x9: {  	[smem:$0x3FAD] =	sst s1  }
0xa: {  	[smem:$0x3FAE] =	sst s2  }
0xb: {  	[smem:$0x3FAF] =	sst s3  }
0xc: {  	[smem:$0x3FB0] =	sst s4  }
0xd: {  	[smem:$0x3FB1] =	sst s5  }
0xe: {  	[smem:$0x3FB2] =	sst s6  }
0xf: {  	[smem:$0x3FB3] =	sst s7  }
0x10: {  	[smem:$0x3FB4] =	sst s8  }
0x11: {  	[smem:$0x3FB5] =	sst s9;
	s0 =	simm.s32 @!p0 $0x0  }
0x12: {  	s1 =	sld [smem:$0x3F9B];
	s0 =	simm.s32 @p0 $0x1  }
0x13: {  	[smem:$0x3FB6] =	sst s0;
	s0 =	simm.s32 @!p1 $0x0  }
0x14: {  	s2 =	sld [smem:$0x3F9A];
	s0 =	simm.s32 @p1 $0x1  }
0x15: {  	[smem:$0x3FB7] =	sst s0;
	s0 =	simm.s32 @!p2 $0x0  }
0x16: {  	s3 =	sld [smem:$0x3FDB];
	s0 =	simm.s32 @p2 $0x1  }
0x17: {  	s4 =	simm.s32 $0x1BF5;
	[smem:$0x3FB9] =	sst s0  }
0x18: {  	s0 =	sld [smem:$0x3F9C];
	_ =	swait.ge [sflag:s4], $0x0  }
0x19: {  	s7 =	sld [smem:$0x3F9D]  }
0x1a: {  	s8 =	sadd.s32 $0xFFFFE003, lr  }
0x1b: {  	s9 =	sadd.s32 $0xFFFFFEF7, lr;
	s5 =	simm.s32 $0xFFFFFFFF;
	p2 =	slt.u32 s8, $0xFFFFF086  }
0x1c: {  	p1 =	slt.u32 s9, $0xF7A;
	s5 =	simm.s32 @!p2 $0x0  }
0x1d: {  	s5 =	simm.s32 @p1 $0x1;
	p0 =	seq.s32 s7, s2  }
0x1e: {  	s7 =	smul.u32 @!p0 $0xF7A, s2;
	p2 =	seq.s32 @!p0 s5, $0x0  }
0x1f: {  	s9 =	smul.u32 $0xF7A, s1;
	s8 =	simm.s32 @!p0 $0x1BF5;
	p2 =	por !p2, p0  }
0x20: {  	[sflag:s8] =	ssyncset.s32 @!p0 $0xFFFFF086;
	s6 =	sadd.s32 @!p0 s3, s7;
	s7 =	simm.s32 @!p0 $0x108  }
0x21: {  	s3 =	sadd.s32 s3, s9;
	s6 =	sadd.s32 @!p0 $0x88, s6;
	s7 =	simm.s32 @p2 $0x1082  }
0x22: {  	[simem:s7], [sflag:s8] =	dma.local @!p0 [hbm:s6], $0xF7A  }
0x23: {  	s9 =	sor.u32 $0xD0000000, s2;
	s6 =	simm.s32 $0x108;
	_ =	swait.ge @!p0 [sflag:s8], $0x0  }
0x24: {  	s3 =	sadd.s32 $0x88, s3;
	s6 =	simm.s32 @!p1 $0x1082;
	[sflag:s4] =	ssyncset.s32 $0xFFFFF086  }
0x25: {  	[simem:s6], [sflag:s4] =	dma.local [hbm:s3], $0xF7A  }
0x26: {  	[smem:$0x3F9D] =	sst s1;
	(tag) =	ssettag s2;
	_ =	strace s9  }
0x27: {  	s1 =	sld [smem:$0x3FAD]  }
0x28: {  	s2 =	sld [smem:$0x3FAE]  }
0x29: {  	s4 =	sld [smem:$0x3FB0]  }
0x2a: {  	p0 =	seq.s32 s5, $0x0;
	s5 =	sld [smem:$0x3FB1]  }
0x2b: {  	s6 =	sld [smem:$0x3FB2]  }
0x2c: {  	s7 =	sld [smem:$0x3FB3]  }
0x2d: {  	s3 =	simm.s32 $0x108;
	s8 =	sld [smem:$0x3FB4]  }
0x2e: {  	s3 =	simm.s32 @!p0 $0x1082;
	s9 =	sld [smem:$0x3FB5]  }
0x2f: {  	lr =	sadd.s32 s0, s3;
	s0 =	sld [smem:$0x3FAC]  }
0x30: {  	s3 =	sld [smem:$0x3FAF]  }
0x31: {  	[smem:$0x3FB8] =	sst s10  }
0x32: {  	s10 =	sld [smem:$0x3FB6];
	_ =	sdelay $0x3  }
0x33: {  	p0 =	seq.s32 s10, $0x1;
	s10 =	sld [smem:$0x3FB8];
	_ =	sdelay $0x3  }
0x34: {  	[smem:$0x3FB8] =	sst s10  }
0x35: {  	s10 =	sld [smem:$0x3FB7];
	_ =	sdelay $0x3  }
0x36: {  	p1 =	seq.s32 s10, $0x1;
	s10 =	sld [smem:$0x3FB8];
	_ =	sdelay $0x3  }
0x37: {  	[smem:$0x3FB8] =	sst s10  }
0x38: {  	s10 =	sld [smem:$0x3FB9]  }
0x39: {  	_ = 	snop;
	(pc) =	sbr.ind lr, $3  }
0x3a: {  	_ = 	snop  }
0x3b: {  	_ = 	snop  }
0x3c: {  	p2 =	seq.s32 s10, $0x1;
	s10 =	sld [smem:$0x3FB8]  }
0x3d: {  	_ =	shalt  }
0x3e: {  	_ =	shalt  }
0x3f: {  	_ =	shalt  }
0x40: {  	_ =	shalt  }
0x41: {  	_ =	shalt  }
0x42: {  	_ =	shalt  }
0x43: {  	_ =	shalt  }
0x44: {  	_ =	shalt  }
0x45: {  	_ =	shalt  }
0x46: {  	_ =	shalt  }
0x47: {  	_ =	shalt  }
0x48: {  	_ =	shalt  }
0x49: {  	_ =	shalt  }
0x4a: {  	_ =	shalt  }
0x4b: {  	_ =	shalt  }
0x4c: {  	_ =	shalt  }
0x4d: {  	_ =	shalt  }
0x4e: {  	_ =	shalt  }
0x4f: {  	_ =	shalt  }
0x50: {  	_ =	shalt  }
0x51: {  	_ =	shalt  }
0x52: {  	_ =	shalt  }
0x53: {  	_ =	shalt  }
0x54: {  	_ =	shalt  }
0x55: {  	_ =	shalt  }
0x56: {  	_ =	shalt  }
0x57: {  	_ =	shalt  }
0x58: {  	_ =	shalt  }
0x59: {  	_ =	shalt  }
0x5a: {  	_ =	shalt  }
0x5b: {  	_ =	shalt  }
0x5c: {  	_ =	shalt  }
0x5d: {  	_ =	shalt  }
0x5e: {  	_ =	shalt  }
0x5f: {  	_ =	shalt  }
0x60: {  	_ =	shalt  }
0x61: {  	_ =	shalt  }
0x62: {  	_ =	shalt  }
0x63: {  	_ =	shalt  }
0x64: {  	_ =	shalt  }
0x65: {  	_ =	shalt  }
0x66: {  	_ =	shalt  }
0x67: {  	_ =	shalt  }
0x68: {  	_ =	shalt  }
0x69: {  	_ =	shalt  }
0x6a: {  	_ =	shalt  }
0x6b: {  	_ =	shalt  }
0x6c: {  	_ =	shalt  }
0x6d: {  	_ =	shalt  }
0x6e: {  	_ =	shalt  }
0x6f: {  	_ =	shalt  }
0x70: {  	_ =	shalt  }
0x71: {  	_ =	shalt  }
0x72: {  	_ =	shalt  }
0x73: {  	_ =	shalt  }
0x74: {  	_ =	shalt  }
0x75: {  	_ =	shalt  }
0x76: {  	_ =	shalt  }
0x77: {  	_ =	shalt  }
0x78: {  	_ =	shalt  }
0x79: {  	_ =	shalt  }
0x7a: {  	_ =	shalt  }
0x7b: {  	_ =	shalt  }
0x7c: {  	_ =	shalt  }
0x7d: {  	_ =	shalt  }
0x7e: {  	_ =	shalt  }
0x7f: {  	_ =	shalt  }
0x80: {  	_ =	shalt  }
0x81: {  	_ =	shalt  }
0x82: {  	_ =	shalt  }
0x83: {  	_ =	shalt  }
0x84: {  	_ =	shalt  }
0x85: {  	_ =	shalt  }
0x86: {  	_ =	shalt  }
0x87: {  	_ =	shalt  }
.Lfunc_end0:
.L_simem_size_0:
called_computation_lowered:
.L_overlay_start_0:
0x88: {  	s2 =	sld [smem:$0x3FD9]  }
0x89: {  	s3 =	sld [smem:$0x3FFE];
	_ =	sdelay $0x1  }
0x8a: {  	s1 =	srdreg.scid  }
0x8b: {  	s0 =	sand.u32 $0x1, s1  }
0x8c: {  	s17 =	sshll.u32 s0, $0xA;
	s2 =	sadd.s32 s3, s2  }
0x8d: {  	s2 =	sadd.s32 s2, s17  }
0x8e: {  	[smem:$0x3FC4] =	sst s2  }
0x8f: {  	_ = 	snop  }
0x90: {  	s2 =	sld [smem:$0x3FC9]  }
0x91: {  	s18 =	sld [smem:$0x3FC7]  }
0x92: {  	s4 =	sld [smem:$0x3FD0];
	(tm) =	ssettm $0x1  }
0x93: {  	s5 =	sld [smem:$0x3FFB];
	_ =	sdelay $0x3  }
0x94: {  	_ =	strace s5  }
0x95: {  	s5 =	sld [smem:$0x3FFC];
	_ =	sdelay $0x3  }
0x96: {  	_ =	strace s5  }
0x97: {  	s5 =	sld [smem:$0x3FFD];
	_ =	sdelay $0x3  }
0x98: {  	_ =	strace s5  }
0x99: {  	_ =	strace $0x8FFFFFFF  }
0x9a: {  	s19 =	sld [smem:$0x3FDB];
	_ =	sdelay $0x1  }
0x9b: {  	s6 =	simm.s32 $_scs_section_size  }
0x9c: {  	s7 =	simm.s32 $_size__tile_overlayer_lowered;
	s8 =	simm.s32 $_tile_overlayer_lowered  }
0x9d: {  	s22 =	simm.s32 $0x1BFF;
	s21 =	sshll.u32 s8, $0x1;
	s5 =	sadd.s32 s6, s19  }
0x9e: {  	s9 =	simm.s32 $0x0;
	s20 =	sshll.u32 s7, $0x1;
	s7 =	sadd.s32 s21, s5  }
0x9f: {  	[timem:s9], [sflag:s22] =	dma.local [hbm:s7], s20  }
0xa0: {  	_ =	swait.ge [sflag:s22], s20  }
0xa1: {  	s6 =	ssub.s32 $0x0, s20;
	[sflag:s22] =	ssyncset.done $0x0  }
0xa2: {  	[sflag:s22] =	ssyncadd.s32 s6;
	_ =	sdelay $0x1  }
0xa3: {  	s23 =	simm.s32 $0x1B8B  }
0xa4: {  	_ =	swait.ge [sflag:s23], $0x1  }
0xa5: {  	[sflag:s23] =	ssyncset.done $0x0  }
0xa6: {  	s25 =	simm.s32 $0x1B8E;
	s24 =	sld [smem:$0x3FFE];
	[sflag:s23] =	ssyncadd.s32 $0xFFFFFFFF  }
0xa7: {  	s26 =	simm.s32 $execute0_lowered;
	[smem:$0x3FD2] =	sst s25  }
0xa8: {  	s7 =	sshll.u32 s26, $0x1;
	_ =	strace $0x80000046;
	[dreg:$0x1] =	wrdreg $0xFFFFFFFF  }
0xa9: {  	s28 =	simm.s32 $_size_execute0_lowered;
	s5 =	sadd.s32 s5, s7;
	[dreg:$0x0] =	wrdreg $0x0  }
0xaa: {  	s7 =	sshll.u32 s28, $0x1;
	[dreg:$0x2] =	wrdreg s5  }
0xab: {  	[dreg:$0x3] =	wrdreg s7  }
0xac: {  	[dreg:$0x4] =	wrdreg $0xC0  }
0xad: {  	_ =	task [dreg:s9], $0x5FFFF  }
0xae: {  	[dreg:$0x1] =	wrdreg $0xFFFFFFFF  }
0xaf: {  	[dreg:$0x0] =	wrdreg $0x60  }
0xb0: {  	[dreg:$0x2] =	wrdreg s24  }
0xb1: {  	[dreg:$0x3] =	wrdreg s4  }
0xb2: {  	[dreg:$0x4] =	wrdreg s18  }
0xb3: {  	[dreg:$0x5] =	wrdreg s2  }
0xb4: {  	[dreg:$0x6] =	wrdreg $0x126800  }
0xb5: {  	[dreg:$0x7] =	wrdreg $0x9  }
0xb6: {  	_ =	task.clear_ibuf [dreg:s9], $0x8FFFF;
	_ =	strace $0x90000046  }
0xb7: {  	s29 =	simm.s32 $0x9;
	_ =	strace $0x80000048  }
0xb8: {  	_ =	swait.ge [sflag:s29], $0x1  }
0xb9: {  	[sflag:s29] =	ssyncadd.s32 $0xFFFFFFFF  }
0xba: {  	_ =	strace $0x90000048  }
0xbb: {  	_ =	sfence  }
0xbc: {  	s30 =	sld [smem:$0x0];
	_ =	sdelay $0x2  }
0xbd: {  	s31 =	sshll.u32 s1, $0xD;
	s1 =	sshrl.u32 s1, $0x2  }
0xbe: {  	s3 =	sand.u32 $0x4000, s31;
	s1 =	sadd.s32 s1, s30  }
0xbf: {  	s0 =	sor.u32 s3, s0;
	s1 =	sshll.u32 s1, $0x11  }
0xc0: {  	s0 =	sor.u32 s1, s0  }
0xc1: {  	s0 =	sadd.s32 $0x8F2B, s0  }
0xc2: {  	[sflag:s0] =	ssyncadd.remote.s32 $0x1  }
0xc3: {  	_ =	sfence.sel $0xFFFF  }
0xc4: {  	[dreg:$0x0] =	wrdreg $0xFFFFFFFF;
	(pc) =	sbr.abs _section_cstart, $3  }
0xc5: {  	[dreg:$0x1] =	wrdreg $0xFFFFFFFF  }
0xc6: {  	_ =	task.clear_ibuf [dreg:s9], $0x2FFFF;
	_ =	strace $0x9FFFFFFF  }
0xc7: {  	(tm) =	ssettm $0x7FFFFFFF  }
tec
execute0_lowered:
.L_overlay_start_1:
0x0: {  	(tag) =	ssettag $0x1  }
0x1: {  	s0 =	rddreg [dreg:$0x0]  }
0x2: {  	s1 =	rddreg [dreg:$0x1]  }
0x3: {  	s4 =	rddreg [dreg:$0x2]  }
0x4: {  	s2 =	rddreg [dreg:$0x3]  }
0x5: {  	s5 =	srdreg.scid;
	s12 =	stileid.u32  }
0x6: {  	s3 =	rddreg [dreg:$0x4];
	s8 =	simm.s32 $0x0;
	s11 =	simm.s32 $0x7  }
0x7: {  	s16 =	simm.s32 $0xEA80;
	s17 =	simm.s32 $0xFE80;
	s18 =	simm.s32 $0x1  }
0x8: {  	s19 =	simm.s32 $0x50;
	s20 =	simm.s32 $0x11280;
	s21 =	simm.s32 $0x2  }
0x9: {  	s22 =	simm.s32 $0x4;
	s13 =	simm.s32 $0x0;
	s6 =	smul.u32 $0x9E00, s12  }
0xa: {  	s5 =	sand.u32 $0x1, s5;
	[smem:$0x7FF] =	sst s8;
	s9 =	smul.u32 $0x9C4, s12  }
0xb: {  	s10 =	sadd.s32 $0x9E00, s0;
	s31 =	sshll.u32 s12, $0x6;
	s7 =	smul.u32 $0x9E000, s5  }
0xc: {  	_ =	strace $0x80000047;
	s23 =	ssub.s32 $0x2, s5;
	[dreg:$0x6] =	wrdreg s10  }
0xd: {  	s24 =	sshrl.u32 s23, $0x1;
	s25 =	sadd.s32 s1, s9;
	s26 =	sadd.s32 s4, s9  }
0xe: {  	s28 =	sadd.s32 s6, s3;
	s7 =	sadd.s32 s6, s7;
	[dreg:$0x8] =	wrdreg s25  }
0xf: {  	s8 =	ssub.s32 s23, s24;
	[dreg:$0x9] =	wrdreg s26;
	s6 =	sor.u32 $0x1C07, s31  }
0x10: {  	s7 =	sshrl.u32 s7, $0x3;
	s30 =	smax.u32 s8, $0x1;
	[dreg:$0xc] =	wrdreg s6  }
0x11: {  	s7 =	sadd.s32 s7, s0;
	s0 =	sadd.s32 s0, s9;
	[dreg:$0xb] =	wrdreg s30  }
0x12: {  	s23 =	simm.s32 $0x3;
	[dreg:$0x7] =	wrdreg s0;
	s29 =	sadd.s32 $0xB200, s7  }
0x13: {  	s24 =	simm.s32 $0x5;
	s7 =	sshrl.u32 s28, $0x3;
	[dreg:$0xa] =	wrdreg s29  }
0x14: {  	v0 =	vmov s5;
	s25 =	simm.s32 $0x6;
	s0 =	simm.s32 $0x0;
	[dreg:$0xd] =	wrdreg s7  }
.LBB2_1:
0x15: {  	s1 =	simm.s32 $0x0;
	s4 =	rddreg [dreg:$0x7]  }
0x16: {  	[tilespmem:s1], [sflag:$0x7] =	stream.linear.gather [hbm4b:s4+s1], $0x4E20, $0x38;
	[tilespmem:$0x1C480] =	vst v63  }
0x17: {  	_ =	swait.ge [sflag:s11], $0x4E20  }
0x18: {  	[sflag:s11] =	ssyncset.done $0x0  }
0x19: {  	s5 =	simm.s32 $0x4E30;
	s28 =	rddreg [dreg:$0x8];
	[sflag:s11] =	ssyncadd.s32 $0xFFFFB1E0  }
0x1a: {  	[tilespmem:s5], [sflag:$0x7] =	stream.linear.gather [hbm4b:s28+s1], $0x4E20, $0x38;
	[tilespmem:$0x1C480] =	vst v63  }
0x1b: {  	_ =	swait.ge [sflag:s11], $0x4E20  }
0x1c: {  	[sflag:s11] =	ssyncset.done $0x0  }
0x1d: {  	s30 =	simm.s32 $0x9C50;
	s29 =	rddreg [dreg:$0x9];
	[sflag:s11] =	ssyncadd.s32 $0xFFFFB1E0  }
0x1e: {  	[tilespmem:s30], [sflag:$0x7] =	stream.linear.gather [hbm4b:s29+s1], $0x4E20, $0x38;
	[tilespmem:$0x1C480] =	vst v63  }
0x1f: {  	_ =	swait.ge [sflag:s11], $0x4E20  }
0x20: {  	[sflag:s11] =	ssyncset.done $0x0  }
0x21: {  	s31 =	rddreg [dreg:$0x6];
	[sflag:s11] =	ssyncadd.s32 $0xFFFFB1E0  }
0x22: {  	[spmem:s7], [sflag:s6] =	dma.local [hbm:s31], $0x13C0  }
0x23: {  	_ =	swait.ge [sflag:s11], $0x13C0  }
0x24: {  	[sflag:s11] =	ssyncset.done $0x0  }
0x25: {  	s1 =	simm.s32 $0x20;
	[sflag:s11] =	ssyncadd.s32 $0xFFFFEC40  }
0x26: {  	v1 =	vld [tilespmem:s1+$0xFFFFFFE0];
	_ =	sdelay $0x2  }
0x27: {  	v2 =	vld [tilespmem:s1+$0x0]  }
0x28: {  	v3 =	vld [tilespmem:s1+$0x10]  }
0x29: {  	v4 =	vshll.u32 v1, $0x1;
	v1 =	vld [tilespmem:s1+$0xFFFFFFF0];
	_ =	sdelay $0x2  }
0x2a: {  	v2 =	vshll.u32 v2, $0x1;
	v4 =	vor.u32 v0, v4  }
0x2b: {  	s5 =	simm.s32 $0x0;
	s6 =	simm.s32 $0x60;
	v3 =	vshll.u32 v3, $0x1;
	v2 =	vor.u32 v0, v2;
	[tilespmem:s1+$0xFFFFFFE0] =	vst v4  }
.LBB2_2:
0x2c: {  	v4 =	vld [tilespmem:s6+$0xFFFFFFE0];
	v1 =	vshll.u32 v1, $0x1;
	[tilespmem:s1+$0x0] =	vst v2;
	v2 =	vor.u32 v0, v3  }
0x2d: {  	s5 =	sadd.s32 $0x4, s5;
	v3 =	vld [tilespmem:s6+$0x0];
	v1 =	vor.u32 v0, v1;
	[tilespmem:s1+$0x10] =	vst v2  }
0x2e: {  	p0 =	slt.u32 s5, $0x4DC;
	v5 =	vld [tilespmem:s6+$0x10];
	[tilespmem:s1+$0xFFFFFFF0] =	vst v1;
	s1 =	smov.u32 s6  }
.Ltmp0:
0x2f: {  	v1 =	vld [tilespmem:s6+$0xFFFFFFF0];
	(pc) =	sbr.rel @p0 .LBB2_2-.Ltmp0, $4  }
0x30: {  	_ = 	snop  }
0x31: {  	v2 =	vshll.u32 v4, $0x1  }
0x32: {  	v2 =	vor.u32 v0, v2;
	v3 =	vshll.u32 v3, $0x1  }
0x33: {  	s6 =	sadd.s32 $0x40, s6;
	[tilespmem:s1+$0xFFFFFFE0] =	vst v2;
	v2 =	vor.u32 v0, v3;
	v3 =	vshll.u32 v5, $0x1  }
0x34: {  	v1 =	vshll.u32 v1, $0x1;
	[tilespmem:s1+$0x0] =	vst v2;
	v2 =	vor.u32 v0, v3  }
0x35: {  	v1 =	vor.u32 v0, v1;
	[tilespmem:s1+$0x10] =	vst v2  }
0x36: {  	[tilespmem:s1+$0xFFFFFFF0] =	vst v1  }
0x37: {  	v1 =	vld [tilespmem:$0x4E00]  }
0x38: {  	v2 =	vld [tilespmem:$0x4E10];
	_ =	sdelay $0x3  }
0x39: {  	v1 =	vshll.u32 v1, $0x1  }
0x3a: {  	v2 =	vshll.u32 v2, $0x1;
	v1 =	vor.u32 v0, v1  }
0x3b: {  	[tilespmem:$0x4E00] =	vst v1;
	v1 =	vor.u32 v0, v2  }
0x3c: {  	s12 =	simm.s32 $0x50;
	s26 =	simm.s32 $0x9C51;
	[tilespmem:$0x4E10] =	vst v1  }
0x3d: {  	s10 =	simm.s32 $0x9CA1;
	s29 =	simm.s32 $0xA0;
	[bflag:$0x0] =	sbarrier.arrive $0xFFFF  }
0x3e: {  	[tilespmem:s16], [sflag:$0x1] =	stream.indirect.gather [hbm4b:s2+s12], $0x40, s13, s12, $0xb8;
	[tilespmem:$0x1C480] =	vst v63  }
0x3f: {  	s30 =	simm.s32 $0x9CF1;
	s31 =	simm.s32 $0x0;
	s1 =	simm.s32 $0x0  }
0x40: {  	[tilespmem:s17], [sflag:$0x2] =	stream.indirect.gather [hbm4b:s2+s12], $0x40, s12, s12, $0xb8;
	[tilespmem:$0x1C480] =	vst v63  }
.LBB2_4:
0x41: {  	_ =	swait.ge [sflag:s18], $0x1400  }
0x42: {  	s4 =	sadd.s32 $0x0, s31;
	s5 =	simm.s32 $0xEAC0;
	[sflag:s18] =	ssyncset.done $0x0  }
0x43: {  	s6 =	sand.u32 $0x6, s13;
	s4 =	sand.u32 $0xFFF8, s4;
	[sflag:s18] =	ssyncadd.s32 $0xFFFFEC00  }
0x44: {  	s4 =	sor.u32 s6, s4;
	v1 =	vld [tilespmem:s5+$0xFFFFFFF0]  }
0x45: {  	v2 =	vld.msk [tilespmem:s4+$0x9C50 ss:$0x0], $0xffff  }
0x46: {  	v3 =	vld [tilespmem:s5+$0xFFFFFFC0]  }
0x47: {  	v4 =	vld [tilespmem:s5+$0xFFFFFFD0]  }
0x48: {  	v5 =	vld [tilespmem:s5+$0xFFFFFFE0];
	_ =	sdelay $0x1  }
0x49: {  	v1 =	vmul.f32 v1, v2  }
0x4a: {  	v3 =	vmul.f32 v2, v3  }
0x4b: {  	v4 =	vmul.f32 v4, v2;
	[tilespmem:s5+$0xFFFFFFF0] =	vst v1  }
0x4c: {  	v2 =	vmul.f32 v5, v2;
	v5 =	vld [tilespmem:s5+$0x20];
	[tilespmem:s5+$0xFFFFFFC0] =	vst v3  }
0x4d: {  	[tilespmem:s5+$0xFFFFFFD0] =	vst v4;
	v3 =	vld [tilespmem:s5+$0x0]  }
0x4e: {  	[tilespmem:s5+$0xFFFFFFE0] =	vst v2;
	v4 =	vld [tilespmem:s5+$0x10]  }
0x4f: {  	s9 =	simm.s32 $0x2;
	v2 =	vld.msk [tilespmem:s26+$0x0 ss:$0x0], $0xffff  }
0x50: {  	s8 =	smov.u32 s26;
	s7 =	simm.s32 $0xEAC0;
	s6 =	smul.u32 $0xF0, s1;
	v1 =	vld [tilespmem:s5+$0x30]  }
.LBB2_5:
0x51: {  	_ = 	snop  }
0x52: {  	s8 =	sadd.s32 $0x2, s8  }
0x53: {  	s5 =	sadd.s32 $0x80, s5;
	s4 =	smov.u32 s9;
	s28 =	sadd.s32 $0x2, s9  }
0x54: {  	p0 =	slt.u32 s9, $0x4E;
	v3 =	vmul.f32 v2, v3;
	v4 =	vmul.f32 v4, v2  }
0x55: {  	v1 =	vmul.f32 v1, v2;
	v5 =	vmul.f32 v5, v2  }
0x56: {  	[tilespmem:s7+$0x0] =	vst v3  }
0x57: {  	s9 =	sadd.s32 s4, s31;
	[tilespmem:s7+$0x30] =	vst v1  }
0x58: {  	s4 =	sand.u32 $0x6, s4;
	s9 =	sand.u32 $0xFFF8, s9;
	v1 =	vld [tilespmem:s5+$0xFFFFFFE0];
	[tilespmem:s7+$0x10] =	vst v4  }
0x59: {  	s4 =	sor.u32 s4, s9;
	v2 =	vld [tilespmem:s5+$0xFFFFFFF0];
	[tilespmem:s7+$0x20] =	vst v5;
	s7 =	smov.u32 s5  }
0x5a: {  	v3 =	vld.msk [tilespmem:s4+$0x9C50 ss:$0x0], $0xffff  }
0x5b: {  	v4 =	vld [tilespmem:s5+$0xFFFFFFC0]  }
0x5c: {  	v5 =	vld [tilespmem:s5+$0xFFFFFFD0];
	_ =	sdelay $0x3  }
0x5d: {  	v2 =	vmul.f32 v2, v3;
	v4 =	vmul.f32 v3, v4  }
0x5e: {  	v5 =	vmul.f32 v5, v3;
	v3 =	vmul.f32 v1, v3  }
0x5f: {  	[tilespmem:s5+$0xFFFFFFF0] =	vst v2  }
0x60: {  	[tilespmem:s5+$0xFFFFFFC0] =	vst v4  }
.Ltmp1:
0x61: {  	[tilespmem:s5+$0xFFFFFFD0] =	vst v5;
	v1 =	vld [tilespmem:s5+$0x30];
	(pc) =	sbr.rel @p0 .LBB2_5-.Ltmp1, $4  }
0x62: {  	[tilespmem:s5+$0xFFFFFFE0] =	vst v3;
	v3 =	vld [tilespmem:s5+$0x0]  }
0x63: {  	v2 =	vld.msk [tilespmem:s8+$0x0 ss:$0x0], $0xffff  }
0x64: {  	v4 =	vld [tilespmem:s5+$0x10]  }
0x65: {  	s9 =	smov.u32 s28;
	v5 =	vld [tilespmem:s5+$0x20]  }
0x66: {  	_ =	sdelay $0x1  }
0x67: {  	v3 =	vmul.f32 v2, v3  }
0x68: {  	v1 =	vmul.f32 v1, v2  }
0x69: {  	v4 =	vmul.f32 v4, v2;
	[tilespmem:s7+$0x0] =	vst v3  }
0x6a: {  	v2 =	vmul.f32 v5, v2;
	[tilespmem:s7+$0x30] =	vst v1  }
0x6b: {  	p0 =	seq.s32 s1, $0x0;
	[tilespmem:s7+$0x10] =	vst v4  }
0x6c: {  	s4 =	simm.s32 @!p0 $0x6;
	[tilespmem:s7+$0x20] =	vst v2  }
0x6d: {  	s9 =	smul.u32 $0x3C0, s1;
	_ =	swait.ge @!p0 [sflag:s4], $0x1400  }
0x6e: {  	[sflag:s4] =	ssyncset.done @!p0 $0x0  }
0x6f: {  	s5 =	sadd.s32 $0xA0, s6;
	s6 =	sshra.s32 s9, $0x2;
	[sflag:s4] =	ssyncadd.s32 @!p0 $0xFFFFEC00  }
0x70: {  	[tilespmem:s20], [sflag:$0x3] =	stream.indirect.gather [hbm4b:s2+s19], $0x40, s5, s19, $0xb8;
	[tilespmem:$0x1C480] =	vst v63  }
0x71: {  	s4 =	sadd.s32 $0x4E30, s6  }
0x72: {  	[spmem:s3] =	stream.indirect.scatter.add.f32 [tilespmem:s16], [sflag:$0x4], $0x40, s4, s19, $0xb8;
	[tilespmem:$0x1C480] =	vst v63  }
0x73: {  	s8 =	sadd.s32 $0x0, s12;
	_ =	swait.ge [sflag:s21], $0x1400  }
0x74: {  	s14 =	simm.s32 $0x0;
	s8 =	sand.u32 $0x3FFF8, s8;
	[sflag:s21] =	ssyncset.done $0x0  }
0x75: {  	s7 =	simm.s32 $0xFEF0;
	s4 =	sand.u32 $0x6, s14;
	[sflag:s21] =	ssyncadd.s32 $0xFFFFEC00  }
0x76: {  	s4 =	sor.u32 s4, s8;
	v1 =	vld [tilespmem:s7+$0xFFFFFFC0]  }
0x77: {  	v2 =	vld.msk [tilespmem:s4+$0x9C50 ss:$0x0], $0xffff  }
0x78: {  	v3 =	vld [tilespmem:s7+$0xFFFFFF90]  }
0x79: {  	v4 =	vld [tilespmem:s7+$0xFFFFFFA0]  }
0x7a: {  	v5 =	vld [tilespmem:s7+$0xFFFFFFB0];
	_ =	sdelay $0x1  }
0x7b: {  	v1 =	vmul.f32 v1, v2  }
0x7c: {  	v3 =	vmul.f32 v2, v3  }
0x7d: {  	v4 =	vmul.f32 v4, v2;
	[tilespmem:s7+$0xFFFFFFC0] =	vst v1  }
0x7e: {  	v2 =	vmul.f32 v5, v2;
	v5 =	vld [tilespmem:s7+$0x0];
	[tilespmem:s7+$0xFFFFFF90] =	vst v3  }
0x7f: {  	[tilespmem:s7+$0xFFFFFFA0] =	vst v4;
	v3 =	vld [tilespmem:s7+$0xFFFFFFD0]  }
0x80: {  	s15 =	smul.u32 $0x3, s1;
	[tilespmem:s7+$0xFFFFFFB0] =	vst v2;
	v4 =	vld [tilespmem:s7+$0xFFFFFFE0]  }
0x81: {  	s28 =	smov.u32 s10;
	v2 =	vld.msk [tilespmem:s10+$0x0 ss:$0x0], $0xffff  }
0x82: {  	s9 =	simm.s32 $0xFEF0;
	s8 =	sadd.s32 $0x1, s15;
	s4 =	simm.s32 $0x2;
	v1 =	vld [tilespmem:s7+$0xFFFFFFF0]  }
.LBB2_7:
0x83: {  	_ = 	snop  }
0x84: {  	s28 =	sadd.s32 $0x2, s28  }
0x85: {  	s7 =	sadd.s32 $0x80, s7;
	s14 =	smov.u32 s4;
	s15 =	sadd.s32 $0x2, s4  }
0x86: {  	p0 =	slt.u32 s4, $0x4E;
	v3 =	vmul.f32 v2, v3;
	v4 =	vmul.f32 v4, v2  }
0x87: {  	v1 =	vmul.f32 v1, v2;
	v2 =	vmul.f32 v5, v2  }
0x88: {  	[tilespmem:s9+$0xFFFFFFD0] =	vst v3  }
0x89: {  	s4 =	sadd.s32 s14, s12;
	[tilespmem:s9+$0x0] =	vst v2  }
0x8a: {  	s14 =	sand.u32 $0x6, s14;
	s4 =	sand.u32 $0x3FFF8, s4;
	v2 =	vld [tilespmem:s7+$0xFFFFFFB0];
	[tilespmem:s9+$0xFFFFFFE0] =	vst v4  }
0x8b: {  	s4 =	sor.u32 s14, s4;
	v3 =	vld [tilespmem:s7+$0xFFFFFFC0];
	[tilespmem:s9+$0xFFFFFFF0] =	vst v1;
	s9 =	smov.u32 s7  }
0x8c: {  	v1 =	vld.msk [tilespmem:s4+$0x9C50 ss:$0x0], $0xffff  }
0x8d: {  	v4 =	vld [tilespmem:s7+$0xFFFFFF90]  }
0x8e: {  	v5 =	vld [tilespmem:s7+$0xFFFFFFA0];
	_ =	sdelay $0x3  }
0x8f: {  	v3 =	vmul.f32 v3, v1;
	v4 =	vmul.f32 v1, v4  }
0x90: {  	v2 =	vmul.f32 v2, v1;
	v5 =	vmul.f32 v5, v1  }
0x91: {  	[tilespmem:s7+$0xFFFFFFC0] =	vst v3  }
0x92: {  	[tilespmem:s7+$0xFFFFFF90] =	vst v4  }
.Ltmp2:
0x93: {  	[tilespmem:s7+$0xFFFFFFA0] =	vst v5;
	v1 =	vld [tilespmem:s7+$0xFFFFFFF0];
	(pc) =	sbr.rel @p0 .LBB2_7-.Ltmp2, $4  }
0x94: {  	[tilespmem:s7+$0xFFFFFFB0] =	vst v2;
	v3 =	vld [tilespmem:s7+$0xFFFFFFD0]  }
0x95: {  	v2 =	vld.msk [tilespmem:s28+$0x0 ss:$0x0], $0xffff  }
0x96: {  	v4 =	vld [tilespmem:s7+$0xFFFFFFE0]  }
0x97: {  	s4 =	smov.u32 s15;
	v5 =	vld [tilespmem:s7+$0x0]  }
0x98: {  	_ =	sdelay $0x1  }
0x99: {  	v3 =	vmul.f32 v2, v3  }
0x9a: {  	v1 =	vmul.f32 v1, v2  }
0x9b: {  	v4 =	vmul.f32 v4, v2;
	[tilespmem:s9+$0xFFFFFFD0] =	vst v3  }
0x9c: {  	v5 =	vmul.f32 v5, v2;
	[tilespmem:s9+$0xFFFFFFF0] =	vst v1  }
0x9d: {  	[tilespmem:s9+$0xFFFFFFE0] =	vst v4  }
0x9e: {  	[tilespmem:s9+$0x0] =	vst v5  }
0x9f: {  	s7 =	smul.u32 $0x140, s8;
	_ =	swait.ge [sflag:s22], $0x1400  }
0xa0: {  	[sflag:s22] =	ssyncset.done $0x0  }
0xa1: {  	s4 =	sadd.s32 $0xF0, s6;
	s14 =	sshra.s32 s7, $0x2;
	[sflag:s22] =	ssyncadd.s32 $0xFFFFEC00  }
0xa2: {  	[tilespmem:s16], [sflag:$0x1] =	stream.indirect.gather [hbm4b:s2+s19], $0x40, s4, s19, $0xb8;
	[tilespmem:$0x1C480] =	vst v63  }
0xa3: {  	s4 =	sadd.s32 $0x4E30, s14  }
0xa4: {  	[spmem:s3] =	stream.indirect.scatter.add.f32 [tilespmem:s17], [sflag:$0x5], $0x40, s4, s19, $0xb8;
	[tilespmem:$0x1C480] =	vst v63  }
0xa5: {  	s28 =	sadd.s32 $0x0, s29;
	_ =	swait.ge [sflag:s23], $0x1400  }
0xa6: {  	s15 =	simm.s32 $0x0;
	s8 =	sand.u32 $0x1FFF8, s28;
	[sflag:s23] =	ssyncset.done $0x0  }
0xa7: {  	s7 =	simm.s32 $0x112F0;
	s4 =	sand.u32 $0x6, s15;
	[sflag:s23] =	ssyncadd.s32 $0xFFFFEC00  }
0xa8: {  	s4 =	sor.u32 s4, s8;
	v1 =	vld [tilespmem:s7+$0xFFFFFFC0]  }
0xa9: {  	v2 =	vld.msk [tilespmem:s4+$0x9C50 ss:$0x0], $0xffff  }
0xaa: {  	v3 =	vld [tilespmem:s7+$0xFFFFFF90]  }
0xab: {  	v4 =	vld [tilespmem:s7+$0xFFFFFFA0]  }
0xac: {  	v5 =	vld [tilespmem:s7+$0xFFFFFFB0];
	_ =	sdelay $0x1  }
0xad: {  	v1 =	vmul.f32 v1, v2  }
0xae: {  	v3 =	vmul.f32 v2, v3  }
0xaf: {  	v4 =	vmul.f32 v4, v2;
	[tilespmem:s7+$0xFFFFFFC0] =	vst v1  }
0xb0: {  	v2 =	vmul.f32 v5, v2;
	v5 =	vld [tilespmem:s7+$0x0];
	[tilespmem:s7+$0xFFFFFF90] =	vst v3  }
0xb1: {  	[tilespmem:s7+$0xFFFFFFA0] =	vst v4;
	v3 =	vld [tilespmem:s7+$0xFFFFFFD0]  }
0xb2: {  	[tilespmem:s7+$0xFFFFFFB0] =	vst v2;
	v4 =	vld [tilespmem:s7+$0xFFFFFFE0]  }
0xb3: {  	v2 =	vld.msk [tilespmem:s30+$0x0 ss:$0x0], $0xffff  }
0xb4: {  	s9 =	smov.u32 s30;
	s8 =	simm.s32 $0x112F0;
	s4 =	simm.s32 $0x2;
	v1 =	vld [tilespmem:s7+$0xFFFFFFF0]  }
.LBB2_9:
0xb5: {  	_ = 	snop  }
0xb6: {  	s9 =	sadd.s32 $0x2, s9  }
0xb7: {  	s7 =	sadd.s32 $0x80, s7;
	s14 =	smov.u32 s4;
	s15 =	sadd.s32 $0x2, s4  }
0xb8: {  	p0 =	slt.u32 s4, $0x4E;
	v3 =	vmul.f32 v2, v3;
	v4 =	vmul.f32 v4, v2  }
0xb9: {  	v1 =	vmul.f32 v1, v2;
	v2 =	vmul.f32 v5, v2  }
0xba: {  	[tilespmem:s8+$0xFFFFFFD0] =	vst v3  }
0xbb: {  	s4 =	sadd.s32 s14, s29;
	[tilespmem:s8+$0x0] =	vst v2  }
0xbc: {  	s14 =	sand.u32 $0x6, s14;
	s4 =	sand.u32 $0x1FFF8, s4;
	v2 =	vld [tilespmem:s7+$0xFFFFFFB0];
	[tilespmem:s8+$0xFFFFFFE0] =	vst v4  }
0xbd: {  	s4 =	sor.u32 s14, s4;
	v3 =	vld [tilespmem:s7+$0xFFFFFFC0];
	[tilespmem:s8+$0xFFFFFFF0] =	vst v1;
	s8 =	smov.u32 s7  }
0xbe: {  	v1 =	vld.msk [tilespmem:s4+$0x9C50 ss:$0x0], $0xffff  }
0xbf: {  	v4 =	vld [tilespmem:s7+$0xFFFFFF90]  }
0xc0: {  	v5 =	vld [tilespmem:s7+$0xFFFFFFA0];
	_ =	sdelay $0x3  }
0xc1: {  	v3 =	vmul.f32 v3, v1;
	v4 =	vmul.f32 v1, v4  }
0xc2: {  	v2 =	vmul.f32 v2, v1;
	v5 =	vmul.f32 v5, v1  }
0xc3: {  	[tilespmem:s7+$0xFFFFFFC0] =	vst v3  }
0xc4: {  	[tilespmem:s7+$0xFFFFFF90] =	vst v4  }
.Ltmp3:
0xc5: {  	[tilespmem:s7+$0xFFFFFFA0] =	vst v5;
	v1 =	vld [tilespmem:s7+$0xFFFFFFF0];
	(pc) =	sbr.rel @p0 .LBB2_9-.Ltmp3, $4  }
0xc6: {  	[tilespmem:s7+$0xFFFFFFB0] =	vst v2;
	v3 =	vld [tilespmem:s7+$0xFFFFFFD0]  }
0xc7: {  	v2 =	vld.msk [tilespmem:s9+$0x0 ss:$0x0], $0xffff  }
0xc8: {  	v4 =	vld [tilespmem:s7+$0xFFFFFFE0]  }
0xc9: {  	s4 =	smov.u32 s15;
	v5 =	vld [tilespmem:s7+$0x0]  }
0xca: {  	_ =	sdelay $0x1  }
0xcb: {  	v3 =	vmul.f32 v2, v3  }
0xcc: {  	v1 =	vmul.f32 v1, v2  }
0xcd: {  	v4 =	vmul.f32 v4, v2;
	[tilespmem:s8+$0xFFFFFFD0] =	vst v3  }
0xce: {  	v5 =	vmul.f32 v5, v2;
	[tilespmem:s8+$0xFFFFFFF0] =	vst v1  }
0xcf: {  	[tilespmem:s8+$0xFFFFFFE0] =	vst v4  }
0xd0: {  	s4 =	sadd.s32 $0x140, s6;
	s1 =	sadd.s32 $0x1, s1;
	[tilespmem:s8+$0x0] =	vst v5  }
0xd1: {  	s28 =	sadd.s32 $0x4E30, s5;
	p0 =	sne.s32 s1, $0x52;
	_ =	swait.ge [sflag:s24], $0x1400  }
.Ltmp4:
0xd2: {  	s31 =	sadd.s32 $0xF0, s31;
	[sflag:s24] =	ssyncset.done $0x0;
	(pc) =	sbr.rel @p0 .LBB2_4-.Ltmp4, $4  }
0xd3: {  	s26 =	sadd.s32 $0xF0, s26;
	s12 =	sadd.s32 $0xF0, s12;
	[sflag:s24] =	ssyncadd.s32 $0xFFFFEC00  }
0xd4: {  	[tilespmem:s17], [sflag:$0x2] =	stream.indirect.gather [hbm4b:s2+s19], $0x40, s4, s19, $0xb8;
	[tilespmem:$0x1C480] =	vst v63  }
0xd5: {  	s10 =	sadd.s32 $0xF0, s10;
	s29 =	sadd.s32 $0xF0, s29;
	s30 =	sadd.s32 $0xF0, s30  }
0xd6: {  	[spmem:s3] =	stream.indirect.scatter.add.f32 [tilespmem:s20], [sflag:$0x6], $0x40, s28, s19, $0xb8;
	[tilespmem:$0x1C480] =	vst v63  }
0xd7: {  	_ =	swait.ge [sflag:s18], $0x1400  }
0xd8: {  	s1 =	simm.s32 $0x0;
	[sflag:s18] =	ssyncset.done $0x0  }
0xd9: {  	s4 =	sand.u32 $0x7E, s1;
	[sflag:s18] =	ssyncadd.s32 $0xFFFFEC00  }
0xda: {  	s5 =	simm.s32 $0xEAC0;
	v1 =	vld.msk [tilespmem:s4+$0xE930 ss:$0x0], $0xffff  }
0xdb: {  	v2 =	vld [tilespmem:s5+$0xFFFFFFC0]  }
0xdc: {  	v3 =	vld [tilespmem:s5+$0xFFFFFFF0]  }
0xdd: {  	v4 =	vld [tilespmem:s5+$0xFFFFFFE0]  }
0xde: {  	v5 =	vld [tilespmem:s5+$0xFFFFFFD0];
	_ =	sdelay $0x1  }
0xdf: {  	v2 =	vmul.f32 v1, v2  }
0xe0: {  	v3 =	vmul.f32 v3, v1  }
0xe1: {  	v4 =	vmul.f32 v4, v1;
	[tilespmem:s5+$0xFFFFFFC0] =	vst v2  }
0xe2: {  	v1 =	vmul.f32 v5, v1;
	[tilespmem:s5+$0xFFFFFFF0] =	vst v3  }
0xe3: {  	v62 =	vld [tilespmem:s5+$0x10];
	[tilespmem:s5+$0xFFFFFFE0] =	vst v4  }
0xe4: {  	s6 =	simm.s32 $0xE931;
	[tilespmem:s5+$0xFFFFFFD0] =	vst v1;
	v1 =	vld [tilespmem:s5+$0x0]  }
0xe5: {  	v2 =	vld.msk [tilespmem:s6+$0x0 ss:$0x0], $0xffff  }
0xe6: {  	v3 =	vld [tilespmem:s5+$0x30]  }
0xe7: {  	v63 =	vld [tilespmem:s5+$0x20];
	_ =	sdelay $0x2  }
0xe8: {  	v1 =	vmul.f32 v2, v1  }
0xe9: {  	v3 =	vmul.f32 v3, v2  }
0xea: {  	[tilespmem:s5+$0x0] =	vst v1;
	v1 =	vmul.f32 v62, v2;
	v2 =	vmul.f32 v63, v2  }
0xeb: {  	s7 =	simm.s32 $0xEB40;
	[tilespmem:s5+$0x30] =	vst v3  }
.LBB2_12:
0xec: {  	s1 =	sadd.s32 $0x2, s1;
	v3 =	vld [tilespmem:s7+$0xFFFFFFF0];
	[tilespmem:s5+$0x20] =	vst v2;
	s6 =	sadd.s32 $0x2, s6  }
0xed: {  	s4 =	sand.u32 $0x7E, s1;
	v2 =	vld [tilespmem:s7+$0xFFFFFFD0];
	p0 =	slt.u32 s1, $0x4E;
	[tilespmem:s5+$0x10] =	vst v1;
	s5 =	smov.u32 s7  }
0xee: {  	v1 =	vld.msk [tilespmem:s4+$0xE930 ss:$0x0], $0xffff  }
0xef: {  	v4 =	vld [tilespmem:s7+$0xFFFFFFC0]  }
0xf0: {  	v5 =	vld [tilespmem:s7+$0xFFFFFFE0];
	_ =	sdelay $0x3  }
0xf1: {  	v2 =	vmul.f32 v2, v1;
	v4 =	vmul.f32 v1, v4  }
0xf2: {  	v5 =	vmul.f32 v5, v1;
	v1 =	vmul.f32 v3, v1  }
0xf3: {  	[tilespmem:s7+$0xFFFFFFC0] =	vst v4  }
0xf4: {  	[tilespmem:s7+$0xFFFFFFF0] =	vst v1  }
0xf5: {  	[tilespmem:s7+$0xFFFFFFE0] =	vst v5;
	v3 =	vld [tilespmem:s7+$0x30]  }
0xf6: {  	[tilespmem:s7+$0xFFFFFFD0] =	vst v2;
	v1 =	vld [tilespmem:s7+$0x0]  }
0xf7: {  	v4 =	vld.msk [tilespmem:s6+$0x0 ss:$0x0], $0xffff  }
0xf8: {  	v2 =	vld [tilespmem:s7+$0x10]  }
0xf9: {  	v5 =	vld [tilespmem:s7+$0x20];
	_ =	sdelay $0x2  }
.Ltmp5:
0xfa: {  	(pc) =	sbr.rel @p0 .LBB2_12-.Ltmp5, $4  }
0xfb: {  	v6 =	vmul.f32 v4, v1;
	v1 =	vmul.f32 v2, v4  }
0xfc: {  	v3 =	vmul.f32 v3, v4;
	v2 =	vmul.f32 v5, v4  }
0xfd: {  	[tilespmem:s7+$0x0] =	vst v6  }
0xfe: {  	s7 =	sadd.s32 $0x80, s7;
	[tilespmem:s5+$0x30] =	vst v3  }
0xff: {  	[tilespmem:s5+$0x20] =	vst v2  }
0x100: {  	[tilespmem:s5+$0x10] =	vst v1  }
0x101: {  	_ =	swait.ge [sflag:s25], $0x1400  }
0x102: {  	[sflag:s25] =	ssyncset.done $0x0  }
0x103: {  	s1 =	simm.s32 $0x4D80;
	[sflag:s25] =	ssyncadd.s32 $0xFFFFEC00  }
0x104: {  	[tilespmem:s20], [sflag:$0x3] =	stream.indirect.gather [hbm4b:s2+s19], $0x40, s1, s19, $0xb8;
	[tilespmem:$0x1C480] =	vst v63  }
0x105: {  	s31 =	simm.s32 $0x9B10  }
0x106: {  	[spmem:s3] =	stream.indirect.scatter.add.f32 [tilespmem:s16], [sflag:$0x4], $0x40, s31, s19, $0xb8;
	[tilespmem:$0x1C480] =	vst v63  }
0x107: {  	_ =	swait.ge [sflag:s21], $0x1400  }
0x108: {  	s5 =	simm.s32 $0x0;
	[sflag:s21] =	ssyncset.done $0x0  }
0x109: {  	s4 =	sand.u32 $0x7E, s5;
	s1 =	simm.s32 $0xFEF0;
	[sflag:s21] =	ssyncadd.s32 $0xFFFFEC00  }
0x10a: {  	s4 =	sor.u32 $0xE980, s4;
	v1 =	vld [tilespmem:s1+$0xFFFFFFA0]  }
0x10b: {  	v2 =	vld.msk [tilespmem:s4+$0x0 ss:$0x0], $0xffff  }
0x10c: {  	v3 =	vld [tilespmem:s1+$0xFFFFFF90]  }
0x10d: {  	v4 =	vld [tilespmem:s1+$0xFFFFFFB0]  }
0x10e: {  	v5 =	vld [tilespmem:s1+$0xFFFFFFC0];
	_ =	sdelay $0x1  }
0x10f: {  	v1 =	vmul.f32 v1, v2  }
0x110: {  	v3 =	vmul.f32 v2, v3  }
0x111: {  	v4 =	vmul.f32 v4, v2;
	[tilespmem:s1+$0xFFFFFFA0] =	vst v1  }
0x112: {  	v1 =	vmul.f32 v5, v2;
	[tilespmem:s1+$0xFFFFFF90] =	vst v3  }
0x113: {  	[tilespmem:s1+$0xFFFFFFB0] =	vst v4;
	v2 =	vld [tilespmem:s1+$0xFFFFFFF0]  }
0x114: {  	s6 =	simm.s32 $0xE981;
	[tilespmem:s1+$0xFFFFFFC0] =	vst v1;
	v1 =	vld [tilespmem:s1+$0xFFFFFFD0]  }
0x115: {  	v4 =	vld.msk [tilespmem:s6+$0x0 ss:$0x0], $0xffff  }
0x116: {  	v3 =	vld [tilespmem:s1+$0xFFFFFFE0]  }
0x117: {  	v5 =	vld [tilespmem:s1+$0x0];
	_ =	sdelay $0x2  }
0x118: {  	v6 =	vmul.f32 v4, v1  }
0x119: {  	v3 =	vmul.f32 v3, v4  }
0x11a: {  	s7 =	simm.s32 $0xFEF0;
	v2 =	vmul.f32 v2, v4;
	v1 =	vmul.f32 v5, v4;
	[tilespmem:s1+$0xFFFFFFD0] =	vst v6  }
.LBB2_14:
0x11b: {  	s5 =	sadd.s32 $0x2, s5;
	[tilespmem:s1+$0xFFFFFFE0] =	vst v3;
	s6 =	sadd.s32 $0x2, s6;
	s7 =	sadd.s32 $0x80, s7  }
0x11c: {  	s4 =	sand.u32 $0x7E, s5;
	v3 =	vld [tilespmem:s7+$0xFFFFFFC0];
	p0 =	slt.u32 s5, $0x4E;
	[tilespmem:s1+$0xFFFFFFF0] =	vst v2  }
0x11d: {  	s4 =	sor.u32 $0xE980, s4;
	v2 =	vld [tilespmem:s7+$0xFFFFFFA0];
	[tilespmem:s1+$0x0] =	vst v1;
	s1 =	smov.u32 s7  }
0x11e: {  	v1 =	vld.msk [tilespmem:s4+$0x0 ss:$0x0], $0xffff  }
0x11f: {  	v4 =	vld [tilespmem:s7+$0xFFFFFF90]  }
0x120: {  	v5 =	vld [tilespmem:s7+$0xFFFFFFB0];
	_ =	sdelay $0x3  }
0x121: {  	v2 =	vmul.f32 v2, v1;
	v4 =	vmul.f32 v1, v4  }
0x122: {  	v5 =	vmul.f32 v5, v1;
	v1 =	vmul.f32 v3, v1  }
0x123: {  	[tilespmem:s7+$0xFFFFFFA0] =	vst v2  }
0x124: {  	[tilespmem:s7+$0xFFFFFF90] =	vst v4  }
0x125: {  	[tilespmem:s7+$0xFFFFFFB0] =	vst v5;
	v2 =	vld [tilespmem:s7+$0xFFFFFFF0]  }
0x126: {  	[tilespmem:s7+$0xFFFFFFC0] =	vst v1;
	v1 =	vld [tilespmem:s7+$0xFFFFFFD0]  }
0x127: {  	v4 =	vld.msk [tilespmem:s6+$0x0 ss:$0x0], $0xffff  }
0x128: {  	v3 =	vld [tilespmem:s7+$0xFFFFFFE0]  }
0x129: {  	v5 =	vld [tilespmem:s7+$0x0];
	_ =	sdelay $0x1  }
.Ltmp6:
0x12a: {  	(pc) =	sbr.rel @p0 .LBB2_14-.Ltmp6, $4  }
0x12b: {  	_ = 	snop  }
0x12c: {  	v6 =	vmul.f32 v4, v1;
	v3 =	vmul.f32 v3, v4  }
0x12d: {  	v2 =	vmul.f32 v2, v4;
	v1 =	vmul.f32 v5, v4  }
0x12e: {  	[tilespmem:s7+$0xFFFFFFD0] =	vst v6  }
0x12f: {  	[tilespmem:s1+$0xFFFFFFE0] =	vst v3  }
0x130: {  	[tilespmem:s1+$0xFFFFFFF0] =	vst v2  }
0x131: {  	[tilespmem:s1+$0x0] =	vst v1  }
0x132: {  	_ =	swait.ge [sflag:s22], $0x1400  }
0x133: {  	[sflag:s22] =	ssyncset.done $0x0  }
0x134: {  	s30 =	simm.s32 $0x4DD0;
	[sflag:s22] =	ssyncadd.s32 $0xFFFFEC00  }
0x135: {  	[tilespmem:s16], [sflag:$0x1] =	stream.indirect.gather [hbm4b:s2+s19], $0x40, s30, s19, $0xb8;
	[tilespmem:$0x1C480] =	vst v63  }
0x136: {  	s31 =	simm.s32 $0x9B60  }
0x137: {  	[spmem:s3] =	stream.indirect.scatter.add.f32 [tilespmem:s17], [sflag:$0x5], $0x40, s31, s19, $0xb8;
	[tilespmem:$0x1C480] =	vst v63  }
0x138: {  	_ =	swait.ge [sflag:s23], $0x1400  }
0x139: {  	s1 =	simm.s32 $0x0;
	[sflag:s23] =	ssyncset.done $0x0  }
0x13a: {  	s4 =	sand.u32 $0x7E, s1;
	[sflag:s23] =	ssyncadd.s32 $0xFFFFEC00  }
0x13b: {  	s5 =	simm.s32 $0x112F0;
	v1 =	vld.msk [tilespmem:s4+$0xE9D0 ss:$0x0], $0xffff  }
0x13c: {  	v2 =	vld [tilespmem:s5+$0xFFFFFF90]  }
0x13d: {  	v3 =	vld [tilespmem:s5+$0xFFFFFFC0]  }
0x13e: {  	v4 =	vld [tilespmem:s5+$0xFFFFFFB0]  }
0x13f: {  	v5 =	vld [tilespmem:s5+$0xFFFFFFA0];
	_ =	sdelay $0x1  }
0x140: {  	v2 =	vmul.f32 v1, v2  }
0x141: {  	v3 =	vmul.f32 v3, v1  }
0x142: {  	v4 =	vmul.f32 v4, v1;
	[tilespmem:s5+$0xFFFFFF90] =	vst v2  }
0x143: {  	v1 =	vmul.f32 v5, v1;
	[tilespmem:s5+$0xFFFFFFC0] =	vst v3  }
0x144: {  	v62 =	vld [tilespmem:s5+$0xFFFFFFF0];
	[tilespmem:s5+$0xFFFFFFB0] =	vst v4  }
0x145: {  	s6 =	simm.s32 $0xE9D1;
	[tilespmem:s5+$0xFFFFFFA0] =	vst v1;
	v1 =	vld [tilespmem:s5+$0xFFFFFFD0]  }
0x146: {  	v2 =	vld.msk [tilespmem:s6+$0x0 ss:$0x0], $0xffff  }
0x147: {  	v3 =	vld [tilespmem:s5+$0x0]  }
0x148: {  	v63 =	vld [tilespmem:s5+$0xFFFFFFE0];
	_ =	sdelay $0x2  }
0x149: {  	v1 =	vmul.f32 v2, v1  }
0x14a: {  	v3 =	vmul.f32 v3, v2  }
0x14b: {  	[tilespmem:s5+$0xFFFFFFD0] =	vst v1;
	v1 =	vmul.f32 v63, v2;
	v2 =	vmul.f32 v62, v2  }
0x14c: {  	s7 =	simm.s32 $0x11370;
	[tilespmem:s5+$0x0] =	vst v3  }
.LBB2_16:
0x14d: {  	s1 =	sadd.s32 $0x2, s1;
	v3 =	vld [tilespmem:s7+$0xFFFFFFC0];
	[tilespmem:s5+$0xFFFFFFF0] =	vst v2;
	s6 =	sadd.s32 $0x2, s6  }
0x14e: {  	s4 =	sand.u32 $0x7E, s1;
	v2 =	vld [tilespmem:s7+$0xFFFFFFA0];
	p0 =	slt.u32 s1, $0x4E;
	[tilespmem:s5+$0xFFFFFFE0] =	vst v1;
	s5 =	smov.u32 s7  }
0x14f: {  	v1 =	vld.msk [tilespmem:s4+$0xE9D0 ss:$0x0], $0xffff  }
0x150: {  	v4 =	vld [tilespmem:s7+$0xFFFFFF90]  }
0x151: {  	v5 =	vld [tilespmem:s7+$0xFFFFFFB0];
	_ =	sdelay $0x3  }
0x152: {  	v2 =	vmul.f32 v2, v1;
	v4 =	vmul.f32 v1, v4  }
0x153: {  	v5 =	vmul.f32 v5, v1;
	v1 =	vmul.f32 v3, v1  }
0x154: {  	[tilespmem:s7+$0xFFFFFF90] =	vst v4  }
0x155: {  	[tilespmem:s7+$0xFFFFFFC0] =	vst v1  }
0x156: {  	[tilespmem:s7+$0xFFFFFFB0] =	vst v5;
	v3 =	vld [tilespmem:s7+$0xFFFFFFF0]  }
0x157: {  	[tilespmem:s7+$0xFFFFFFA0] =	vst v2;
	v1 =	vld [tilespmem:s7+$0xFFFFFFD0]  }
0x158: {  	v4 =	vld.msk [tilespmem:s6+$0x0 ss:$0x0], $0xffff  }
0x159: {  	v2 =	vld [tilespmem:s7+$0xFFFFFFE0]  }
0x15a: {  	v5 =	vld [tilespmem:s7+$0x0];
	_ =	sdelay $0x2  }
.Ltmp7:
0x15b: {  	(pc) =	sbr.rel @p0 .LBB2_16-.Ltmp7, $4  }
0x15c: {  	v6 =	vmul.f32 v4, v1;
	v1 =	vmul.f32 v2, v4  }
0x15d: {  	v2 =	vmul.f32 v3, v4;
	v3 =	vmul.f32 v5, v4  }
0x15e: {  	[tilespmem:s7+$0xFFFFFFD0] =	vst v6  }
0x15f: {  	s7 =	sadd.s32 $0x80, s7;
	[tilespmem:s5+$0x0] =	vst v3  }
0x160: {  	[tilespmem:s5+$0xFFFFFFF0] =	vst v2  }
0x161: {  	[tilespmem:s5+$0xFFFFFFE0] =	vst v1  }
0x162: {  	_ =	swait.ge [sflag:s24], $0x1400  }
0x163: {  	[sflag:s24] =	ssyncset.done $0x0  }
0x164: {  	s1 =	simm.s32 $0x9BB0;
	[sflag:s24] =	ssyncadd.s32 $0xFFFFEC00  }
0x165: {  	[spmem:s3] =	stream.indirect.scatter.add.f32 [tilespmem:s20], [sflag:$0x6], $0x40, s1, s19, $0xb8;
	[tilespmem:$0x1C480] =	vst v63  }
0x166: {  	_ =	swait.ge [sflag:s18], $0x1400  }
0x167: {  	s1 =	simm.s32 $0x0;
	[sflag:s18] =	ssyncset.done $0x0  }
0x168: {  	s4 =	sand.u32 $0x7E, s1;
	[sflag:s18] =	ssyncadd.s32 $0xFFFFEC00  }
0x169: {  	s5 =	simm.s32 $0xEAC0;
	v1 =	vld.msk [tilespmem:s4+$0xEA20 ss:$0x0], $0xffff  }
0x16a: {  	v2 =	vld [tilespmem:s5+$0xFFFFFFC0]  }
0x16b: {  	v3 =	vld [tilespmem:s5+$0xFFFFFFF0]  }
0x16c: {  	v4 =	vld [tilespmem:s5+$0xFFFFFFE0]  }
0x16d: {  	v5 =	vld [tilespmem:s5+$0xFFFFFFD0];
	_ =	sdelay $0x1  }
0x16e: {  	v2 =	vmul.f32 v1, v2  }
0x16f: {  	v3 =	vmul.f32 v3, v1  }
0x170: {  	v4 =	vmul.f32 v4, v1;
	[tilespmem:s5+$0xFFFFFFC0] =	vst v2  }
0x171: {  	v1 =	vmul.f32 v5, v1;
	[tilespmem:s5+$0xFFFFFFF0] =	vst v3  }
0x172: {  	v62 =	vld [tilespmem:s5+$0x10];
	[tilespmem:s5+$0xFFFFFFE0] =	vst v4  }
0x173: {  	s6 =	simm.s32 $0xEA21;
	[tilespmem:s5+$0xFFFFFFD0] =	vst v1;
	v1 =	vld [tilespmem:s5+$0x0]  }
0x174: {  	v2 =	vld.msk [tilespmem:s6+$0x0 ss:$0x0], $0xffff  }
0x175: {  	v3 =	vld [tilespmem:s5+$0x30]  }
0x176: {  	v63 =	vld [tilespmem:s5+$0x20];
	_ =	sdelay $0x2  }
0x177: {  	v1 =	vmul.f32 v2, v1  }
0x178: {  	v3 =	vmul.f32 v3, v2  }
0x179: {  	[tilespmem:s5+$0x0] =	vst v1;
	v1 =	vmul.f32 v62, v2;
	v2 =	vmul.f32 v63, v2  }
0x17a: {  	s7 =	simm.s32 $0xEB40;
	[tilespmem:s5+$0x30] =	vst v3  }
.LBB2_18:
0x17b: {  	s1 =	sadd.s32 $0x2, s1;
	v3 =	vld [tilespmem:s7+$0xFFFFFFF0];
	[tilespmem:s5+$0x20] =	vst v2;
	s6 =	sadd.s32 $0x2, s6  }
0x17c: {  	s4 =	sand.u32 $0x7E, s1;
	v2 =	vld [tilespmem:s7+$0xFFFFFFD0];
	p0 =	slt.u32 s1, $0x4E;
	[tilespmem:s5+$0x10] =	vst v1;
	s5 =	smov.u32 s7  }
0x17d: {  	v1 =	vld.msk [tilespmem:s4+$0xEA20 ss:$0x0], $0xffff  }
0x17e: {  	v4 =	vld [tilespmem:s7+$0xFFFFFFC0]  }
0x17f: {  	v5 =	vld [tilespmem:s7+$0xFFFFFFE0];
	_ =	sdelay $0x3  }
0x180: {  	v2 =	vmul.f32 v2, v1;
	v4 =	vmul.f32 v1, v4  }
0x181: {  	v5 =	vmul.f32 v5, v1;
	v1 =	vmul.f32 v3, v1  }
0x182: {  	[tilespmem:s7+$0xFFFFFFC0] =	vst v4  }
0x183: {  	[tilespmem:s7+$0xFFFFFFF0] =	vst v1  }
0x184: {  	[tilespmem:s7+$0xFFFFFFE0] =	vst v5;
	v3 =	vld [tilespmem:s7+$0x30]  }
0x185: {  	[tilespmem:s7+$0xFFFFFFD0] =	vst v2;
	v1 =	vld [tilespmem:s7+$0x0]  }
0x186: {  	v4 =	vld.msk [tilespmem:s6+$0x0 ss:$0x0], $0xffff  }
0x187: {  	v2 =	vld [tilespmem:s7+$0x10]  }
0x188: {  	v5 =	vld [tilespmem:s7+$0x20];
	_ =	sdelay $0x2  }
.Ltmp8:
0x189: {  	(pc) =	sbr.rel @p0 .LBB2_18-.Ltmp8, $4  }
0x18a: {  	v6 =	vmul.f32 v4, v1;
	v1 =	vmul.f32 v2, v4  }
0x18b: {  	v3 =	vmul.f32 v3, v4;
	v2 =	vmul.f32 v5, v4  }
0x18c: {  	[tilespmem:s7+$0x0] =	vst v6  }
0x18d: {  	s7 =	sadd.s32 $0x80, s7;
	[tilespmem:s5+$0x30] =	vst v3  }
0x18e: {  	[tilespmem:s5+$0x20] =	vst v2  }
0x18f: {  	[tilespmem:s5+$0x10] =	vst v1  }
0x190: {  	_ =	swait.ge [sflag:s25], $0x1400  }
0x191: {  	[sflag:s25] =	ssyncset.done $0x0  }
0x192: {  	s1 =	simm.s32 $0x9C00;
	[sflag:s25] =	ssyncadd.s32 $0xFFFFEC00  }
0x193: {  	[spmem:s3] =	stream.indirect.scatter.add.f32 [tilespmem:s16], [sflag:$0x4], $0x40, s1, s19, $0xb8;
	[tilespmem:$0x1C480] =	vst v63  }
0x194: {  	_ =	swait.ge [sflag:s22], $0x1400  }
0x195: {  	[sflag:s22] =	ssyncset.done $0x0  }
0x196: {  	[sflag:s22] =	ssyncadd.s32 $0xFFFFEC00  }
0x197: {  	[bflag:$0x0] =	sbarrier.arrive $0xFFFF  }
0x198: {  	s30 =	rddreg [dreg:$0xa]  }
0x199: {  	s6 =	rddreg [dreg:$0xc]  }
0x19a: {  	s7 =	rddreg [dreg:$0xd]  }
0x19b: {  	[hbm:s30], [sflag:s6] =	dma.local [spmem:s7], $0x13C0  }
0x19c: {  	_ =	swait.ge [sflag:s11], $0x13C0  }
0x19d: {  	s0 =	sadd.s32 $0x1, s0;
	s31 =	rddreg [dreg:$0xb]  }
0x19e: {  	p0 =	sne.s32 s0, s31  }
.Ltmp9:
0x19f: {  	_ = 	snop;
	(pc) =	sbr.rel @p0 .LBB2_1-.Ltmp9, $3  }
0x1a0: {  	_ =	sdelay $0x1  }
0x1a1: {  	[sflag:s11] =	ssyncset.done $0x0  }
0x1a2: {  	[sflag:s11] =	ssyncadd.s32 $0xFFFFEC40  }
0x1a3: {  	_ =	sfence.sel $0x180000  }
0x1a4: {  	[bflag:$0x0] =	sbarrier.arrive $0xFFFF  }
0x1a5: {  	_ =	strace $0x90000047  }
0x1a6: {  	s0 =	stileid.u32;
	[bflag:$0x2] =	sbarrier.arrive $0xFFFF  }
0x1a7: {  	p0 =	sne.s32 s0, $0x0;
	s0 =	rddreg [dreg:$0x5]  }
0x1a8: {  	s0 =	sadd.s32 @!p0 $0x100000, s0  }
0x1a9: {  	[sflag:s0] =	ssyncadd.tile.s32 @!p0 $0x1;
	_ =	shalt  }
.Lfunc_end2:
_tile_overlayer_lowered:
.L_overlay_start_2:
0x1aa: {  	(tag) =	ssettag $0x2  }
0x1ab: {  	s0 =	rddreg [dreg:$0x0];
	s2 =	stileid.u32  }
0x1ac: {  	s1 =	rddreg [dreg:$0x1];
	p0 =	sne.s32 s2, $0x0  }
0x1ad: {  	s3 =	rddreg [dreg:$0x2];
	[bflag:$0x3] =	sbarrier.arrive $0xFFFF;
	s2 =	simm.s32 @!p0 $0x1C07  }
0x1ae: {  	[timem:s3], [sflag:s2] =	dma.local @!p0 [hbm:s0], s1  }
0x1af: {  	s0 =	simm.s32 @!p0 $0x7  }
0x1b0: {  	_ =	swait.ge @!p0 [sflag:s0], s1  }
0x1b1: {  	s1 =	ssub.s32 @!p0 $0x0, s1;
	[sflag:s0] =	ssyncset.done @!p0 $0x0  }
0x1b2: {  	[sflag:s0] =	ssyncadd.s32 @!p0 s1  }
0x1b3: {  	[bflag:$0x3] =	sbarrier.arrive $0xFFFF  }
0x1b4: {  	_ =	shalt  }

</sc_bundles>
